<compile_context>
chip_gen: v7x
topology: tpu7x:2x2x1
jax: 0.10.2.dev20260603
libtpu: 0.0.44.dev20260713+nightly
codegen_flags: <defaults>
</compile_context>

<pallas_src>
import functools

import jax
import jax.numpy as jnp
from jax import lax
from jax.experimental import pallas as pl
from jax.experimental.pallas import tpu as pltpu
from jax.experimental.pallas import tpu_sc as plsc

N = 16 * 512 * 512
NB = 1024
XC = 6.0
HB = 2 * NB
LANES = 16
NC, NS = 2, 16
NW = NC * NS
PER_W = N // 2 // NW
CHUNK = 16384
NLH = LANES * HB



def _bucketize_body(x_ref, t_ref, o_ref):
    x = x_ref[...]
    t = t_ref[...]
    b = jnp.clip(((x + XC) * (NB / (2.0 * XC))).astype(jnp.int32), 0, NB - 1)
    u = jnp.where(t == 1, (NB - 1) - b, NB + b)
    lane = jnp.bitwise_and(lax.broadcasted_iota(jnp.int32, x.shape, 1), 15)
    f = u + lane * HB
    half = x.shape[0] // 2
    packed = jnp.bitwise_or(f[:half, :], f[half:, :] << 16)
    o_ref[...] = packed.reshape(-1)


def _bucketize(x2d, t2d):
    rows, cols = x2d.shape
    grid = 16
    blk = rows // grid
    return pl.pallas_call(
        _bucketize_body,
        grid=(grid,),
        in_specs=[
            pl.BlockSpec((blk, cols), lambda i: (i, 0)),
            pl.BlockSpec((blk, cols), lambda i: (i, 0)),
        ],
        out_specs=pl.BlockSpec((blk * cols // 2,), lambda i: (i,)),
        out_shape=jax.ShapeDtypeStruct((rows * cols // 2,), jnp.int32),
    )(x2d, t2d)



def _sc_hist_body(idx_hbm, out_hbm, buf0_v, buf1_v, hist_v, sem0, sem1):
    wid = lax.axis_index("s") * NC + lax.axis_index("c")
    base = wid * PER_W
    nchunks = PER_W // CHUNK

    zero16 = jnp.zeros((LANES,), jnp.int32)

    def zbody(j, carry):
        hist_v[pl.ds(j * LANES, LANES)] = zero16
        return carry

    lax.fori_loop(0, NLH // LANES, zbody, 0, unroll=8)

    ones = jnp.ones((LANES,), jnp.int32)
    bufs = (buf0_v, buf1_v)
    sems = (sem0, sem1)

    G = 8

    def scat(buf):
        def vbody(j, carry2):
            jbase = j * (LANES * G)
            vals = [buf[pl.ds(jbase + g * LANES, LANES)] for g in range(G)]
            idxs = ([jnp.bitwise_and(v, 0xFFFF) for v in vals]
                    + [lax.shift_right_logical(v, 16) for v in vals])
            for v in idxs:
                plsc.addupdate_scatter(hist_v, [v], ones)
            return carry2
        lax.fori_loop(0, CHUNK // (LANES * G), vbody, 0, unroll=2)

    pending = [None, None]
    pending[0] = pltpu.async_copy(
        idx_hbm.at[pl.ds(base, CHUNK)], bufs[0], sems[0])
    for c in range(nchunks):
        b = c % 2
        pending[b].wait()
        if c + 1 < nchunks:
            nb = (c + 1) % 2
            pending[nb] = pltpu.async_copy(
                idx_hbm.at[pl.ds(base + (c + 1) * CHUNK, CHUNK)],
                bufs[nb], sems[nb])
        scat(bufs[b])

    pltpu.sync_copy(hist_v, out_hbm.at[wid])


@functools.lru_cache(maxsize=1)
def _sc_hist():
    mesh = plsc.VectorSubcoreMesh(
        core_axis_name="c", subcore_axis_name="s", num_cores=NC)
    return pl.kernel(
        _sc_hist_body,
        out_type=jax.ShapeDtypeStruct((NW, NLH), jnp.int32),
        mesh=mesh,
        scratch_types=[
            pltpu.VMEM((CHUNK,), jnp.int32),
            pltpu.VMEM((CHUNK,), jnp.int32),
            pltpu.VMEM((NLH,), jnp.int32),
            pltpu.SemaphoreType.DMA,
            pltpu.SemaphoreType.DMA,
        ],
        compiler_params=pltpu.CompilerParams(needs_layout_passes=False),
    )



def _final_body(h_ref, o_ref):
    h = h_ref[...]
    acc = h[:, 0:HB]
    for l in range(1, LANES):
        acc = acc + h[:, l * HB:(l + 1) * HB]
    hf = jnp.sum(acc, axis=0, keepdims=True).astype(jnp.float32)
    p_tot = jnp.sum(hf[:, :NB])
    n_tot = float(N)

    ii = lax.broadcasted_iota(jnp.int32, (128, 128), 0)
    jj = lax.broadcasted_iota(jnp.int32, (128, 128), 1)
    u_tri = (ii <= jj).astype(jnp.float32)

    total = jnp.float32(0.0)
    carry_c = jnp.float32(0.0)
    carry_p = jnp.float32(0.0)
    for i in range(HB // 128):
        cn = hf[:, i * 128:(i + 1) * 128]
        pin = carry_c + jnp.dot(cn, u_tri, precision=lax.Precision.HIGHEST)
        n_start = n_tot - pin
        n_end = n_start + cn
        uu = (lax.broadcasted_iota(jnp.int32, (1, 128), 1)
              .astype(jnp.float32) + float(i * 128))
        if i < NB // 128:
            qin = carry_p + pin - carry_c
            k_start = p_tot - qin
            k_end = k_start + cn
            xm = -XC + ((float(NB) - 1.0 - uu) + 0.5) * (2.0 * XC / NB)
            val = 1.0 / (1.0 + jnp.exp(xm))
            carry_p = carry_p + jnp.sum(cn)
        else:
            k_start = p_tot - carry_p
            k_end = k_start
            xm = -XC + ((uu - float(NB)) + 0.5) * (2.0 * XC / NB)
            val = 1.0 + 1.0 / (1.0 + jnp.exp(-xm))
        f_start = jnp.where(n_start == 0.0, 0.0,
                            1.0 - (p_tot - k_start) / (p_tot + n_start - k_start))
        f_end = jnp.where(n_end == 0.0, 0.0,
                          1.0 - (p_tot - k_end) / (p_tot + n_end - k_end))
        total = total + jnp.sum(val * (f_end - f_start))
        carry_c = carry_c + jnp.sum(cn)

    o_ref[0, 0] = total


def _finalize(hists):
    return pl.pallas_call(
        _final_body,
        in_specs=[pl.BlockSpec(hists.shape, lambda: (0, 0))],
        out_specs=pl.BlockSpec(memory_space=pltpu.SMEM),
        out_shape=jax.ShapeDtypeStruct((1, 1), jnp.float32),
    )(hists)



def kernel(inputs, targets):
    x2d = inputs.reshape(8192, 512)
    t2d = targets.reshape(8192, 512)
    idx = _bucketize(x2d, t2d)
    hists = _sc_hist()(idx)
    out = _finalize(hists)
    return out[0, 0]

# --- scband reference (transcript-rebuilt; emitter-appended) ---
"""Pipeline reference for scband-lovasz-loss-40827959116508 (READ-ONLY COPY).

The authoritative reference and input builder live on the scoring server;
editing this copy changes nothing except your own understanding.
"""

import jax, jax.numpy as jnp
import numpy as np


def lovasz_grad(gt_sorted):
    # gt_sorted: float32[P], sorted by descending errors
    gts = jnp.sum(gt_sorted)
    intersection = gts - jnp.cumsum(gt_sorted)
    union = gts + jnp.cumsum(1.0 - gt_sorted)
    jaccard = 1.0 - intersection / union
    # jaccard[1:] = jaccard[1:] - jaccard[:-1]
    jaccard = jnp.concatenate([jaccard[:1], jaccard[1:] - jaccard[:-1]])
    return jaccard


def lovasz_hinge_flat(logits, labels):
    signs = 2.0 * labels - 1.0
    errors = 1.0 - logits * signs
    perm = jnp.argsort(-errors)  # descending sort of errors
    errors_sorted = errors[perm]
    gt_sorted = labels[perm]
    grad = lovasz_grad(gt_sorted)
    loss = jnp.dot(jax.nn.relu(errors_sorted), grad)
    return loss


def setup_inputs(seed: int = 0) -> dict:
    key = jax.random.key(seed)
    k1, k2 = jax.random.split(key)
    inputs = jax.random.normal(k1, (16, 1, 512, 512), dtype=jnp.float32)
    targets = jax.random.randint(k2, (16, 1, 512, 512), 0, 2, dtype=jnp.int32)
    return {"inputs": inputs, "targets": targets}


def reference(inputs, targets):
    # forward of LovaszLoss: sigmoid then lovasz_hinge with per_image=False
    probs = jax.nn.sigmoid(inputs)
    logits = probs.reshape(-1)
    labels = targets.reshape(-1).astype(jnp.float32)
    return lovasz_hinge_flat(logits, labels)

if __name__ == "__main__":
    import jax
    _d = setup_inputs()
    print(jax.jit(kernel)(*tuple(_d.values())))

</pallas_src>

<mosaic_0001>
#map = affine_map<(d0, d1) -> (0)>
#map1 = affine_map<(d0, d1) -> (0, 0)>
module attributes {stable_mosaic.version = 14 : i64} {
  func.func @_sc_hist_body(%arg0: i32, %arg1: i32, %arg2: memref<2097152xi32, #tpu.memory_space<hbm>>, %arg3: memref<32x32768xi32, #tpu.memory_space<hbm>>, %arg4: memref<16384xi32, #tpu.memory_space<vmem>>, %arg5: memref<16384xi32, #tpu.memory_space<vmem>>, %arg6: memref<32768xi32, #tpu.memory_space<vmem>>, %arg7: memref<!tpu.dma_semaphore, #tpu.memory_space<semaphore_mem>>, %arg8: memref<!tpu.dma_semaphore, #tpu.memory_space<semaphore_mem>>) attributes {dimension_semantics = [#tpu.dimension_semantics<core_parallel>, #tpu.dimension_semantics<subcore_parallel>], iteration_bounds = array<i64: 2, 16>, scalar_prefetch = 0 : i64, scratch_operands = 5 : i64, tpu.core_type = #tpu.core_type<sc_vector_subcore>, window_params = [{transform_indices = #map}, {transform_indices = #map1}]} {
    %mul3A = arith.constant 2 : i32
    %mul3A_0 = arith.muli %arg1, %mul3A : i32
    %add3A = arith.addi %mul3A_0, %arg0 : i32
    %mul3A_1 = arith.constant 65536 : i32
    %mul3A_2 = arith.muli %add3A, %mul3A_1 : i32
    %broadcast_in_dim3A = arith.constant 0 : i32
    %broadcast_in_dim3A_3 = vector.broadcast %broadcast_in_dim3A : i32 to vector<16xi32>
    %scan3A = arith.constant 0 : i32
    %scan3A_4 = arith.constant 0 : i32
    %scan3A_5 = arith.constant 2048 : i32
    %scan3A_6 = arith.addi %scan3A_4, %scan3A_5 : i32
    %scan3A_7 = arith.constant 8 : i32
    scf.for %scan3A_55 = %scan3A_4 to %scan3A_6 step %scan3A_7  : i32 {
      %mul3A_56 = arith.constant 16 : i32
      %mul3A_57 = arith.muli %scan3A_55, %mul3A_56 : i32
      %swap3A = arith.index_cast %mul3A_57 : i32 to index
      %swap3A_58 = tpu.vector_load %arg6[%swap3A] {strides = array<i32>} : memref<32768xi32, #tpu.memory_space<vmem>>, vector<16xi32>,
      tpu.vector_store %arg6[%swap3A], %broadcast_in_dim3A_3 {strides = array<i32>} : memref<32768xi32, #tpu.memory_space<vmem>>, vector<16xi32>,
      %scan3A_59 = arith.constant 1 : i32
      %scan3A_60 = arith.addi %scan3A_55, %scan3A_59 : i32
      %mul3A_61 = arith.constant 16 : i32
      %mul3A_62 = arith.muli %scan3A_60, %mul3A_61 : i32
      %swap3A_63 = arith.index_cast %mul3A_62 : i32 to index
      %swap3A_64 = tpu.vector_load %arg6[%swap3A_63] {strides = array<i32>} : memref<32768xi32, #tpu.memory_space<vmem>>, vector<16xi32>,
      tpu.vector_store %arg6[%swap3A_63], %broadcast_in_dim3A_3 {strides = array<i32>} : memref<32768xi32, #tpu.memory_space<vmem>>, vector<16xi32>,
      %scan3A_65 = arith.constant 2 : i32
      %scan3A_66 = arith.addi %scan3A_55, %scan3A_65 : i32
      %mul3A_67 = arith.constant 16 : i32
      %mul3A_68 = arith.muli %scan3A_66, %mul3A_67 : i32
      %swap3A_69 = arith.index_cast %mul3A_68 : i32 to index
      %swap3A_70 = tpu.vector_load %arg6[%swap3A_69] {strides = array<i32>} : memref<32768xi32, #tpu.memory_space<vmem>>, vector<16xi32>,
      tpu.vector_store %arg6[%swap3A_69], %broadcast_in_dim3A_3 {strides = array<i32>} : memref<32768xi32, #tpu.memory_space<vmem>>, vector<16xi32>,
      %scan3A_71 = arith.constant 3 : i32
      %scan3A_72 = arith.addi %scan3A_55, %scan3A_71 : i32
      %mul3A_73 = arith.constant 16 : i32
      %mul3A_74 = arith.muli %scan3A_72, %mul3A_73 : i32
      %swap3A_75 = arith.index_cast %mul3A_74 : i32 to index
      %swap3A_76 = tpu.vector_load %arg6[%swap3A_75] {strides = array<i32>} : memref<32768xi32, #tpu.memory_space<vmem>>, vector<16xi32>,
      tpu.vector_store %arg6[%swap3A_75], %broadcast_in_dim3A_3 {strides = array<i32>} : memref<32768xi32, #tpu.memory_space<vmem>>, vector<16xi32>,
      %scan3A_77 = arith.constant 4 : i32
      %scan3A_78 = arith.addi %scan3A_55, %scan3A_77 : i32
      %mul3A_79 = arith.constant 16 : i32
      %mul3A_80 = arith.muli %scan3A_78, %mul3A_79 : i32
      %swap3A_81 = arith.index_cast %mul3A_80 : i32 to index
      %swap3A_82 = tpu.vector_load %arg6[%swap3A_81] {strides = array<i32>} : memref<32768xi32, #tpu.memory_space<vmem>>, vector<16xi32>,
      tpu.vector_store %arg6[%swap3A_81], %broadcast_in_dim3A_3 {strides = array<i32>} : memref<32768xi32, #tpu.memory_space<vmem>>, vector<16xi32>,
      %scan3A_83 = arith.constant 5 : i32
      %scan3A_84 = arith.addi %scan3A_55, %scan3A_83 : i32
      %mul3A_85 = arith.constant 16 : i32
      %mul3A_86 = arith.muli %scan3A_84, %mul3A_85 : i32
      %swap3A_87 = arith.index_cast %mul3A_86 : i32 to index
      %swap3A_88 = tpu.vector_load %arg6[%swap3A_87] {strides = array<i32>} : memref<32768xi32, #tpu.memory_space<vmem>>, vector<16xi32>,
      tpu.vector_store %arg6[%swap3A_87], %broadcast_in_dim3A_3 {strides = array<i32>} : memref<32768xi32, #tpu.memory_space<vmem>>, vector<16xi32>,
      %scan3A_89 = arith.constant 6 : i32
      %scan3A_90 = arith.addi %scan3A_55, %scan3A_89 : i32
      %mul3A_91 = arith.constant 16 : i32
      %mul3A_92 = arith.muli %scan3A_90, %mul3A_91 : i32
      %swap3A_93 = arith.index_cast %mul3A_92 : i32 to index
      %swap3A_94 = tpu.vector_load %arg6[%swap3A_93] {strides = array<i32>} : memref<32768xi32, #tpu.memory_space<vmem>>, vector<16xi32>,
      tpu.vector_store %arg6[%swap3A_93], %broadcast_in_dim3A_3 {strides = array<i32>} : memref<32768xi32, #tpu.memory_space<vmem>>, vector<16xi32>,
      %scan3A_95 = arith.constant 7 : i32
      %scan3A_96 = arith.addi %scan3A_55, %scan3A_95 : i32
      %mul3A_97 = arith.constant 16 : i32
      %mul3A_98 = arith.muli %scan3A_96, %mul3A_97 : i32
      %swap3A_99 = arith.index_cast %mul3A_98 : i32 to index
      %swap3A_100 = tpu.vector_load %arg6[%swap3A_99] {strides = array<i32>} : memref<32768xi32, #tpu.memory_space<vmem>>, vector<16xi32>,
      tpu.vector_store %arg6[%swap3A_99], %broadcast_in_dim3A_3 {strides = array<i32>} : memref<32768xi32, #tpu.memory_space<vmem>>, vector<16xi32>,
    }
    %scan3A_8 = arith.constant 2048 : i32
    %broadcast_in_dim3A_9 = arith.constant 1 : i32
    %broadcast_in_dim3A_10 = vector.broadcast %broadcast_in_dim3A_9 : i32 to vector<16xi32>
    %dma_start3A = tpu.memref_slice %arg2[%mul3A_2] : memref<2097152xi32, #tpu.memory_space<hbm>> -> memref<16384xi32, #tpu.memory_space<hbm>>
    %dma_start3A_11 = tpu.memref_slice %arg2[%mul3A_2] : memref<2097152xi32, #tpu.memory_space<hbm>> -> memref<16384xi32, #tpu.memory_space<hbm>>
    tpu.enqueue_dma source(%dma_start3A_11 : memref<16384xi32, #tpu.memory_space<hbm>>) target(%arg4 : memref<16384xi32, #tpu.memory_space<vmem>>) target_semaphore(%arg7 : memref<!tpu.dma_semaphore, #tpu.memory_space<semaphore_mem>>)
    %dma_wait3A = tpu.memref_slice %arg2[%mul3A_2] : memref<2097152xi32, #tpu.memory_space<hbm>> -> memref<16384xi32, #tpu.memory_space<hbm>>
    %dma_wait3A_12 = tpu.memref_slice %arg2[%mul3A_2] : memref<2097152xi32, #tpu.memory_space<hbm>> -> memref<16384xi32, #tpu.memory_space<hbm>>
    tpu.wait_dma2 semaphore(%arg7 : memref<!tpu.dma_semaphore, #tpu.memory_space<semaphore_mem>>) src(%dma_wait3A_12 : memref<16384xi32, #tpu.memory_space<hbm>>) dst(%arg4 : memref<16384xi32, #tpu.memory_space<vmem>>)
    %add3A_13 = arith.constant 16384 : i32
    %add3A_14 = arith.addi %mul3A_2, %add3A_13 : i32
    %dma_start3A_15 = tpu.memref_slice %arg2[%add3A_14] : memref<2097152xi32, #tpu.memory_space<hbm>> -> memref<16384xi32, #tpu.memory_space<hbm>>
    %dma_start3A_16 = tpu.memref_slice %arg2[%add3A_14] : memref<2097152xi32, #tpu.memory_space<hbm>> -> memref<16384xi32, #tpu.memory_space<hbm>>
    tpu.enqueue_dma source(%dma_start3A_16 : memref<16384xi32, #tpu.memory_space<hbm>>) target(%arg5 : memref<16384xi32, #tpu.memory_space<vmem>>) target_semaphore(%arg8 : memref<!tpu.dma_semaphore, #tpu.memory_space<semaphore_mem>>)
    %scan3A_17 = arith.constant 0 : i32
    %scan3A_18 = arith.constant 0 : i32
    %scan3A_19 = arith.constant 128 : i32
    %scan3A_20 = arith.addi %scan3A_18, %scan3A_19 : i32
    %scan3A_21 = arith.constant 2 : i32
    scf.for %scan3A_55 = %scan3A_18 to %scan3A_20 step %scan3A_21  : i32 {
      %mul3A_56 = arith.constant 128 : i32
      %mul3A_57 = arith.muli %scan3A_55, %mul3A_56 : i32
      %add3A_58 = arith.constant 0 : i32
      %add3A_59 = arith.addi %mul3A_57, %add3A_58 : i32
      %get3A = arith.index_cast %add3A_59 : i32 to index
      %get3A_60 = tpu.vector_load %arg4[%get3A] {strides = array<i32>} : memref<16384xi32, #tpu.memory_space<vmem>>, vector<16xi32>,
      %add3A_61 = arith.constant 16 : i32
      %add3A_62 = arith.addi %mul3A_57, %add3A_61 : i32
      %get3A_63 = arith.index_cast %add3A_62 : i32 to index
      %get3A_64 = tpu.vector_load %arg4[%get3A_63] {strides = array<i32>} : memref<16384xi32, #tpu.memory_space<vmem>>, vector<16xi32>,
      %add3A_65 = arith.constant 32 : i32
      %add3A_66 = arith.addi %mul3A_57, %add3A_65 : i32
      %get3A_67 = arith.index_cast %add3A_66 : i32 to index
      %get3A_68 = tpu.vector_load %arg4[%get3A_67] {strides = array<i32>} : memref<16384xi32, #tpu.memory_space<vmem>>, vector<16xi32>,
      %add3A_69 = arith.constant 48 : i32
      %add3A_70 = arith.addi %mul3A_57, %add3A_69 : i32
      %get3A_71 = arith.index_cast %add3A_70 : i32 to index
      %get3A_72 = tpu.vector_load %arg4[%get3A_71] {strides = array<i32>} : memref<16384xi32, #tpu.memory_space<vmem>>, vector<16xi32>,
      %add3A_73 = arith.constant 64 : i32
      %add3A_74 = arith.addi %mul3A_57, %add3A_73 : i32
      %get3A_75 = arith.index_cast %add3A_74 : i32 to index
      %get3A_76 = tpu.vector_load %arg4[%get3A_75] {strides = array<i32>} : memref<16384xi32, #tpu.memory_space<vmem>>, vector<16xi32>,
      %add3A_77 = arith.constant 80 : i32
      %add3A_78 = arith.addi %mul3A_57, %add3A_77 : i32
      %get3A_79 = arith.index_cast %add3A_78 : i32 to index
      %get3A_80 = tpu.vector_load %arg4[%get3A_79] {strides = array<i32>} : memref<16384xi32, #tpu.memory_space<vmem>>, vector<16xi32>,
      %add3A_81 = arith.constant 96 : i32
      %add3A_82 = arith.addi %mul3A_57, %add3A_81 : i32
      %get3A_83 = arith.index_cast %add3A_82 : i32 to index
      %get3A_84 = tpu.vector_load %arg4[%get3A_83] {strides = array<i32>} : memref<16384xi32, #tpu.memory_space<vmem>>, vector<16xi32>,
      %add3A_85 = arith.constant 112 : i32
      %add3A_86 = arith.addi %mul3A_57, %add3A_85 : i32
      %get3A_87 = arith.index_cast %add3A_86 : i32 to index
      %get3A_88 = tpu.vector_load %arg4[%get3A_87] {strides = array<i32>} : memref<16384xi32, #tpu.memory_space<vmem>>, vector<16xi32>,
      %and3A = arith.constant 65535 : i32
      %and3A_89 = vector.broadcast %and3A : i32 to vector<16xi32>
      %and3A_90 = arith.andi %get3A_60, %and3A_89 : vector<16xi32>
      %and3A_91 = arith.constant 65535 : i32
      %and3A_92 = vector.broadcast %and3A_91 : i32 to vector<16xi32>
      %and3A_93 = arith.andi %get3A_64, %and3A_92 : vector<16xi32>
      %and3A_94 = arith.constant 65535 : i32
      %and3A_95 = vector.broadcast %and3A_94 : i32 to vector<16xi32>
      %and3A_96 = arith.andi %get3A_68, %and3A_95 : vector<16xi32>
      %and3A_97 = arith.constant 65535 : i32
      %and3A_98 = vector.broadcast %and3A_97 : i32 to vector<16xi32>
      %and3A_99 = arith.andi %get3A_72, %and3A_98 : vector<16xi32>
      %and3A_100 = arith.constant 65535 : i32
      %and3A_101 = vector.broadcast %and3A_100 : i32 to vector<16xi32>
      %and3A_102 = arith.andi %get3A_76, %and3A_101 : vector<16xi32>
      %and3A_103 = arith.constant 65535 : i32
      %and3A_104 = vector.broadcast %and3A_103 : i32 to vector<16xi32>
      %and3A_105 = arith.andi %get3A_80, %and3A_104 : vector<16xi32>
      %and3A_106 = arith.constant 65535 : i32
      %and3A_107 = vector.broadcast %and3A_106 : i32 to vector<16xi32>
      %and3A_108 = arith.andi %get3A_84, %and3A_107 : vector<16xi32>
      %and3A_109 = arith.constant 65535 : i32
      %and3A_110 = vector.broadcast %and3A_109 : i32 to vector<16xi32>
      %and3A_111 = arith.andi %get3A_88, %and3A_110 : vector<16xi32>
      %shift_right_logical3A = arith.constant 16 : i32
      %shift_right_logical3A_112 = vector.broadcast %shift_right_logical3A : i32 to vector<16xi32>
      %shift_right_logical3A_113 = arith.shrui %get3A_60, %shift_right_logical3A_112 : vector<16xi32>
      %shift_right_logical3A_114 = arith.constant 16 : i32
      %shift_right_logical3A_115 = vector.broadcast %shift_right_logical3A_114 : i32 to vector<16xi32>
      %shift_right_logical3A_116 = arith.shrui %get3A_64, %shift_right_logical3A_115 : vector<16xi32>
      %shift_right_logical3A_117 = arith.constant 16 : i32
      %shift_right_logical3A_118 = vector.broadcast %shift_right_logical3A_117 : i32 to vector<16xi32>
      %shift_right_logical3A_119 = arith.shrui %get3A_68, %shift_right_logical3A_118 : vector<16xi32>
      %shift_right_logical3A_120 = arith.constant 16 : i32
      %shift_right_logical3A_121 = vector.broadcast %shift_right_logical3A_120 : i32 to vector<16xi32>
      %shift_right_logical3A_122 = arith.shrui %get3A_72, %shift_right_logical3A_121 : vector<16xi32>
      %shift_right_logical3A_123 = arith.constant 16 : i32
      %shift_right_logical3A_124 = vector.broadcast %shift_right_logical3A_123 : i32 to vector<16xi32>
      %shift_right_logical3A_125 = arith.shrui %get3A_76, %shift_right_logical3A_124 : vector<16xi32>
      %shift_right_logical3A_126 = arith.constant 16 : i32
      %shift_right_logical3A_127 = vector.broadcast %shift_right_logical3A_126 : i32 to vector<16xi32>
      %shift_right_logical3A_128 = arith.shrui %get3A_80, %shift_right_logical3A_127 : vector<16xi32>
      %shift_right_logical3A_129 = arith.constant 16 : i32
      %shift_right_logical3A_130 = vector.broadcast %shift_right_logical3A_129 : i32 to vector<16xi32>
      %shift_right_logical3A_131 = arith.shrui %get3A_84, %shift_right_logical3A_130 : vector<16xi32>
      %shift_right_logical3A_132 = arith.constant 16 : i32
      %shift_right_logical3A_133 = vector.broadcast %shift_right_logical3A_132 : i32 to vector<16xi32>
      %shift_right_logical3A_134 = arith.shrui %get3A_88, %shift_right_logical3A_133 : vector<16xi32>
      tpu.vector_store_idx %arg6[%and3A_90], %broadcast_in_dim3A_10 {add = true} : memref<32768xi32, #tpu.memory_space<vmem>>[vector<16xi32>], vector<16xi32>,
      tpu.vector_store_idx %arg6[%and3A_93], %broadcast_in_dim3A_10 {add = true} : memref<32768xi32, #tpu.memory_space<vmem>>[vector<16xi32>], vector<16xi32>,
      tpu.vector_store_idx %arg6[%and3A_96], %broadcast_in_dim3A_10 {add = true} : memref<32768xi32, #tpu.memory_space<vmem>>[vector<16xi32>], vector<16xi32>,
      tpu.vector_store_idx %arg6[%and3A_99], %broadcast_in_dim3A_10 {add = true} : memref<32768xi32, #tpu.memory_space<vmem>>[vector<16xi32>], vector<16xi32>,
      tpu.vector_store_idx %arg6[%and3A_102], %broadcast_in_dim3A_10 {add = true} : memref<32768xi32, #tpu.memory_space<vmem>>[vector<16xi32>], vector<16xi32>,
      tpu.vector_store_idx %arg6[%and3A_105], %broadcast_in_dim3A_10 {add = true} : memref<32768xi32, #tpu.memory_space<vmem>>[vector<16xi32>], vector<16xi32>,
      tpu.vector_store_idx %arg6[%and3A_108], %broadcast_in_dim3A_10 {add = true} : memref<32768xi32, #tpu.memory_space<vmem>>[vector<16xi32>], vector<16xi32>,
      tpu.vector_store_idx %arg6[%and3A_111], %broadcast_in_dim3A_10 {add = true} : memref<32768xi32, #tpu.memory_space<vmem>>[vector<16xi32>], vector<16xi32>,
      tpu.vector_store_idx %arg6[%shift_right_logical3A_113], %broadcast_in_dim3A_10 {add = true} : memref<32768xi32, #tpu.memory_space<vmem>>[vector<16xi32>], vector<16xi32>,
      tpu.vector_store_idx %arg6[%shift_right_logical3A_116], %broadcast_in_dim3A_10 {add = true} : memref<32768xi32, #tpu.memory_space<vmem>>[vector<16xi32>], vector<16xi32>,
      tpu.vector_store_idx %arg6[%shift_right_logical3A_119], %broadcast_in_dim3A_10 {add = true} : memref<32768xi32, #tpu.memory_space<vmem>>[vector<16xi32>], vector<16xi32>,
      tpu.vector_store_idx %arg6[%shift_right_logical3A_122], %broadcast_in_dim3A_10 {add = true} : memref<32768xi32, #tpu.memory_space<vmem>>[vector<16xi32>], vector<16xi32>,
      tpu.vector_store_idx %arg6[%shift_right_logical3A_125], %broadcast_in_dim3A_10 {add = true} : memref<32768xi32, #tpu.memory_space<vmem>>[vector<16xi32>], vector<16xi32>,
      tpu.vector_store_idx %arg6[%shift_right_logical3A_128], %broadcast_in_dim3A_10 {add = true} : memref<32768xi32, #tpu.memory_space<vmem>>[vector<16xi32>], vector<16xi32>,
      tpu.vector_store_idx %arg6[%shift_right_logical3A_131], %broadcast_in_dim3A_10 {add = true} : memref<32768xi32, #tpu.memory_space<vmem>>[vector<16xi32>], vector<16xi32>,
      tpu.vector_store_idx %arg6[%shift_right_logical3A_134], %broadcast_in_dim3A_10 {add = true} : memref<32768xi32, #tpu.memory_space<vmem>>[vector<16xi32>], vector<16xi32>,
      %scan3A_135 = arith.constant 1 : i32
      %scan3A_136 = arith.addi %scan3A_55, %scan3A_135 : i32
      %mul3A_137 = arith.constant 128 : i32
      %mul3A_138 = arith.muli %scan3A_136, %mul3A_137 : i32
      %add3A_139 = arith.constant 0 : i32
      %add3A_140 = arith.addi %mul3A_138, %add3A_139 : i32
      %get3A_141 = arith.index_cast %add3A_140 : i32 to index
      %get3A_142 = tpu.vector_load %arg4[%get3A_141] {strides = array<i32>} : memref<16384xi32, #tpu.memory_space<vmem>>, vector<16xi32>,
      %add3A_143 = arith.constant 16 : i32
      %add3A_144 = arith.addi %mul3A_138, %add3A_143 : i32
      %get3A_145 = arith.index_cast %add3A_144 : i32 to index
      %get3A_146 = tpu.vector_load %arg4[%get3A_145] {strides = array<i32>} : memref<16384xi32, #tpu.memory_space<vmem>>, vector<16xi32>,
      %add3A_147 = arith.constant 32 : i32
      %add3A_148 = arith.addi %mul3A_138, %add3A_147 : i32
      %get3A_149 = arith.index_cast %add3A_148 : i32 to index
      %get3A_150 = tpu.vector_load %arg4[%get3A_149] {strides = array<i32>} : memref<16384xi32, #tpu.memory_space<vmem>>, vector<16xi32>,
      %add3A_151 = arith.constant 48 : i32
      %add3A_152 = arith.addi %mul3A_138, %add3A_151 : i32
      %get3A_153 = arith.index_cast %add3A_152 : i32 to index
      %get3A_154 = tpu.vector_load %arg4[%get3A_153] {strides = array<i32>} : memref<16384xi32, #tpu.memory_space<vmem>>, vector<16xi32>,
      %add3A_155 = arith.constant 64 : i32
      %add3A_156 = arith.addi %mul3A_138, %add3A_155 : i32
      %get3A_157 = arith.index_cast %add3A_156 : i32 to index
      %get3A_158 = tpu.vector_load %arg4[%get3A_157] {strides = array<i32>} : memref<16384xi32, #tpu.memory_space<vmem>>, vector<16xi32>,
      %add3A_159 = arith.constant 80 : i32
      %add3A_160 = arith.addi %mul3A_138, %add3A_159 : i32
      %get3A_161 = arith.index_cast %add3A_160 : i32 to index
      %get3A_162 = tpu.vector_load %arg4[%get3A_161] {strides = array<i32>} : memref<16384xi32, #tpu.memory_space<vmem>>, vector<16xi32>,
      %add3A_163 = arith.constant 96 : i32
      %add3A_164 = arith.addi %mul3A_138, %add3A_163 : i32
      %get3A_165 = arith.index_cast %add3A_164 : i32 to index
      %get3A_166 = tpu.vector_load %arg4[%get3A_165] {strides = array<i32>} : memref<16384xi32, #tpu.memory_space<vmem>>, vector<16xi32>,
      %add3A_167 = arith.constant 112 : i32
      %add3A_168 = arith.addi %mul3A_138, %add3A_167 : i32
      %get3A_169 = arith.index_cast %add3A_168 : i32 to index
      %get3A_170 = tpu.vector_load %arg4[%get3A_169] {strides = array<i32>} : memref<16384xi32, #tpu.memory_space<vmem>>, vector<16xi32>,
      %and3A_171 = arith.constant 65535 : i32
      %and3A_172 = vector.broadcast %and3A_171 : i32 to vector<16xi32>
      %and3A_173 = arith.andi %get3A_142, %and3A_172 : vector<16xi32>
      %and3A_174 = arith.constant 65535 : i32
      %and3A_175 = vector.broadcast %and3A_174 : i32 to vector<16xi32>
      %and3A_176 = arith.andi %get3A_146, %and3A_175 : vector<16xi32>
      %and3A_177 = arith.constant 65535 : i32
      %and3A_178 = vector.broadcast %and3A_177 : i32 to vector<16xi32>
      %and3A_179 = arith.andi %get3A_150, %and3A_178 : vector<16xi32>
      %and3A_180 = arith.constant 65535 : i32
      %and3A_181 = vector.broadcast %and3A_180 : i32 to vector<16xi32>
      %and3A_182 = arith.andi %get3A_154, %and3A_181 : vector<16xi32>
      %and3A_183 = arith.constant 65535 : i32
      %and3A_184 = vector.broadcast %and3A_183 : i32 to vector<16xi32>
      %and3A_185 = arith.andi %get3A_158, %and3A_184 : vector<16xi32>
      %and3A_186 = arith.constant 65535 : i32
      %and3A_187 = vector.broadcast %and3A_186 : i32 to vector<16xi32>
      %and3A_188 = arith.andi %get3A_162, %and3A_187 : vector<16xi32>
      %and3A_189 = arith.constant 65535 : i32
      %and3A_190 = vector.broadcast %and3A_189 : i32 to vector<16xi32>
      %and3A_191 = arith.andi %get3A_166, %and3A_190 : vector<16xi32>
      %and3A_192 = arith.constant 65535 : i32
      %and3A_193 = vector.broadcast %and3A_192 : i32 to vector<16xi32>
      %and3A_194 = arith.andi %get3A_170, %and3A_193 : vector<16xi32>
      %shift_right_logical3A_195 = arith.constant 16 : i32
      %shift_right_logical3A_196 = vector.broadcast %shift_right_logical3A_195 : i32 to vector<16xi32>
      %shift_right_logical3A_197 = arith.shrui %get3A_142, %shift_right_logical3A_196 : vector<16xi32>
      %shift_right_logical3A_198 = arith.constant 16 : i32
      %shift_right_logical3A_199 = vector.broadcast %shift_right_logical3A_198 : i32 to vector<16xi32>
      %shift_right_logical3A_200 = arith.shrui %get3A_146, %shift_right_logical3A_199 : vector<16xi32>
      %shift_right_logical3A_201 = arith.constant 16 : i32
      %shift_right_logical3A_202 = vector.broadcast %shift_right_logical3A_201 : i32 to vector<16xi32>
      %shift_right_logical3A_203 = arith.shrui %get3A_150, %shift_right_logical3A_202 : vector<16xi32>
      %shift_right_logical3A_204 = arith.constant 16 : i32
      %shift_right_logical3A_205 = vector.broadcast %shift_right_logical3A_204 : i32 to vector<16xi32>
      %shift_right_logical3A_206 = arith.shrui %get3A_154, %shift_right_logical3A_205 : vector<16xi32>
      %shift_right_logical3A_207 = arith.constant 16 : i32
      %shift_right_logical3A_208 = vector.broadcast %shift_right_logical3A_207 : i32 to vector<16xi32>
      %shift_right_logical3A_209 = arith.shrui %get3A_158, %shift_right_logical3A_208 : vector<16xi32>
      %shift_right_logical3A_210 = arith.constant 16 : i32
      %shift_right_logical3A_211 = vector.broadcast %shift_right_logical3A_210 : i32 to vector<16xi32>
      %shift_right_logical3A_212 = arith.shrui %get3A_162, %shift_right_logical3A_211 : vector<16xi32>
      %shift_right_logical3A_213 = arith.constant 16 : i32
      %shift_right_logical3A_214 = vector.broadcast %shift_right_logical3A_213 : i32 to vector<16xi32>
      %shift_right_logical3A_215 = arith.shrui %get3A_166, %shift_right_logical3A_214 : vector<16xi32>
      %shift_right_logical3A_216 = arith.constant 16 : i32
      %shift_right_logical3A_217 = vector.broadcast %shift_right_logical3A_216 : i32 to vector<16xi32>
      %shift_right_logical3A_218 = arith.shrui %get3A_170, %shift_right_logical3A_217 : vector<16xi32>
      tpu.vector_store_idx %arg6[%and3A_173], %broadcast_in_dim3A_10 {add = true} : memref<32768xi32, #tpu.memory_space<vmem>>[vector<16xi32>], vector<16xi32>,
      tpu.vector_store_idx %arg6[%and3A_176], %broadcast_in_dim3A_10 {add = true} : memref<32768xi32, #tpu.memory_space<vmem>>[vector<16xi32>], vector<16xi32>,
      tpu.vector_store_idx %arg6[%and3A_179], %broadcast_in_dim3A_10 {add = true} : memref<32768xi32, #tpu.memory_space<vmem>>[vector<16xi32>], vector<16xi32>,
      tpu.vector_store_idx %arg6[%and3A_182], %broadcast_in_dim3A_10 {add = true} : memref<32768xi32, #tpu.memory_space<vmem>>[vector<16xi32>], vector<16xi32>,
      tpu.vector_store_idx %arg6[%and3A_185], %broadcast_in_dim3A_10 {add = true} : memref<32768xi32, #tpu.memory_space<vmem>>[vector<16xi32>], vector<16xi32>,
      tpu.vector_store_idx %arg6[%and3A_188], %broadcast_in_dim3A_10 {add = true} : memref<32768xi32, #tpu.memory_space<vmem>>[vector<16xi32>], vector<16xi32>,
      tpu.vector_store_idx %arg6[%and3A_191], %broadcast_in_dim3A_10 {add = true} : memref<32768xi32, #tpu.memory_space<vmem>>[vector<16xi32>], vector<16xi32>,
      tpu.vector_store_idx %arg6[%and3A_194], %broadcast_in_dim3A_10 {add = true} : memref<32768xi32, #tpu.memory_space<vmem>>[vector<16xi32>], vector<16xi32>,
      tpu.vector_store_idx %arg6[%shift_right_logical3A_197], %broadcast_in_dim3A_10 {add = true} : memref<32768xi32, #tpu.memory_space<vmem>>[vector<16xi32>], vector<16xi32>,
      tpu.vector_store_idx %arg6[%shift_right_logical3A_200], %broadcast_in_dim3A_10 {add = true} : memref<32768xi32, #tpu.memory_space<vmem>>[vector<16xi32>], vector<16xi32>,
      tpu.vector_store_idx %arg6[%shift_right_logical3A_203], %broadcast_in_dim3A_10 {add = true} : memref<32768xi32, #tpu.memory_space<vmem>>[vector<16xi32>], vector<16xi32>,
      tpu.vector_store_idx %arg6[%shift_right_logical3A_206], %broadcast_in_dim3A_10 {add = true} : memref<32768xi32, #tpu.memory_space<vmem>>[vector<16xi32>], vector<16xi32>,
      tpu.vector_store_idx %arg6[%shift_right_logical3A_209], %broadcast_in_dim3A_10 {add = true} : memref<32768xi32, #tpu.memory_space<vmem>>[vector<16xi32>], vector<16xi32>,
      tpu.vector_store_idx %arg6[%shift_right_logical3A_212], %broadcast_in_dim3A_10 {add = true} : memref<32768xi32, #tpu.memory_space<vmem>>[vector<16xi32>], vector<16xi32>,
      tpu.vector_store_idx %arg6[%shift_right_logical3A_215], %broadcast_in_dim3A_10 {add = true} : memref<32768xi32, #tpu.memory_space<vmem>>[vector<16xi32>], vector<16xi32>,
      tpu.vector_store_idx %arg6[%shift_right_logical3A_218], %broadcast_in_dim3A_10 {add = true} : memref<32768xi32, #tpu.memory_space<vmem>>[vector<16xi32>], vector<16xi32>,
    }
    %scan3A_22 = arith.constant 128 : i32
    %dma_wait3A_23 = tpu.memref_slice %arg2[%add3A_14] : memref<2097152xi32, #tpu.memory_space<hbm>> -> memref<16384xi32, #tpu.memory_space<hbm>>
    %dma_wait3A_24 = tpu.memref_slice %arg2[%add3A_14] : memref<2097152xi32, #tpu.memory_space<hbm>> -> memref<16384xi32, #tpu.memory_space<hbm>>
    tpu.wait_dma2 semaphore(%arg8 : memref<!tpu.dma_semaphore, #tpu.memory_space<semaphore_mem>>) src(%dma_wait3A_24 : memref<16384xi32, #tpu.memory_space<hbm>>) dst(%arg5 : memref<16384xi32, #tpu.memory_space<vmem>>)
    %add3A_25 = arith.constant 32768 : i32
    %add3A_26 = arith.addi %mul3A_2, %add3A_25 : i32
    %dma_start3A_27 = tpu.memref_slice %arg2[%add3A_26] : memref<2097152xi32, #tpu.memory_space<hbm>> -> memref<16384xi32, #tpu.memory_space<hbm>>
    %dma_start3A_28 = tpu.memref_slice %arg2[%add3A_26] : memref<2097152xi32, #tpu.memory_space<hbm>> -> memref<16384xi32, #tpu.memory_space<hbm>>
    tpu.enqueue_dma source(%dma_start3A_28 : memref<16384xi32, #tpu.memory_space<hbm>>) target(%arg4 : memref<16384xi32, #tpu.memory_space<vmem>>) target_semaphore(%arg7 : memref<!tpu.dma_semaphore, #tpu.memory_space<semaphore_mem>>)
    %scan3A_29 = arith.constant 0 : i32
    %scan3A_30 = arith.constant 0 : i32
    %scan3A_31 = arith.constant 128 : i32
    %scan3A_32 = arith.addi %scan3A_30, %scan3A_31 : i32
    %scan3A_33 = arith.constant 2 : i32
    scf.for %scan3A_55 = %scan3A_30 to %scan3A_32 step %scan3A_33  : i32 {
      %mul3A_56 = arith.constant 128 : i32
      %mul3A_57 = arith.muli %scan3A_55, %mul3A_56 : i32
      %add3A_58 = arith.constant 0 : i32
      %add3A_59 = arith.addi %mul3A_57, %add3A_58 : i32
      %get3A = arith.index_cast %add3A_59 : i32 to index
      %get3A_60 = tpu.vector_load %arg5[%get3A] {strides = array<i32>} : memref<16384xi32, #tpu.memory_space<vmem>>, vector<16xi32>,
      %add3A_61 = arith.constant 16 : i32
      %add3A_62 = arith.addi %mul3A_57, %add3A_61 : i32
      %get3A_63 = arith.index_cast %add3A_62 : i32 to index
      %get3A_64 = tpu.vector_load %arg5[%get3A_63] {strides = array<i32>} : memref<16384xi32, #tpu.memory_space<vmem>>, vector<16xi32>,
      %add3A_65 = arith.constant 32 : i32
      %add3A_66 = arith.addi %mul3A_57, %add3A_65 : i32
      %get3A_67 = arith.index_cast %add3A_66 : i32 to index
      %get3A_68 = tpu.vector_load %arg5[%get3A_67] {strides = array<i32>} : memref<16384xi32, #tpu.memory_space<vmem>>, vector<16xi32>,
      %add3A_69 = arith.constant 48 : i32
      %add3A_70 = arith.addi %mul3A_57, %add3A_69 : i32
      %get3A_71 = arith.index_cast %add3A_70 : i32 to index
      %get3A_72 = tpu.vector_load %arg5[%get3A_71] {strides = array<i32>} : memref<16384xi32, #tpu.memory_space<vmem>>, vector<16xi32>,
      %add3A_73 = arith.constant 64 : i32
      %add3A_74 = arith.addi %mul3A_57, %add3A_73 : i32
      %get3A_75 = arith.index_cast %add3A_74 : i32 to index
      %get3A_76 = tpu.vector_load %arg5[%get3A_75] {strides = array<i32>} : memref<16384xi32, #tpu.memory_space<vmem>>, vector<16xi32>,
      %add3A_77 = arith.constant 80 : i32
      %add3A_78 = arith.addi %mul3A_57, %add3A_77 : i32
      %get3A_79 = arith.index_cast %add3A_78 : i32 to index
      %get3A_80 = tpu.vector_load %arg5[%get3A_79] {strides = array<i32>} : memref<16384xi32, #tpu.memory_space<vmem>>, vector<16xi32>,
      %add3A_81 = arith.constant 96 : i32
      %add3A_82 = arith.addi %mul3A_57, %add3A_81 : i32
      %get3A_83 = arith.index_cast %add3A_82 : i32 to index
      %get3A_84 = tpu.vector_load %arg5[%get3A_83] {strides = array<i32>} : memref<16384xi32, #tpu.memory_space<vmem>>, vector<16xi32>,
      %add3A_85 = arith.constant 112 : i32
      %add3A_86 = arith.addi %mul3A_57, %add3A_85 : i32
      %get3A_87 = arith.index_cast %add3A_86 : i32 to index
      %get3A_88 = tpu.vector_load %arg5[%get3A_87] {strides = array<i32>} : memref<16384xi32, #tpu.memory_space<vmem>>, vector<16xi32>,
      %and3A = arith.constant 65535 : i32
      %and3A_89 = vector.broadcast %and3A : i32 to vector<16xi32>
      %and3A_90 = arith.andi %get3A_60, %and3A_89 : vector<16xi32>
      %and3A_91 = arith.constant 65535 : i32
      %and3A_92 = vector.broadcast %and3A_91 : i32 to vector<16xi32>
      %and3A_93 = arith.andi %get3A_64, %and3A_92 : vector<16xi32>
      %and3A_94 = arith.constant 65535 : i32
      %and3A_95 = vector.broadcast %and3A_94 : i32 to vector<16xi32>
      %and3A_96 = arith.andi %get3A_68, %and3A_95 : vector<16xi32>
      %and3A_97 = arith.constant 65535 : i32
      %and3A_98 = vector.broadcast %and3A_97 : i32 to vector<16xi32>
      %and3A_99 = arith.andi %get3A_72, %and3A_98 : vector<16xi32>
      %and3A_100 = arith.constant 65535 : i32
      %and3A_101 = vector.broadcast %and3A_100 : i32 to vector<16xi32>
      %and3A_102 = arith.andi %get3A_76, %and3A_101 : vector<16xi32>
      %and3A_103 = arith.constant 65535 : i32
      %and3A_104 = vector.broadcast %and3A_103 : i32 to vector<16xi32>
      %and3A_105 = arith.andi %get3A_80, %and3A_104 : vector<16xi32>
      %and3A_106 = arith.constant 65535 : i32
      %and3A_107 = vector.broadcast %and3A_106 : i32 to vector<16xi32>
      %and3A_108 = arith.andi %get3A_84, %and3A_107 : vector<16xi32>
      %and3A_109 = arith.constant 65535 : i32
      %and3A_110 = vector.broadcast %and3A_109 : i32 to vector<16xi32>
      %and3A_111 = arith.andi %get3A_88, %and3A_110 : vector<16xi32>
      %shift_right_logical3A = arith.constant 16 : i32
      %shift_right_logical3A_112 = vector.broadcast %shift_right_logical3A : i32 to vector<16xi32>
      %shift_right_logical3A_113 = arith.shrui %get3A_60, %shift_right_logical3A_112 : vector<16xi32>
      %shift_right_logical3A_114 = arith.constant 16 : i32
      %shift_right_logical3A_115 = vector.broadcast %shift_right_logical3A_114 : i32 to vector<16xi32>
      %shift_right_logical3A_116 = arith.shrui %get3A_64, %shift_right_logical3A_115 : vector<16xi32>
      %shift_right_logical3A_117 = arith.constant 16 : i32
      %shift_right_logical3A_118 = vector.broadcast %shift_right_logical3A_117 : i32 to vector<16xi32>
      %shift_right_logical3A_119 = arith.shrui %get3A_68, %shift_right_logical3A_118 : vector<16xi32>
      %shift_right_logical3A_120 = arith.constant 16 : i32
      %shift_right_logical3A_121 = vector.broadcast %shift_right_logical3A_120 : i32 to vector<16xi32>
      %shift_right_logical3A_122 = arith.shrui %get3A_72, %shift_right_logical3A_121 : vector<16xi32>
      %shift_right_logical3A_123 = arith.constant 16 : i32
      %shift_right_logical3A_124 = vector.broadcast %shift_right_logical3A_123 : i32 to vector<16xi32>
      %shift_right_logical3A_125 = arith.shrui %get3A_76, %shift_right_logical3A_124 : vector<16xi32>
      %shift_right_logical3A_126 = arith.constant 16 : i32
      %shift_right_logical3A_127 = vector.broadcast %shift_right_logical3A_126 : i32 to vector<16xi32>
      %shift_right_logical3A_128 = arith.shrui %get3A_80, %shift_right_logical3A_127 : vector<16xi32>
      %shift_right_logical3A_129 = arith.constant 16 : i32
      %shift_right_logical3A_130 = vector.broadcast %shift_right_logical3A_129 : i32 to vector<16xi32>
      %shift_right_logical3A_131 = arith.shrui %get3A_84, %shift_right_logical3A_130 : vector<16xi32>
      %shift_right_logical3A_132 = arith.constant 16 : i32
      %shift_right_logical3A_133 = vector.broadcast %shift_right_logical3A_132 : i32 to vector<16xi32>
      %shift_right_logical3A_134 = arith.shrui %get3A_88, %shift_right_logical3A_133 : vector<16xi32>
      tpu.vector_store_idx %arg6[%and3A_90], %broadcast_in_dim3A_10 {add = true} : memref<32768xi32, #tpu.memory_space<vmem>>[vector<16xi32>], vector<16xi32>,
      tpu.vector_store_idx %arg6[%and3A_93], %broadcast_in_dim3A_10 {add = true} : memref<32768xi32, #tpu.memory_space<vmem>>[vector<16xi32>], vector<16xi32>,
      tpu.vector_store_idx %arg6[%and3A_96], %broadcast_in_dim3A_10 {add = true} : memref<32768xi32, #tpu.memory_space<vmem>>[vector<16xi32>], vector<16xi32>,
      tpu.vector_store_idx %arg6[%and3A_99], %broadcast_in_dim3A_10 {add = true} : memref<32768xi32, #tpu.memory_space<vmem>>[vector<16xi32>], vector<16xi32>,
      tpu.vector_store_idx %arg6[%and3A_102], %broadcast_in_dim3A_10 {add = true} : memref<32768xi32, #tpu.memory_space<vmem>>[vector<16xi32>], vector<16xi32>,
      tpu.vector_store_idx %arg6[%and3A_105], %broadcast_in_dim3A_10 {add = true} : memref<32768xi32, #tpu.memory_space<vmem>>[vector<16xi32>], vector<16xi32>,
      tpu.vector_store_idx %arg6[%and3A_108], %broadcast_in_dim3A_10 {add = true} : memref<32768xi32, #tpu.memory_space<vmem>>[vector<16xi32>], vector<16xi32>,
      tpu.vector_store_idx %arg6[%and3A_111], %broadcast_in_dim3A_10 {add = true} : memref<32768xi32, #tpu.memory_space<vmem>>[vector<16xi32>], vector<16xi32>,
      tpu.vector_store_idx %arg6[%shift_right_logical3A_113], %broadcast_in_dim3A_10 {add = true} : memref<32768xi32, #tpu.memory_space<vmem>>[vector<16xi32>], vector<16xi32>,
      tpu.vector_store_idx %arg6[%shift_right_logical3A_116], %broadcast_in_dim3A_10 {add = true} : memref<32768xi32, #tpu.memory_space<vmem>>[vector<16xi32>], vector<16xi32>,
      tpu.vector_store_idx %arg6[%shift_right_logical3A_119], %broadcast_in_dim3A_10 {add = true} : memref<32768xi32, #tpu.memory_space<vmem>>[vector<16xi32>], vector<16xi32>,
      tpu.vector_store_idx %arg6[%shift_right_logical3A_122], %broadcast_in_dim3A_10 {add = true} : memref<32768xi32, #tpu.memory_space<vmem>>[vector<16xi32>], vector<16xi32>,
      tpu.vector_store_idx %arg6[%shift_right_logical3A_125], %broadcast_in_dim3A_10 {add = true} : memref<32768xi32, #tpu.memory_space<vmem>>[vector<16xi32>], vector<16xi32>,
      tpu.vector_store_idx %arg6[%shift_right_logical3A_128], %broadcast_in_dim3A_10 {add = true} : memref<32768xi32, #tpu.memory_space<vmem>>[vector<16xi32>], vector<16xi32>,
      tpu.vector_store_idx %arg6[%shift_right_logical3A_131], %broadcast_in_dim3A_10 {add = true} : memref<32768xi32, #tpu.memory_space<vmem>>[vector<16xi32>], vector<16xi32>,
      tpu.vector_store_idx %arg6[%shift_right_logical3A_134], %broadcast_in_dim3A_10 {add = true} : memref<32768xi32, #tpu.memory_space<vmem>>[vector<16xi32>], vector<16xi32>,
      %scan3A_135 = arith.constant 1 : i32
      %scan3A_136 = arith.addi %scan3A_55, %scan3A_135 : i32
      %mul3A_137 = arith.constant 128 : i32
      %mul3A_138 = arith.muli %scan3A_136, %mul3A_137 : i32
      %add3A_139 = arith.constant 0 : i32
      %add3A_140 = arith.addi %mul3A_138, %add3A_139 : i32
      %get3A_141 = arith.index_cast %add3A_140 : i32 to index
      %get3A_142 = tpu.vector_load %arg5[%get3A_141] {strides = array<i32>} : memref<16384xi32, #tpu.memory_space<vmem>>, vector<16xi32>,
      %add3A_143 = arith.constant 16 : i32
      %add3A_144 = arith.addi %mul3A_138, %add3A_143 : i32
      %get3A_145 = arith.index_cast %add3A_144 : i32 to index
      %get3A_146 = tpu.vector_load %arg5[%get3A_145] {strides = array<i32>} : memref<16384xi32, #tpu.memory_space<vmem>>, vector<16xi32>,
      %add3A_147 = arith.constant 32 : i32
      %add3A_148 = arith.addi %mul3A_138, %add3A_147 : i32
      %get3A_149 = arith.index_cast %add3A_148 : i32 to index
      %get3A_150 = tpu.vector_load %arg5[%get3A_149] {strides = array<i32>} : memref<16384xi32, #tpu.memory_space<vmem>>, vector<16xi32>,
      %add3A_151 = arith.constant 48 : i32
      %add3A_152 = arith.addi %mul3A_138, %add3A_151 : i32
      %get3A_153 = arith.index_cast %add3A_152 : i32 to index
      %get3A_154 = tpu.vector_load %arg5[%get3A_153] {strides = array<i32>} : memref<16384xi32, #tpu.memory_space<vmem>>, vector<16xi32>,
      %add3A_155 = arith.constant 64 : i32
      %add3A_156 = arith.addi %mul3A_138, %add3A_155 : i32
      %get3A_157 = arith.index_cast %add3A_156 : i32 to index
      %get3A_158 = tpu.vector_load %arg5[%get3A_157] {strides = array<i32>} : memref<16384xi32, #tpu.memory_space<vmem>>, vector<16xi32>,
      %add3A_159 = arith.constant 80 : i32
      %add3A_160 = arith.addi %mul3A_138, %add3A_159 : i32
      %get3A_161 = arith.index_cast %add3A_160 : i32 to index
      %get3A_162 = tpu.vector_load %arg5[%get3A_161] {strides = array<i32>} : memref<16384xi32, #tpu.memory_space<vmem>>, vector<16xi32>,
      %add3A_163 = arith.constant 96 : i32
      %add3A_164 = arith.addi %mul3A_138, %add3A_163 : i32
      %get3A_165 = arith.index_cast %add3A_164 : i32 to index
      %get3A_166 = tpu.vector_load %arg5[%get3A_165] {strides = array<i32>} : memref<16384xi32, #tpu.memory_space<vmem>>, vector<16xi32>,
      %add3A_167 = arith.constant 112 : i32
      %add3A_168 = arith.addi %mul3A_138, %add3A_167 : i32
      %get3A_169 = arith.index_cast %add3A_168 : i32 to index
      %get3A_170 = tpu.vector_load %arg5[%get3A_169] {strides = array<i32>} : memref<16384xi32, #tpu.memory_space<vmem>>, vector<16xi32>,
      %and3A_171 = arith.constant 65535 : i32
      %and3A_172 = vector.broadcast %and3A_171 : i32 to vector<16xi32>
      %and3A_173 = arith.andi %get3A_142, %and3A_172 : vector<16xi32>
      %and3A_174 = arith.constant 65535 : i32
      %and3A_175 = vector.broadcast %and3A_174 : i32 to vector<16xi32>
      %and3A_176 = arith.andi %get3A_146, %and3A_175 : vector<16xi32>
      %and3A_177 = arith.constant 65535 : i32
      %and3A_178 = vector.broadcast %and3A_177 : i32 to vector<16xi32>
      %and3A_179 = arith.andi %get3A_150, %and3A_178 : vector<16xi32>
      %and3A_180 = arith.constant 65535 : i32
      %and3A_181 = vector.broadcast %and3A_180 : i32 to vector<16xi32>
      %and3A_182 = arith.andi %get3A_154, %and3A_181 : vector<16xi32>
      %and3A_183 = arith.constant 65535 : i32
      %and3A_184 = vector.broadcast %and3A_183 : i32 to vector<16xi32>
      %and3A_185 = arith.andi %get3A_158, %and3A_184 : vector<16xi32>
      %and3A_186 = arith.constant 65535 : i32
      %and3A_187 = vector.broadcast %and3A_186 : i32 to vector<16xi32>
      %and3A_188 = arith.andi %get3A_162, %and3A_187 : vector<16xi32>
      %and3A_189 = arith.constant 65535 : i32
      %and3A_190 = vector.broadcast %and3A_189 : i32 to vector<16xi32>
      %and3A_191 = arith.andi %get3A_166, %and3A_190 : vector<16xi32>
      %and3A_192 = arith.constant 65535 : i32
      %and3A_193 = vector.broadcast %and3A_192 : i32 to vector<16xi32>
      %and3A_194 = arith.andi %get3A_170, %and3A_193 : vector<16xi32>
      %shift_right_logical3A_195 = arith.constant 16 : i32
      %shift_right_logical3A_196 = vector.broadcast %shift_right_logical3A_195 : i32 to vector<16xi32>
      %shift_right_logical3A_197 = arith.shrui %get3A_142, %shift_right_logical3A_196 : vector<16xi32>
      %shift_right_logical3A_198 = arith.constant 16 : i32
      %shift_right_logical3A_199 = vector.broadcast %shift_right_logical3A_198 : i32 to vector<16xi32>
      %shift_right_logical3A_200 = arith.shrui %get3A_146, %shift_right_logical3A_199 : vector<16xi32>
      %shift_right_logical3A_201 = arith.constant 16 : i32
      %shift_right_logical3A_202 = vector.broadcast %shift_right_logical3A_201 : i32 to vector<16xi32>
      %shift_right_logical3A_203 = arith.shrui %get3A_150, %shift_right_logical3A_202 : vector<16xi32>
      %shift_right_logical3A_204 = arith.constant 16 : i32
      %shift_right_logical3A_205 = vector.broadcast %shift_right_logical3A_204 : i32 to vector<16xi32>
      %shift_right_logical3A_206 = arith.shrui %get3A_154, %shift_right_logical3A_205 : vector<16xi32>
      %shift_right_logical3A_207 = arith.constant 16 : i32
      %shift_right_logical3A_208 = vector.broadcast %shift_right_logical3A_207 : i32 to vector<16xi32>
      %shift_right_logical3A_209 = arith.shrui %get3A_158, %shift_right_logical3A_208 : vector<16xi32>
      %shift_right_logical3A_210 = arith.constant 16 : i32
      %shift_right_logical3A_211 = vector.broadcast %shift_right_logical3A_210 : i32 to vector<16xi32>
      %shift_right_logical3A_212 = arith.shrui %get3A_162, %shift_right_logical3A_211 : vector<16xi32>
      %shift_right_logical3A_213 = arith.constant 16 : i32
      %shift_right_logical3A_214 = vector.broadcast %shift_right_logical3A_213 : i32 to vector<16xi32>
      %shift_right_logical3A_215 = arith.shrui %get3A_166, %shift_right_logical3A_214 : vector<16xi32>
      %shift_right_logical3A_216 = arith.constant 16 : i32
      %shift_right_logical3A_217 = vector.broadcast %shift_right_logical3A_216 : i32 to vector<16xi32>
      %shift_right_logical3A_218 = arith.shrui %get3A_170, %shift_right_logical3A_217 : vector<16xi32>
      tpu.vector_store_idx %arg6[%and3A_173], %broadcast_in_dim3A_10 {add = true} : memref<32768xi32, #tpu.memory_space<vmem>>[vector<16xi32>], vector<16xi32>,
      tpu.vector_store_idx %arg6[%and3A_176], %broadcast_in_dim3A_10 {add = true} : memref<32768xi32, #tpu.memory_space<vmem>>[vector<16xi32>], vector<16xi32>,
      tpu.vector_store_idx %arg6[%and3A_179], %broadcast_in_dim3A_10 {add = true} : memref<32768xi32, #tpu.memory_space<vmem>>[vector<16xi32>], vector<16xi32>,
      tpu.vector_store_idx %arg6[%and3A_182], %broadcast_in_dim3A_10 {add = true} : memref<32768xi32, #tpu.memory_space<vmem>>[vector<16xi32>], vector<16xi32>,
      tpu.vector_store_idx %arg6[%and3A_185], %broadcast_in_dim3A_10 {add = true} : memref<32768xi32, #tpu.memory_space<vmem>>[vector<16xi32>], vector<16xi32>,
      tpu.vector_store_idx %arg6[%and3A_188], %broadcast_in_dim3A_10 {add = true} : memref<32768xi32, #tpu.memory_space<vmem>>[vector<16xi32>], vector<16xi32>,
      tpu.vector_store_idx %arg6[%and3A_191], %broadcast_in_dim3A_10 {add = true} : memref<32768xi32, #tpu.memory_space<vmem>>[vector<16xi32>], vector<16xi32>,
      tpu.vector_store_idx %arg6[%and3A_194], %broadcast_in_dim3A_10 {add = true} : memref<32768xi32, #tpu.memory_space<vmem>>[vector<16xi32>], vector<16xi32>,
      tpu.vector_store_idx %arg6[%shift_right_logical3A_197], %broadcast_in_dim3A_10 {add = true} : memref<32768xi32, #tpu.memory_space<vmem>>[vector<16xi32>], vector<16xi32>,
      tpu.vector_store_idx %arg6[%shift_right_logical3A_200], %broadcast_in_dim3A_10 {add = true} : memref<32768xi32, #tpu.memory_space<vmem>>[vector<16xi32>], vector<16xi32>,
      tpu.vector_store_idx %arg6[%shift_right_logical3A_203], %broadcast_in_dim3A_10 {add = true} : memref<32768xi32, #tpu.memory_space<vmem>>[vector<16xi32>], vector<16xi32>,
      tpu.vector_store_idx %arg6[%shift_right_logical3A_206], %broadcast_in_dim3A_10 {add = true} : memref<32768xi32, #tpu.memory_space<vmem>>[vector<16xi32>], vector<16xi32>,
      tpu.vector_store_idx %arg6[%shift_right_logical3A_209], %broadcast_in_dim3A_10 {add = true} : memref<32768xi32, #tpu.memory_space<vmem>>[vector<16xi32>], vector<16xi32>,
      tpu.vector_store_idx %arg6[%shift_right_logical3A_212], %broadcast_in_dim3A_10 {add = true} : memref<32768xi32, #tpu.memory_space<vmem>>[vector<16xi32>], vector<16xi32>,
      tpu.vector_store_idx %arg6[%shift_right_logical3A_215], %broadcast_in_dim3A_10 {add = true} : memref<32768xi32, #tpu.memory_space<vmem>>[vector<16xi32>], vector<16xi32>,
      tpu.vector_store_idx %arg6[%shift_right_logical3A_218], %broadcast_in_dim3A_10 {add = true} : memref<32768xi32, #tpu.memory_space<vmem>>[vector<16xi32>], vector<16xi32>,
    }
    %scan3A_34 = arith.constant 128 : i32
    %dma_wait3A_35 = tpu.memref_slice %arg2[%add3A_26] : memref<2097152xi32, #tpu.memory_space<hbm>> -> memref<16384xi32, #tpu.memory_space<hbm>>
    %dma_wait3A_36 = tpu.memref_slice %arg2[%add3A_26] : memref<2097152xi32, #tpu.memory_space<hbm>> -> memref<16384xi32, #tpu.memory_space<hbm>>
    tpu.wait_dma2 semaphore(%arg7 : memref<!tpu.dma_semaphore, #tpu.memory_space<semaphore_mem>>) src(%dma_wait3A_36 : memref<16384xi32, #tpu.memory_space<hbm>>) dst(%arg4 : memref<16384xi32, #tpu.memory_space<vmem>>)
    %add3A_37 = arith.constant 49152 : i32
    %add3A_38 = arith.addi %mul3A_2, %add3A_37 : i32
    %dma_start3A_39 = tpu.memref_slice %arg2[%add3A_38] : memref<2097152xi32, #tpu.memory_space<hbm>> -> memref<16384xi32, #tpu.memory_space<hbm>>
    %dma_start3A_40 = tpu.memref_slice %arg2[%add3A_38] : memref<2097152xi32, #tpu.memory_space<hbm>> -> memref<16384xi32, #tpu.memory_space<hbm>>
    tpu.enqueue_dma source(%dma_start3A_40 : memref<16384xi32, #tpu.memory_space<hbm>>) target(%arg5 : memref<16384xi32, #tpu.memory_space<vmem>>) target_semaphore(%arg8 : memref<!tpu.dma_semaphore, #tpu.memory_space<semaphore_mem>>)
    %scan3A_41 = arith.constant 0 : i32
    %scan3A_42 = arith.constant 0 : i32
    %scan3A_43 = arith.constant 128 : i32
    %scan3A_44 = arith.addi %scan3A_42, %scan3A_43 : i32
    %scan3A_45 = arith.constant 2 : i32
    scf.for %scan3A_55 = %scan3A_42 to %scan3A_44 step %scan3A_45  : i32 {
      %mul3A_56 = arith.constant 128 : i32
      %mul3A_57 = arith.muli %scan3A_55, %mul3A_56 : i32
      %add3A_58 = arith.constant 0 : i32
      %add3A_59 = arith.addi %mul3A_57, %add3A_58 : i32
      %get3A = arith.index_cast %add3A_59 : i32 to index
      %get3A_60 = tpu.vector_load %arg4[%get3A] {strides = array<i32>} : memref<16384xi32, #tpu.memory_space<vmem>>, vector<16xi32>,
      %add3A_61 = arith.constant 16 : i32
      %add3A_62 = arith.addi %mul3A_57, %add3A_61 : i32
      %get3A_63 = arith.index_cast %add3A_62 : i32 to index
      %get3A_64 = tpu.vector_load %arg4[%get3A_63] {strides = array<i32>} : memref<16384xi32, #tpu.memory_space<vmem>>, vector<16xi32>,
      %add3A_65 = arith.constant 32 : i32
      %add3A_66 = arith.addi %mul3A_57, %add3A_65 : i32
      %get3A_67 = arith.index_cast %add3A_66 : i32 to index
      %get3A_68 = tpu.vector_load %arg4[%get3A_67] {strides = array<i32>} : memref<16384xi32, #tpu.memory_space<vmem>>, vector<16xi32>,
      %add3A_69 = arith.constant 48 : i32
      %add3A_70 = arith.addi %mul3A_57, %add3A_69 : i32
      %get3A_71 = arith.index_cast %add3A_70 : i32 to index
      %get3A_72 = tpu.vector_load %arg4[%get3A_71] {strides = array<i32>} : memref<16384xi32, #tpu.memory_space<vmem>>, vector<16xi32>,
      %add3A_73 = arith.constant 64 : i32
      %add3A_74 = arith.addi %mul3A_57, %add3A_73 : i32
      %get3A_75 = arith.index_cast %add3A_74 : i32 to index
      %get3A_76 = tpu.vector_load %arg4[%get3A_75] {strides = array<i32>} : memref<16384xi32, #tpu.memory_space<vmem>>, vector<16xi32>,
      %add3A_77 = arith.constant 80 : i32
      %add3A_78 = arith.addi %mul3A_57, %add3A_77 : i32
      %get3A_79 = arith.index_cast %add3A_78 : i32 to index
      %get3A_80 = tpu.vector_load %arg4[%get3A_79] {strides = array<i32>} : memref<16384xi32, #tpu.memory_space<vmem>>, vector<16xi32>,
      %add3A_81 = arith.constant 96 : i32
      %add3A_82 = arith.addi %mul3A_57, %add3A_81 : i32
      %get3A_83 = arith.index_cast %add3A_82 : i32 to index
      %get3A_84 = tpu.vector_load %arg4[%get3A_83] {strides = array<i32>} : memref<16384xi32, #tpu.memory_space<vmem>>, vector<16xi32>,
      %add3A_85 = arith.constant 112 : i32
      %add3A_86 = arith.addi %mul3A_57, %add3A_85 : i32
      %get3A_87 = arith.index_cast %add3A_86 : i32 to index
      %get3A_88 = tpu.vector_load %arg4[%get3A_87] {strides = array<i32>} : memref<16384xi32, #tpu.memory_space<vmem>>, vector<16xi32>,
      %and3A = arith.constant 65535 : i32
      %and3A_89 = vector.broadcast %and3A : i32 to vector<16xi32>
      %and3A_90 = arith.andi %get3A_60, %and3A_89 : vector<16xi32>
      %and3A_91 = arith.constant 65535 : i32
      %and3A_92 = vector.broadcast %and3A_91 : i32 to vector<16xi32>
      %and3A_93 = arith.andi %get3A_64, %and3A_92 : vector<16xi32>
      %and3A_94 = arith.constant 65535 : i32
      %and3A_95 = vector.broadcast %and3A_94 : i32 to vector<16xi32>
      %and3A_96 = arith.andi %get3A_68, %and3A_95 : vector<16xi32>
      %and3A_97 = arith.constant 65535 : i32
      %and3A_98 = vector.broadcast %and3A_97 : i32 to vector<16xi32>
      %and3A_99 = arith.andi %get3A_72, %and3A_98 : vector<16xi32>
      %and3A_100 = arith.constant 65535 : i32
      %and3A_101 = vector.broadcast %and3A_100 : i32 to vector<16xi32>
      %and3A_102 = arith.andi %get3A_76, %and3A_101 : vector<16xi32>
      %and3A_103 = arith.constant 65535 : i32
      %and3A_104 = vector.broadcast %and3A_103 : i32 to vector<16xi32>
      %and3A_105 = arith.andi %get3A_80, %and3A_104 : vector<16xi32>
      %and3A_106 = arith.constant 65535 : i32
      %and3A_107 = vector.broadcast %and3A_106 : i32 to vector<16xi32>
      %and3A_108 = arith.andi %get3A_84, %and3A_107 : vector<16xi32>
      %and3A_109 = arith.constant 65535 : i32
      %and3A_110 = vector.broadcast %and3A_109 : i32 to vector<16xi32>
      %and3A_111 = arith.andi %get3A_88, %and3A_110 : vector<16xi32>
      %shift_right_logical3A = arith.constant 16 : i32
      %shift_right_logical3A_112 = vector.broadcast %shift_right_logical3A : i32 to vector<16xi32>
      %shift_right_logical3A_113 = arith.shrui %get3A_60, %shift_right_logical3A_112 : vector<16xi32>
      %shift_right_logical3A_114 = arith.constant 16 : i32
      %shift_right_logical3A_115 = vector.broadcast %shift_right_logical3A_114 : i32 to vector<16xi32>
      %shift_right_logical3A_116 = arith.shrui %get3A_64, %shift_right_logical3A_115 : vector<16xi32>
      %shift_right_logical3A_117 = arith.constant 16 : i32
      %shift_right_logical3A_118 = vector.broadcast %shift_right_logical3A_117 : i32 to vector<16xi32>
      %shift_right_logical3A_119 = arith.shrui %get3A_68, %shift_right_logical3A_118 : vector<16xi32>
      %shift_right_logical3A_120 = arith.constant 16 : i32
      %shift_right_logical3A_121 = vector.broadcast %shift_right_logical3A_120 : i32 to vector<16xi32>
      %shift_right_logical3A_122 = arith.shrui %get3A_72, %shift_right_logical3A_121 : vector<16xi32>
      %shift_right_logical3A_123 = arith.constant 16 : i32
      %shift_right_logical3A_124 = vector.broadcast %shift_right_logical3A_123 : i32 to vector<16xi32>
      %shift_right_logical3A_125 = arith.shrui %get3A_76, %shift_right_logical3A_124 : vector<16xi32>
      %shift_right_logical3A_126 = arith.constant 16 : i32
      %shift_right_logical3A_127 = vector.broadcast %shift_right_logical3A_126 : i32 to vector<16xi32>
      %shift_right_logical3A_128 = arith.shrui %get3A_80, %shift_right_logical3A_127 : vector<16xi32>
      %shift_right_logical3A_129 = arith.constant 16 : i32
      %shift_right_logical3A_130 = vector.broadcast %shift_right_logical3A_129 : i32 to vector<16xi32>
      %shift_right_logical3A_131 = arith.shrui %get3A_84, %shift_right_logical3A_130 : vector<16xi32>
      %shift_right_logical3A_132 = arith.constant 16 : i32
      %shift_right_logical3A_133 = vector.broadcast %shift_right_logical3A_132 : i32 to vector<16xi32>
      %shift_right_logical3A_134 = arith.shrui %get3A_88, %shift_right_logical3A_133 : vector<16xi32>
      tpu.vector_store_idx %arg6[%and3A_90], %broadcast_in_dim3A_10 {add = true} : memref<32768xi32, #tpu.memory_space<vmem>>[vector<16xi32>], vector<16xi32>,
      tpu.vector_store_idx %arg6[%and3A_93], %broadcast_in_dim3A_10 {add = true} : memref<32768xi32, #tpu.memory_space<vmem>>[vector<16xi32>], vector<16xi32>,
      tpu.vector_store_idx %arg6[%and3A_96], %broadcast_in_dim3A_10 {add = true} : memref<32768xi32, #tpu.memory_space<vmem>>[vector<16xi32>], vector<16xi32>,
      tpu.vector_store_idx %arg6[%and3A_99], %broadcast_in_dim3A_10 {add = true} : memref<32768xi32, #tpu.memory_space<vmem>>[vector<16xi32>], vector<16xi32>,
      tpu.vector_store_idx %arg6[%and3A_102], %broadcast_in_dim3A_10 {add = true} : memref<32768xi32, #tpu.memory_space<vmem>>[vector<16xi32>], vector<16xi32>,
      tpu.vector_store_idx %arg6[%and3A_105], %broadcast_in_dim3A_10 {add = true} : memref<32768xi32, #tpu.memory_space<vmem>>[vector<16xi32>], vector<16xi32>,
      tpu.vector_store_idx %arg6[%and3A_108], %broadcast_in_dim3A_10 {add = true} : memref<32768xi32, #tpu.memory_space<vmem>>[vector<16xi32>], vector<16xi32>,
      tpu.vector_store_idx %arg6[%and3A_111], %broadcast_in_dim3A_10 {add = true} : memref<32768xi32, #tpu.memory_space<vmem>>[vector<16xi32>], vector<16xi32>,
      tpu.vector_store_idx %arg6[%shift_right_logical3A_113], %broadcast_in_dim3A_10 {add = true} : memref<32768xi32, #tpu.memory_space<vmem>>[vector<16xi32>], vector<16xi32>,
      tpu.vector_store_idx %arg6[%shift_right_logical3A_116], %broadcast_in_dim3A_10 {add = true} : memref<32768xi32, #tpu.memory_space<vmem>>[vector<16xi32>], vector<16xi32>,
      tpu.vector_store_idx %arg6[%shift_right_logical3A_119], %broadcast_in_dim3A_10 {add = true} : memref<32768xi32, #tpu.memory_space<vmem>>[vector<16xi32>], vector<16xi32>,
      tpu.vector_store_idx %arg6[%shift_right_logical3A_122], %broadcast_in_dim3A_10 {add = true} : memref<32768xi32, #tpu.memory_space<vmem>>[vector<16xi32>], vector<16xi32>,
      tpu.vector_store_idx %arg6[%shift_right_logical3A_125], %broadcast_in_dim3A_10 {add = true} : memref<32768xi32, #tpu.memory_space<vmem>>[vector<16xi32>], vector<16xi32>,
      tpu.vector_store_idx %arg6[%shift_right_logical3A_128], %broadcast_in_dim3A_10 {add = true} : memref<32768xi32, #tpu.memory_space<vmem>>[vector<16xi32>], vector<16xi32>,
      tpu.vector_store_idx %arg6[%shift_right_logical3A_131], %broadcast_in_dim3A_10 {add = true} : memref<32768xi32, #tpu.memory_space<vmem>>[vector<16xi32>], vector<16xi32>,
      tpu.vector_store_idx %arg6[%shift_right_logical3A_134], %broadcast_in_dim3A_10 {add = true} : memref<32768xi32, #tpu.memory_space<vmem>>[vector<16xi32>], vector<16xi32>,
      %scan3A_135 = arith.constant 1 : i32
      %scan3A_136 = arith.addi %scan3A_55, %scan3A_135 : i32
      %mul3A_137 = arith.constant 128 : i32
      %mul3A_138 = arith.muli %scan3A_136, %mul3A_137 : i32
      %add3A_139 = arith.constant 0 : i32
      %add3A_140 = arith.addi %mul3A_138, %add3A_139 : i32
      %get3A_141 = arith.index_cast %add3A_140 : i32 to index
      %get3A_142 = tpu.vector_load %arg4[%get3A_141] {strides = array<i32>} : memref<16384xi32, #tpu.memory_space<vmem>>, vector<16xi32>,
      %add3A_143 = arith.constant 16 : i32
      %add3A_144 = arith.addi %mul3A_138, %add3A_143 : i32
      %get3A_145 = arith.index_cast %add3A_144 : i32 to index
      %get3A_146 = tpu.vector_load %arg4[%get3A_145] {strides = array<i32>} : memref<16384xi32, #tpu.memory_space<vmem>>, vector<16xi32>,
      %add3A_147 = arith.constant 32 : i32
      %add3A_148 = arith.addi %mul3A_138, %add3A_147 : i32
      %get3A_149 = arith.index_cast %add3A_148 : i32 to index
      %get3A_150 = tpu.vector_load %arg4[%get3A_149] {strides = array<i32>} : memref<16384xi32, #tpu.memory_space<vmem>>, vector<16xi32>,
      %add3A_151 = arith.constant 48 : i32
      %add3A_152 = arith.addi %mul3A_138, %add3A_151 : i32
      %get3A_153 = arith.index_cast %add3A_152 : i32 to index
      %get3A_154 = tpu.vector_load %arg4[%get3A_153] {strides = array<i32>} : memref<16384xi32, #tpu.memory_space<vmem>>, vector<16xi32>,
      %add3A_155 = arith.constant 64 : i32
      %add3A_156 = arith.addi %mul3A_138, %add3A_155 : i32
      %get3A_157 = arith.index_cast %add3A_156 : i32 to index
      %get3A_158 = tpu.vector_load %arg4[%get3A_157] {strides = array<i32>} : memref<16384xi32, #tpu.memory_space<vmem>>, vector<16xi32>,
      %add3A_159 = arith.constant 80 : i32
      %add3A_160 = arith.addi %mul3A_138, %add3A_159 : i32
      %get3A_161 = arith.index_cast %add3A_160 : i32 to index
      %get3A_162 = tpu.vector_load %arg4[%get3A_161] {strides = array<i32>} : memref<16384xi32, #tpu.memory_space<vmem>>, vector<16xi32>,
      %add3A_163 = arith.constant 96 : i32
      %add3A_164 = arith.addi %mul3A_138, %add3A_163 : i32
      %get3A_165 = arith.index_cast %add3A_164 : i32 to index
      %get3A_166 = tpu.vector_load %arg4[%get3A_165] {strides = array<i32>} : memref<16384xi32, #tpu.memory_space<vmem>>, vector<16xi32>,
      %add3A_167 = arith.constant 112 : i32
      %add3A_168 = arith.addi %mul3A_138, %add3A_167 : i32
      %get3A_169 = arith.index_cast %add3A_168 : i32 to index
      %get3A_170 = tpu.vector_load %arg4[%get3A_169] {strides = array<i32>} : memref<16384xi32, #tpu.memory_space<vmem>>, vector<16xi32>,
      %and3A_171 = arith.constant 65535 : i32
      %and3A_172 = vector.broadcast %and3A_171 : i32 to vector<16xi32>
      %and3A_173 = arith.andi %get3A_142, %and3A_172 : vector<16xi32>
      %and3A_174 = arith.constant 65535 : i32
      %and3A_175 = vector.broadcast %and3A_174 : i32 to vector<16xi32>
      %and3A_176 = arith.andi %get3A_146, %and3A_175 : vector<16xi32>
      %and3A_177 = arith.constant 65535 : i32
      %and3A_178 = vector.broadcast %and3A_177 : i32 to vector<16xi32>
      %and3A_179 = arith.andi %get3A_150, %and3A_178 : vector<16xi32>
      %and3A_180 = arith.constant 65535 : i32
      %and3A_181 = vector.broadcast %and3A_180 : i32 to vector<16xi32>
      %and3A_182 = arith.andi %get3A_154, %and3A_181 : vector<16xi32>
      %and3A_183 = arith.constant 65535 : i32
      %and3A_184 = vector.broadcast %and3A_183 : i32 to vector<16xi32>
      %and3A_185 = arith.andi %get3A_158, %and3A_184 : vector<16xi32>
      %and3A_186 = arith.constant 65535 : i32
      %and3A_187 = vector.broadcast %and3A_186 : i32 to vector<16xi32>
      %and3A_188 = arith.andi %get3A_162, %and3A_187 : vector<16xi32>
      %and3A_189 = arith.constant 65535 : i32
      %and3A_190 = vector.broadcast %and3A_189 : i32 to vector<16xi32>
      %and3A_191 = arith.andi %get3A_166, %and3A_190 : vector<16xi32>
      %and3A_192 = arith.constant 65535 : i32
      %and3A_193 = vector.broadcast %and3A_192 : i32 to vector<16xi32>
      %and3A_194 = arith.andi %get3A_170, %and3A_193 : vector<16xi32>
      %shift_right_logical3A_195 = arith.constant 16 : i32
      %shift_right_logical3A_196 = vector.broadcast %shift_right_logical3A_195 : i32 to vector<16xi32>
      %shift_right_logical3A_197 = arith.shrui %get3A_142, %shift_right_logical3A_196 : vector<16xi32>
      %shift_right_logical3A_198 = arith.constant 16 : i32
      %shift_right_logical3A_199 = vector.broadcast %shift_right_logical3A_198 : i32 to vector<16xi32>
      %shift_right_logical3A_200 = arith.shrui %get3A_146, %shift_right_logical3A_199 : vector<16xi32>
      %shift_right_logical3A_201 = arith.constant 16 : i32
      %shift_right_logical3A_202 = vector.broadcast %shift_right_logical3A_201 : i32 to vector<16xi32>
      %shift_right_logical3A_203 = arith.shrui %get3A_150, %shift_right_logical3A_202 : vector<16xi32>
      %shift_right_logical3A_204 = arith.constant 16 : i32
      %shift_right_logical3A_205 = vector.broadcast %shift_right_logical3A_204 : i32 to vector<16xi32>
      %shift_right_logical3A_206 = arith.shrui %get3A_154, %shift_right_logical3A_205 : vector<16xi32>
      %shift_right_logical3A_207 = arith.constant 16 : i32
      %shift_right_logical3A_208 = vector.broadcast %shift_right_logical3A_207 : i32 to vector<16xi32>
      %shift_right_logical3A_209 = arith.shrui %get3A_158, %shift_right_logical3A_208 : vector<16xi32>
      %shift_right_logical3A_210 = arith.constant 16 : i32
      %shift_right_logical3A_211 = vector.broadcast %shift_right_logical3A_210 : i32 to vector<16xi32>
      %shift_right_logical3A_212 = arith.shrui %get3A_162, %shift_right_logical3A_211 : vector<16xi32>
      %shift_right_logical3A_213 = arith.constant 16 : i32
      %shift_right_logical3A_214 = vector.broadcast %shift_right_logical3A_213 : i32 to vector<16xi32>
      %shift_right_logical3A_215 = arith.shrui %get3A_166, %shift_right_logical3A_214 : vector<16xi32>
      %shift_right_logical3A_216 = arith.constant 16 : i32
      %shift_right_logical3A_217 = vector.broadcast %shift_right_logical3A_216 : i32 to vector<16xi32>
      %shift_right_logical3A_218 = arith.shrui %get3A_170, %shift_right_logical3A_217 : vector<16xi32>
      tpu.vector_store_idx %arg6[%and3A_173], %broadcast_in_dim3A_10 {add = true} : memref<32768xi32, #tpu.memory_space<vmem>>[vector<16xi32>], vector<16xi32>,
      tpu.vector_store_idx %arg6[%and3A_176], %broadcast_in_dim3A_10 {add = true} : memref<32768xi32, #tpu.memory_space<vmem>>[vector<16xi32>], vector<16xi32>,
      tpu.vector_store_idx %arg6[%and3A_179], %broadcast_in_dim3A_10 {add = true} : memref<32768xi32, #tpu.memory_space<vmem>>[vector<16xi32>], vector<16xi32>,
      tpu.vector_store_idx %arg6[%and3A_182], %broadcast_in_dim3A_10 {add = true} : memref<32768xi32, #tpu.memory_space<vmem>>[vector<16xi32>], vector<16xi32>,
      tpu.vector_store_idx %arg6[%and3A_185], %broadcast_in_dim3A_10 {add = true} : memref<32768xi32, #tpu.memory_space<vmem>>[vector<16xi32>], vector<16xi32>,
      tpu.vector_store_idx %arg6[%and3A_188], %broadcast_in_dim3A_10 {add = true} : memref<32768xi32, #tpu.memory_space<vmem>>[vector<16xi32>], vector<16xi32>,
      tpu.vector_store_idx %arg6[%and3A_191], %broadcast_in_dim3A_10 {add = true} : memref<32768xi32, #tpu.memory_space<vmem>>[vector<16xi32>], vector<16xi32>,
      tpu.vector_store_idx %arg6[%and3A_194], %broadcast_in_dim3A_10 {add = true} : memref<32768xi32, #tpu.memory_space<vmem>>[vector<16xi32>], vector<16xi32>,
      tpu.vector_store_idx %arg6[%shift_right_logical3A_197], %broadcast_in_dim3A_10 {add = true} : memref<32768xi32, #tpu.memory_space<vmem>>[vector<16xi32>], vector<16xi32>,
      tpu.vector_store_idx %arg6[%shift_right_logical3A_200], %broadcast_in_dim3A_10 {add = true} : memref<32768xi32, #tpu.memory_space<vmem>>[vector<16xi32>], vector<16xi32>,
      tpu.vector_store_idx %arg6[%shift_right_logical3A_203], %broadcast_in_dim3A_10 {add = true} : memref<32768xi32, #tpu.memory_space<vmem>>[vector<16xi32>], vector<16xi32>,
      tpu.vector_store_idx %arg6[%shift_right_logical3A_206], %broadcast_in_dim3A_10 {add = true} : memref<32768xi32, #tpu.memory_space<vmem>>[vector<16xi32>], vector<16xi32>,
      tpu.vector_store_idx %arg6[%shift_right_logical3A_209], %broadcast_in_dim3A_10 {add = true} : memref<32768xi32, #tpu.memory_space<vmem>>[vector<16xi32>], vector<16xi32>,
      tpu.vector_store_idx %arg6[%shift_right_logical3A_212], %broadcast_in_dim3A_10 {add = true} : memref<32768xi32, #tpu.memory_space<vmem>>[vector<16xi32>], vector<16xi32>,
      tpu.vector_store_idx %arg6[%shift_right_logical3A_215], %broadcast_in_dim3A_10 {add = true} : memref<32768xi32, #tpu.memory_space<vmem>>[vector<16xi32>], vector<16xi32>,
      tpu.vector_store_idx %arg6[%shift_right_logical3A_218], %broadcast_in_dim3A_10 {add = true} : memref<32768xi32, #tpu.memory_space<vmem>>[vector<16xi32>], vector<16xi32>,
    }
    %scan3A_46 = arith.constant 128 : i32
    %dma_wait3A_47 = tpu.memref_slice %arg2[%add3A_38] : memref<2097152xi32, #tpu.memory_space<hbm>> -> memref<16384xi32, #tpu.memory_space<hbm>>
    %dma_wait3A_48 = tpu.memref_slice %arg2[%add3A_38] : memref<2097152xi32, #tpu.memory_space<hbm>> -> memref<16384xi32, #tpu.memory_space<hbm>>
    tpu.wait_dma2 semaphore(%arg8 : memref<!tpu.dma_semaphore, #tpu.memory_space<semaphore_mem>>) src(%dma_wait3A_48 : memref<16384xi32, #tpu.memory_space<hbm>>) dst(%arg5 : memref<16384xi32, #tpu.memory_space<vmem>>)
    %scan3A_49 = arith.constant 0 : i32
    %scan3A_50 = arith.constant 0 : i32
    %scan3A_51 = arith.constant 128 : i32
    %scan3A_52 = arith.addi %scan3A_50, %scan3A_51 : i32
    %scan3A_53 = arith.constant 2 : i32
    scf.for %scan3A_55 = %scan3A_50 to %scan3A_52 step %scan3A_53  : i32 {
      %mul3A_56 = arith.constant 128 : i32
      %mul3A_57 = arith.muli %scan3A_55, %mul3A_56 : i32
      %add3A_58 = arith.constant 0 : i32
      %add3A_59 = arith.addi %mul3A_57, %add3A_58 : i32
      %get3A = arith.index_cast %add3A_59 : i32 to index
      %get3A_60 = tpu.vector_load %arg5[%get3A] {strides = array<i32>} : memref<16384xi32, #tpu.memory_space<vmem>>, vector<16xi32>,
      %add3A_61 = arith.constant 16 : i32
      %add3A_62 = arith.addi %mul3A_57, %add3A_61 : i32
      %get3A_63 = arith.index_cast %add3A_62 : i32 to index
      %get3A_64 = tpu.vector_load %arg5[%get3A_63] {strides = array<i32>} : memref<16384xi32, #tpu.memory_space<vmem>>, vector<16xi32>,
      %add3A_65 = arith.constant 32 : i32
      %add3A_66 = arith.addi %mul3A_57, %add3A_65 : i32
      %get3A_67 = arith.index_cast %add3A_66 : i32 to index
      %get3A_68 = tpu.vector_load %arg5[%get3A_67] {strides = array<i32>} : memref<16384xi32, #tpu.memory_space<vmem>>, vector<16xi32>,
      %add3A_69 = arith.constant 48 : i32
      %add3A_70 = arith.addi %mul3A_57, %add3A_69 : i32
      %get3A_71 = arith.index_cast %add3A_70 : i32 to index
      %get3A_72 = tpu.vector_load %arg5[%get3A_71] {strides = array<i32>} : memref<16384xi32, #tpu.memory_space<vmem>>, vector<16xi32>,
      %add3A_73 = arith.constant 64 : i32
      %add3A_74 = arith.addi %mul3A_57, %add3A_73 : i32
      %get3A_75 = arith.index_cast %add3A_74 : i32 to index
      %get3A_76 = tpu.vector_load %arg5[%get3A_75] {strides = array<i32>} : memref<16384xi32, #tpu.memory_space<vmem>>, vector<16xi32>,
      %add3A_77 = arith.constant 80 : i32
      %add3A_78 = arith.addi %mul3A_57, %add3A_77 : i32
      %get3A_79 = arith.index_cast %add3A_78 : i32 to index
      %get3A_80 = tpu.vector_load %arg5[%get3A_79] {strides = array<i32>} : memref<16384xi32, #tpu.memory_space<vmem>>, vector<16xi32>,
      %add3A_81 = arith.constant 96 : i32
      %add3A_82 = arith.addi %mul3A_57, %add3A_81 : i32
      %get3A_83 = arith.index_cast %add3A_82 : i32 to index
      %get3A_84 = tpu.vector_load %arg5[%get3A_83] {strides = array<i32>} : memref<16384xi32, #tpu.memory_space<vmem>>, vector<16xi32>,
      %add3A_85 = arith.constant 112 : i32
      %add3A_86 = arith.addi %mul3A_57, %add3A_85 : i32
      %get3A_87 = arith.index_cast %add3A_86 : i32 to index
      %get3A_88 = tpu.vector_load %arg5[%get3A_87] {strides = array<i32>} : memref<16384xi32, #tpu.memory_space<vmem>>, vector<16xi32>,
      %and3A = arith.constant 65535 : i32
      %and3A_89 = vector.broadcast %and3A : i32 to vector<16xi32>
      %and3A_90 = arith.andi %get3A_60, %and3A_89 : vector<16xi32>
      %and3A_91 = arith.constant 65535 : i32
      %and3A_92 = vector.broadcast %and3A_91 : i32 to vector<16xi32>
      %and3A_93 = arith.andi %get3A_64, %and3A_92 : vector<16xi32>
      %and3A_94 = arith.constant 65535 : i32
      %and3A_95 = vector.broadcast %and3A_94 : i32 to vector<16xi32>
      %and3A_96 = arith.andi %get3A_68, %and3A_95 : vector<16xi32>
      %and3A_97 = arith.constant 65535 : i32
      %and3A_98 = vector.broadcast %and3A_97 : i32 to vector<16xi32>
      %and3A_99 = arith.andi %get3A_72, %and3A_98 : vector<16xi32>
      %and3A_100 = arith.constant 65535 : i32
      %and3A_101 = vector.broadcast %and3A_100 : i32 to vector<16xi32>
      %and3A_102 = arith.andi %get3A_76, %and3A_101 : vector<16xi32>
      %and3A_103 = arith.constant 65535 : i32
      %and3A_104 = vector.broadcast %and3A_103 : i32 to vector<16xi32>
      %and3A_105 = arith.andi %get3A_80, %and3A_104 : vector<16xi32>
      %and3A_106 = arith.constant 65535 : i32
      %and3A_107 = vector.broadcast %and3A_106 : i32 to vector<16xi32>
      %and3A_108 = arith.andi %get3A_84, %and3A_107 : vector<16xi32>
      %and3A_109 = arith.constant 65535 : i32
      %and3A_110 = vector.broadcast %and3A_109 : i32 to vector<16xi32>
      %and3A_111 = arith.andi %get3A_88, %and3A_110 : vector<16xi32>
      %shift_right_logical3A = arith.constant 16 : i32
      %shift_right_logical3A_112 = vector.broadcast %shift_right_logical3A : i32 to vector<16xi32>
      %shift_right_logical3A_113 = arith.shrui %get3A_60, %shift_right_logical3A_112 : vector<16xi32>
      %shift_right_logical3A_114 = arith.constant 16 : i32
      %shift_right_logical3A_115 = vector.broadcast %shift_right_logical3A_114 : i32 to vector<16xi32>
      %shift_right_logical3A_116 = arith.shrui %get3A_64, %shift_right_logical3A_115 : vector<16xi32>
      %shift_right_logical3A_117 = arith.constant 16 : i32
      %shift_right_logical3A_118 = vector.broadcast %shift_right_logical3A_117 : i32 to vector<16xi32>
      %shift_right_logical3A_119 = arith.shrui %get3A_68, %shift_right_logical3A_118 : vector<16xi32>
      %shift_right_logical3A_120 = arith.constant 16 : i32
      %shift_right_logical3A_121 = vector.broadcast %shift_right_logical3A_120 : i32 to vector<16xi32>
      %shift_right_logical3A_122 = arith.shrui %get3A_72, %shift_right_logical3A_121 : vector<16xi32>
      %shift_right_logical3A_123 = arith.constant 16 : i32
      %shift_right_logical3A_124 = vector.broadcast %shift_right_logical3A_123 : i32 to vector<16xi32>
      %shift_right_logical3A_125 = arith.shrui %get3A_76, %shift_right_logical3A_124 : vector<16xi32>
      %shift_right_logical3A_126 = arith.constant 16 : i32
      %shift_right_logical3A_127 = vector.broadcast %shift_right_logical3A_126 : i32 to vector<16xi32>
      %shift_right_logical3A_128 = arith.shrui %get3A_80, %shift_right_logical3A_127 : vector<16xi32>
      %shift_right_logical3A_129 = arith.constant 16 : i32
      %shift_right_logical3A_130 = vector.broadcast %shift_right_logical3A_129 : i32 to vector<16xi32>
      %shift_right_logical3A_131 = arith.shrui %get3A_84, %shift_right_logical3A_130 : vector<16xi32>
      %shift_right_logical3A_132 = arith.constant 16 : i32
      %shift_right_logical3A_133 = vector.broadcast %shift_right_logical3A_132 : i32 to vector<16xi32>
      %shift_right_logical3A_134 = arith.shrui %get3A_88, %shift_right_logical3A_133 : vector<16xi32>
      tpu.vector_store_idx %arg6[%and3A_90], %broadcast_in_dim3A_10 {add = true} : memref<32768xi32, #tpu.memory_space<vmem>>[vector<16xi32>], vector<16xi32>,
      tpu.vector_store_idx %arg6[%and3A_93], %broadcast_in_dim3A_10 {add = true} : memref<32768xi32, #tpu.memory_space<vmem>>[vector<16xi32>], vector<16xi32>,
      tpu.vector_store_idx %arg6[%and3A_96], %broadcast_in_dim3A_10 {add = true} : memref<32768xi32, #tpu.memory_space<vmem>>[vector<16xi32>], vector<16xi32>,
      tpu.vector_store_idx %arg6[%and3A_99], %broadcast_in_dim3A_10 {add = true} : memref<32768xi32, #tpu.memory_space<vmem>>[vector<16xi32>], vector<16xi32>,
      tpu.vector_store_idx %arg6[%and3A_102], %broadcast_in_dim3A_10 {add = true} : memref<32768xi32, #tpu.memory_space<vmem>>[vector<16xi32>], vector<16xi32>,
      tpu.vector_store_idx %arg6[%and3A_105], %broadcast_in_dim3A_10 {add = true} : memref<32768xi32, #tpu.memory_space<vmem>>[vector<16xi32>], vector<16xi32>,
      tpu.vector_store_idx %arg6[%and3A_108], %broadcast_in_dim3A_10 {add = true} : memref<32768xi32, #tpu.memory_space<vmem>>[vector<16xi32>], vector<16xi32>,
      tpu.vector_store_idx %arg6[%and3A_111], %broadcast_in_dim3A_10 {add = true} : memref<32768xi32, #tpu.memory_space<vmem>>[vector<16xi32>], vector<16xi32>,
      tpu.vector_store_idx %arg6[%shift_right_logical3A_113], %broadcast_in_dim3A_10 {add = true} : memref<32768xi32, #tpu.memory_space<vmem>>[vector<16xi32>], vector<16xi32>,
      tpu.vector_store_idx %arg6[%shift_right_logical3A_116], %broadcast_in_dim3A_10 {add = true} : memref<32768xi32, #tpu.memory_space<vmem>>[vector<16xi32>], vector<16xi32>,
      tpu.vector_store_idx %arg6[%shift_right_logical3A_119], %broadcast_in_dim3A_10 {add = true} : memref<32768xi32, #tpu.memory_space<vmem>>[vector<16xi32>], vector<16xi32>,
      tpu.vector_store_idx %arg6[%shift_right_logical3A_122], %broadcast_in_dim3A_10 {add = true} : memref<32768xi32, #tpu.memory_space<vmem>>[vector<16xi32>], vector<16xi32>,
      tpu.vector_store_idx %arg6[%shift_right_logical3A_125], %broadcast_in_dim3A_10 {add = true} : memref<32768xi32, #tpu.memory_space<vmem>>[vector<16xi32>], vector<16xi32>,
      tpu.vector_store_idx %arg6[%shift_right_logical3A_128], %broadcast_in_dim3A_10 {add = true} : memref<32768xi32, #tpu.memory_space<vmem>>[vector<16xi32>], vector<16xi32>,
      tpu.vector_store_idx %arg6[%shift_right_logical3A_131], %broadcast_in_dim3A_10 {add = true} : memref<32768xi32, #tpu.memory_space<vmem>>[vector<16xi32>], vector<16xi32>,
      tpu.vector_store_idx %arg6[%shift_right_logical3A_134], %broadcast_in_dim3A_10 {add = true} : memref<32768xi32, #tpu.memory_space<vmem>>[vector<16xi32>], vector<16xi32>,
      %scan3A_135 = arith.constant 1 : i32
      %scan3A_136 = arith.addi %scan3A_55, %scan3A_135 : i32
      %mul3A_137 = arith.constant 128 : i32
      %mul3A_138 = arith.muli %scan3A_136, %mul3A_137 : i32
      %add3A_139 = arith.constant 0 : i32
      %add3A_140 = arith.addi %mul3A_138, %add3A_139 : i32
      %get3A_141 = arith.index_cast %add3A_140 : i32 to index
      %get3A_142 = tpu.vector_load %arg5[%get3A_141] {strides = array<i32>} : memref<16384xi32, #tpu.memory_space<vmem>>, vector<16xi32>,
      %add3A_143 = arith.constant 16 : i32
      %add3A_144 = arith.addi %mul3A_138, %add3A_143 : i32
      %get3A_145 = arith.index_cast %add3A_144 : i32 to index
      %get3A_146 = tpu.vector_load %arg5[%get3A_145] {strides = array<i32>} : memref<16384xi32, #tpu.memory_space<vmem>>, vector<16xi32>,
      %add3A_147 = arith.constant 32 : i32
      %add3A_148 = arith.addi %mul3A_138, %add3A_147 : i32
      %get3A_149 = arith.index_cast %add3A_148 : i32 to index
      %get3A_150 = tpu.vector_load %arg5[%get3A_149] {strides = array<i32>} : memref<16384xi32, #tpu.memory_space<vmem>>, vector<16xi32>,
      %add3A_151 = arith.constant 48 : i32
      %add3A_152 = arith.addi %mul3A_138, %add3A_151 : i32
      %get3A_153 = arith.index_cast %add3A_152 : i32 to index
      %get3A_154 = tpu.vector_load %arg5[%get3A_153] {strides = array<i32>} : memref<16384xi32, #tpu.memory_space<vmem>>, vector<16xi32>,
      %add3A_155 = arith.constant 64 : i32
      %add3A_156 = arith.addi %mul3A_138, %add3A_155 : i32
      %get3A_157 = arith.index_cast %add3A_156 : i32 to index
      %get3A_158 = tpu.vector_load %arg5[%get3A_157] {strides = array<i32>} : memref<16384xi32, #tpu.memory_space<vmem>>, vector<16xi32>,
      %add3A_159 = arith.constant 80 : i32
      %add3A_160 = arith.addi %mul3A_138, %add3A_159 : i32
      %get3A_161 = arith.index_cast %add3A_160 : i32 to index
      %get3A_162 = tpu.vector_load %arg5[%get3A_161] {strides = array<i32>} : memref<16384xi32, #tpu.memory_space<vmem>>, vector<16xi32>,
      %add3A_163 = arith.constant 96 : i32
      %add3A_164 = arith.addi %mul3A_138, %add3A_163 : i32
      %get3A_165 = arith.index_cast %add3A_164 : i32 to index
      %get3A_166 = tpu.vector_load %arg5[%get3A_165] {strides = array<i32>} : memref<16384xi32, #tpu.memory_space<vmem>>, vector<16xi32>,
      %add3A_167 = arith.constant 112 : i32
      %add3A_168 = arith.addi %mul3A_138, %add3A_167 : i32
      %get3A_169 = arith.index_cast %add3A_168 : i32 to index
      %get3A_170 = tpu.vector_load %arg5[%get3A_169] {strides = array<i32>} : memref<16384xi32, #tpu.memory_space<vmem>>, vector<16xi32>,
      %and3A_171 = arith.constant 65535 : i32
      %and3A_172 = vector.broadcast %and3A_171 : i32 to vector<16xi32>
      %and3A_173 = arith.andi %get3A_142, %and3A_172 : vector<16xi32>
      %and3A_174 = arith.constant 65535 : i32
      %and3A_175 = vector.broadcast %and3A_174 : i32 to vector<16xi32>
      %and3A_176 = arith.andi %get3A_146, %and3A_175 : vector<16xi32>
      %and3A_177 = arith.constant 65535 : i32
      %and3A_178 = vector.broadcast %and3A_177 : i32 to vector<16xi32>
      %and3A_179 = arith.andi %get3A_150, %and3A_178 : vector<16xi32>
      %and3A_180 = arith.constant 65535 : i32
      %and3A_181 = vector.broadcast %and3A_180 : i32 to vector<16xi32>
      %and3A_182 = arith.andi %get3A_154, %and3A_181 : vector<16xi32>
      %and3A_183 = arith.constant 65535 : i32
      %and3A_184 = vector.broadcast %and3A_183 : i32 to vector<16xi32>
      %and3A_185 = arith.andi %get3A_158, %and3A_184 : vector<16xi32>
      %and3A_186 = arith.constant 65535 : i32
      %and3A_187 = vector.broadcast %and3A_186 : i32 to vector<16xi32>
      %and3A_188 = arith.andi %get3A_162, %and3A_187 : vector<16xi32>
      %and3A_189 = arith.constant 65535 : i32
      %and3A_190 = vector.broadcast %and3A_189 : i32 to vector<16xi32>
      %and3A_191 = arith.andi %get3A_166, %and3A_190 : vector<16xi32>
      %and3A_192 = arith.constant 65535 : i32
      %and3A_193 = vector.broadcast %and3A_192 : i32 to vector<16xi32>
      %and3A_194 = arith.andi %get3A_170, %and3A_193 : vector<16xi32>
      %shift_right_logical3A_195 = arith.constant 16 : i32
      %shift_right_logical3A_196 = vector.broadcast %shift_right_logical3A_195 : i32 to vector<16xi32>
      %shift_right_logical3A_197 = arith.shrui %get3A_142, %shift_right_logical3A_196 : vector<16xi32>
      %shift_right_logical3A_198 = arith.constant 16 : i32
      %shift_right_logical3A_199 = vector.broadcast %shift_right_logical3A_198 : i32 to vector<16xi32>
      %shift_right_logical3A_200 = arith.shrui %get3A_146, %shift_right_logical3A_199 : vector<16xi32>
      %shift_right_logical3A_201 = arith.constant 16 : i32
      %shift_right_logical3A_202 = vector.broadcast %shift_right_logical3A_201 : i32 to vector<16xi32>
      %shift_right_logical3A_203 = arith.shrui %get3A_150, %shift_right_logical3A_202 : vector<16xi32>
      %shift_right_logical3A_204 = arith.constant 16 : i32
      %shift_right_logical3A_205 = vector.broadcast %shift_right_logical3A_204 : i32 to vector<16xi32>
      %shift_right_logical3A_206 = arith.shrui %get3A_154, %shift_right_logical3A_205 : vector<16xi32>
      %shift_right_logical3A_207 = arith.constant 16 : i32
      %shift_right_logical3A_208 = vector.broadcast %shift_right_logical3A_207 : i32 to vector<16xi32>
      %shift_right_logical3A_209 = arith.shrui %get3A_158, %shift_right_logical3A_208 : vector<16xi32>
      %shift_right_logical3A_210 = arith.constant 16 : i32
      %shift_right_logical3A_211 = vector.broadcast %shift_right_logical3A_210 : i32 to vector<16xi32>
      %shift_right_logical3A_212 = arith.shrui %get3A_162, %shift_right_logical3A_211 : vector<16xi32>
      %shift_right_logical3A_213 = arith.constant 16 : i32
      %shift_right_logical3A_214 = vector.broadcast %shift_right_logical3A_213 : i32 to vector<16xi32>
      %shift_right_logical3A_215 = arith.shrui %get3A_166, %shift_right_logical3A_214 : vector<16xi32>
      %shift_right_logical3A_216 = arith.constant 16 : i32
      %shift_right_logical3A_217 = vector.broadcast %shift_right_logical3A_216 : i32 to vector<16xi32>
      %shift_right_logical3A_218 = arith.shrui %get3A_170, %shift_right_logical3A_217 : vector<16xi32>
      tpu.vector_store_idx %arg6[%and3A_173], %broadcast_in_dim3A_10 {add = true} : memref<32768xi32, #tpu.memory_space<vmem>>[vector<16xi32>], vector<16xi32>,
      tpu.vector_store_idx %arg6[%and3A_176], %broadcast_in_dim3A_10 {add = true} : memref<32768xi32, #tpu.memory_space<vmem>>[vector<16xi32>], vector<16xi32>,
      tpu.vector_store_idx %arg6[%and3A_179], %broadcast_in_dim3A_10 {add = true} : memref<32768xi32, #tpu.memory_space<vmem>>[vector<16xi32>], vector<16xi32>,
      tpu.vector_store_idx %arg6[%and3A_182], %broadcast_in_dim3A_10 {add = true} : memref<32768xi32, #tpu.memory_space<vmem>>[vector<16xi32>], vector<16xi32>,
      tpu.vector_store_idx %arg6[%and3A_185], %broadcast_in_dim3A_10 {add = true} : memref<32768xi32, #tpu.memory_space<vmem>>[vector<16xi32>], vector<16xi32>,
      tpu.vector_store_idx %arg6[%and3A_188], %broadcast_in_dim3A_10 {add = true} : memref<32768xi32, #tpu.memory_space<vmem>>[vector<16xi32>], vector<16xi32>,
      tpu.vector_store_idx %arg6[%and3A_191], %broadcast_in_dim3A_10 {add = true} : memref<32768xi32, #tpu.memory_space<vmem>>[vector<16xi32>], vector<16xi32>,
      tpu.vector_store_idx %arg6[%and3A_194], %broadcast_in_dim3A_10 {add = true} : memref<32768xi32, #tpu.memory_space<vmem>>[vector<16xi32>], vector<16xi32>,
      tpu.vector_store_idx %arg6[%shift_right_logical3A_197], %broadcast_in_dim3A_10 {add = true} : memref<32768xi32, #tpu.memory_space<vmem>>[vector<16xi32>], vector<16xi32>,
      tpu.vector_store_idx %arg6[%shift_right_logical3A_200], %broadcast_in_dim3A_10 {add = true} : memref<32768xi32, #tpu.memory_space<vmem>>[vector<16xi32>], vector<16xi32>,
      tpu.vector_store_idx %arg6[%shift_right_logical3A_203], %broadcast_in_dim3A_10 {add = true} : memref<32768xi32, #tpu.memory_space<vmem>>[vector<16xi32>], vector<16xi32>,
      tpu.vector_store_idx %arg6[%shift_right_logical3A_206], %broadcast_in_dim3A_10 {add = true} : memref<32768xi32, #tpu.memory_space<vmem>>[vector<16xi32>], vector<16xi32>,
      tpu.vector_store_idx %arg6[%shift_right_logical3A_209], %broadcast_in_dim3A_10 {add = true} : memref<32768xi32, #tpu.memory_space<vmem>>[vector<16xi32>], vector<16xi32>,
      tpu.vector_store_idx %arg6[%shift_right_logical3A_212], %broadcast_in_dim3A_10 {add = true} : memref<32768xi32, #tpu.memory_space<vmem>>[vector<16xi32>], vector<16xi32>,
      tpu.vector_store_idx %arg6[%shift_right_logical3A_215], %broadcast_in_dim3A_10 {add = true} : memref<32768xi32, #tpu.memory_space<vmem>>[vector<16xi32>], vector<16xi32>,
      tpu.vector_store_idx %arg6[%shift_right_logical3A_218], %broadcast_in_dim3A_10 {add = true} : memref<32768xi32, #tpu.memory_space<vmem>>[vector<16xi32>], vector<16xi32>,
    }
    %scan3A_54 = arith.constant 128 : i32
    "tpu.region"() ({
      %run_scoped3A = tpu.sem_alloc : memref<!tpu.dma_semaphore, #tpu.memory_space<semaphore_mem>>
      %dma_start3A_55 = arith.constant 0 : i32
      %dma_start3A_56 = tpu.memref_slice %arg3[%add3A, %dma_start3A_55] : memref<32x32768xi32, #tpu.memory_space<hbm>> -> memref<1x32768xi32, #tpu.memory_space<hbm>>
      %dma_start3A_57 = tpu.memref_squeeze %dma_start3A_56 : memref<1x32768xi32, #tpu.memory_space<hbm>> -> memref<32768xi32, #tpu.memory_space<hbm>>
      %dma_start3A_58 = arith.constant 0 : i32
      %dma_start3A_59 = tpu.memref_slice %arg3[%add3A, %dma_start3A_58] : memref<32x32768xi32, #tpu.memory_space<hbm>> -> memref<1x32768xi32, #tpu.memory_space<hbm>>
      %dma_start3A_60 = tpu.memref_squeeze %dma_start3A_59 : memref<1x32768xi32, #tpu.memory_space<hbm>> -> memref<32768xi32, #tpu.memory_space<hbm>>
      tpu.enqueue_dma source(%arg6 : memref<32768xi32, #tpu.memory_space<vmem>>) target(%dma_start3A_60 : memref<32768xi32, #tpu.memory_space<hbm>>) target_semaphore(%run_scoped3A : memref<!tpu.dma_semaphore, #tpu.memory_space<semaphore_mem>>)
      %dma_wait3A_61 = arith.constant 0 : i32
      %dma_wait3A_62 = tpu.memref_slice %arg3[%add3A, %dma_wait3A_61] : memref<32x32768xi32, #tpu.memory_space<hbm>> -> memref<1x32768xi32, #tpu.memory_space<hbm>>
      %dma_wait3A_63 = tpu.memref_squeeze %dma_wait3A_62 : memref<1x32768xi32, #tpu.memory_space<hbm>> -> memref<32768xi32, #tpu.memory_space<hbm>>
      %dma_wait3A_64 = arith.constant 0 : i32
      %dma_wait3A_65 = tpu.memref_slice %arg3[%add3A, %dma_wait3A_64] : memref<32x32768xi32, #tpu.memory_space<hbm>> -> memref<1x32768xi32, #tpu.memory_space<hbm>>
      %dma_wait3A_66 = tpu.memref_squeeze %dma_wait3A_65 : memref<1x32768xi32, #tpu.memory_space<hbm>> -> memref<32768xi32, #tpu.memory_space<hbm>>
      tpu.wait_dma2 semaphore(%run_scoped3A : memref<!tpu.dma_semaphore, #tpu.memory_space<semaphore_mem>>) src(%arg6 : memref<32768xi32, #tpu.memory_space<vmem>>) dst(%dma_wait3A_66 : memref<32768xi32, #tpu.memory_space<hbm>>)
      tpu.yield
    }) : () -> ()
    return
  }
}

module attributes {stable_mosaic.version = 14 : i64} {
  func.func @_final_body(%arg0: memref<32x32768xi32, #tpu.memory_space<vmem>>, %arg1: memref<1x1xf32, #tpu.memory_space<smem>>) attributes {dimension_semantics = [], scalar_prefetch = 0 : i64, scratch_operands = 0 : i64, tpu.core_type = #tpu.core_type<tc>} {
    %get3A = arith.constant 0 : index
    %get3A_0 = arith.constant 0 : index
    %get3A_1 = vector.load %arg0[%get3A, %get3A_0] : memref<32x32768xi32, #tpu.memory_space<vmem>>, vector<32x32768xi32>
    %slice3A = vector.extract_strided_slice %get3A_1 {offsets = [0, 0], sizes = [32, 2048], strides = [1, 1]} : vector<32x32768xi32> to vector<32x2048xi32>
    %slice3A_2 = vector.extract_strided_slice %get3A_1 {offsets = [0, 2048], sizes = [32, 2048], strides = [1, 1]} : vector<32x32768xi32> to vector<32x2048xi32>
    %add3A = arith.addi %slice3A, %slice3A_2 : vector<32x2048xi32>
    %slice3A_3 = vector.extract_strided_slice %get3A_1 {offsets = [0, 4096], sizes = [32, 2048], strides = [1, 1]} : vector<32x32768xi32> to vector<32x2048xi32>
    %add3A_4 = arith.addi %add3A, %slice3A_3 : vector<32x2048xi32>
    %slice3A_5 = vector.extract_strided_slice %get3A_1 {offsets = [0, 6144], sizes = [32, 2048], strides = [1, 1]} : vector<32x32768xi32> to vector<32x2048xi32>
    %add3A_6 = arith.addi %add3A_4, %slice3A_5 : vector<32x2048xi32>
    %slice3A_7 = vector.extract_strided_slice %get3A_1 {offsets = [0, 8192], sizes = [32, 2048], strides = [1, 1]} : vector<32x32768xi32> to vector<32x2048xi32>
    %add3A_8 = arith.addi %add3A_6, %slice3A_7 : vector<32x2048xi32>
    %slice3A_9 = vector.extract_strided_slice %get3A_1 {offsets = [0, 10240], sizes = [32, 2048], strides = [1, 1]} : vector<32x32768xi32> to vector<32x2048xi32>
    %add3A_10 = arith.addi %add3A_8, %slice3A_9 : vector<32x2048xi32>
    %slice3A_11 = vector.extract_strided_slice %get3A_1 {offsets = [0, 12288], sizes = [32, 2048], strides = [1, 1]} : vector<32x32768xi32> to vector<32x2048xi32>
    %add3A_12 = arith.addi %add3A_10, %slice3A_11 : vector<32x2048xi32>
    %slice3A_13 = vector.extract_strided_slice %get3A_1 {offsets = [0, 14336], sizes = [32, 2048], strides = [1, 1]} : vector<32x32768xi32> to vector<32x2048xi32>
    %add3A_14 = arith.addi %add3A_12, %slice3A_13 : vector<32x2048xi32>
    %slice3A_15 = vector.extract_strided_slice %get3A_1 {offsets = [0, 16384], sizes = [32, 2048], strides = [1, 1]} : vector<32x32768xi32> to vector<32x2048xi32>
    %add3A_16 = arith.addi %add3A_14, %slice3A_15 : vector<32x2048xi32>
    %slice3A_17 = vector.extract_strided_slice %get3A_1 {offsets = [0, 18432], sizes = [32, 2048], strides = [1, 1]} : vector<32x32768xi32> to vector<32x2048xi32>
    %add3A_18 = arith.addi %add3A_16, %slice3A_17 : vector<32x2048xi32>
    %slice3A_19 = vector.extract_strided_slice %get3A_1 {offsets = [0, 20480], sizes = [32, 2048], strides = [1, 1]} : vector<32x32768xi32> to vector<32x2048xi32>
    %add3A_20 = arith.addi %add3A_18, %slice3A_19 : vector<32x2048xi32>
    %slice3A_21 = vector.extract_strided_slice %get3A_1 {offsets = [0, 22528], sizes = [32, 2048], strides = [1, 1]} : vector<32x32768xi32> to vector<32x2048xi32>
    %add3A_22 = arith.addi %add3A_20, %slice3A_21 : vector<32x2048xi32>
    %slice3A_23 = vector.extract_strided_slice %get3A_1 {offsets = [0, 24576], sizes = [32, 2048], strides = [1, 1]} : vector<32x32768xi32> to vector<32x2048xi32>
    %add3A_24 = arith.addi %add3A_22, %slice3A_23 : vector<32x2048xi32>
    %slice3A_25 = vector.extract_strided_slice %get3A_1 {offsets = [0, 26624], sizes = [32, 2048], strides = [1, 1]} : vector<32x32768xi32> to vector<32x2048xi32>
    %add3A_26 = arith.addi %add3A_24, %slice3A_25 : vector<32x2048xi32>
    %slice3A_27 = vector.extract_strided_slice %get3A_1 {offsets = [0, 28672], sizes = [32, 2048], strides = [1, 1]} : vector<32x32768xi32> to vector<32x2048xi32>
    %add3A_28 = arith.addi %add3A_26, %slice3A_27 : vector<32x2048xi32>
    %slice3A_29 = vector.extract_strided_slice %get3A_1 {offsets = [0, 30720], sizes = [32, 2048], strides = [1, 1]} : vector<32x32768xi32> to vector<32x2048xi32>
    %add3A_30 = arith.addi %add3A_28, %slice3A_29 : vector<32x2048xi32>
    %reduce_sum3A = arith.constant dense<0> : vector<2048xi32>
    %reduce_sum3A_31 = vector.multi_reduction <add>, %add3A_30, %reduce_sum3A [0] : vector<32x2048xi32> to vector<2048xi32>
    %broadcast_in_dim3A = vector.shape_cast %reduce_sum3A_31 : vector<2048xi32> to vector<1x2048xi32>
    %convert_element_type3A = arith.sitofp %broadcast_in_dim3A : vector<1x2048xi32> to vector<1x2048xf32>
    %slice3A_32 = vector.extract_strided_slice %convert_element_type3A {offsets = [0, 0], sizes = [1, 1024], strides = [1, 1]} : vector<1x2048xf32> to vector<1x1024xf32>
    %reduce_sum3A_33 = vector.shape_cast %slice3A_32 : vector<1x1024xf32> to vector<1x1x1024xf32>
    %reduce_sum3A_34 = arith.constant dense<0.000000e+00> : vector<1xf32>
    %reduce_sum3A_35 = vector.multi_reduction <add>, %reduce_sum3A_33, %reduce_sum3A_34 [1, 2] : vector<1x1x1024xf32> to vector<1xf32>
    %reduce_sum3A_36 = vector.shape_cast %reduce_sum3A_35 : vector<1xf32> to vector<1x1x1xf32>
    %reduce_sum3A_37 = vector.extract %reduce_sum3A_36[0, 0, 0] : f32 from vector<1x1x1xf32>
    %iota3A = tpu.iota {dimensions = array<i32: 0>} : vector<128x128xi32>
    %iota3A_38 = tpu.iota {dimensions = array<i32: 1>} : vector<128x128xi32>
    %le3A = arith.cmpi sle, %iota3A, %iota3A_38 : vector<128x128xi32>
    %convert_element_type3A_39 = arith.extui %le3A : vector<128x128xi1> to vector<128x128xi32>
    %convert_element_type3A_40 = arith.sitofp %convert_element_type3A_39 : vector<128x128xi32> to vector<128x128xf32>
    %slice3A_41 = vector.extract_strided_slice %convert_element_type3A {offsets = [0, 0], sizes = [1, 128], strides = [1, 1]} : vector<1x2048xf32> to vector<1x128xf32>
    %dot_general3A = arith.constant dense<0.000000e+00> : vector<1x128xf32>
    %dot_general3A_42 = tpu.matmul %slice3A_41, %convert_element_type3A_40, %dot_general3A {dimension_numbers = #tpu.dot_dimension_numbers<[1], [0], [0], [1], [0, 0, 1, 1], [], []>, precision = #tpu.contract_precision<fp32>, transpose_lhs_hint = false} : vector<1x128xf32>, vector<128x128xf32>, vector<1x128xf32> -> vector<1x128xf32>
    %add3A_43 = arith.constant 0.000000e+00 : f32
    %add3A_44 = vector.broadcast %add3A_43 : f32 to vector<1x128xf32>
    %add3A_45 = arith.addf %add3A_44, %dot_general3A_42 : vector<1x128xf32>
    %sub3A = arith.constant 0x4A800000 : f32
    %sub3A_46 = vector.broadcast %sub3A : f32 to vector<1x128xf32>
    %sub3A_47 = arith.subf %sub3A_46, %add3A_45 : vector<1x128xf32>
    %add3A_48 = arith.addf %sub3A_47, %slice3A_41 : vector<1x128xf32>
    %iota3A_49 = tpu.iota {dimensions = array<i32: 1>} : vector<1x128xi32>
    %convert_element_type3A_50 = arith.sitofp %iota3A_49 : vector<1x128xi32> to vector<1x128xf32>
    %add3A_51 = arith.constant 0.000000e+00 : f32
    %add3A_52 = vector.broadcast %add3A_51 : f32 to vector<1x128xf32>
    %add3A_53 = arith.addf %convert_element_type3A_50, %add3A_52 : vector<1x128xf32>
    %add3A_54 = arith.constant 0.000000e+00 : f32
    %add3A_55 = vector.broadcast %add3A_54 : f32 to vector<1x128xf32>
    %add3A_56 = arith.addf %add3A_55, %add3A_45 : vector<1x128xf32>
    %sub3A_57 = arith.constant 0.000000e+00 : f32
    %sub3A_58 = vector.broadcast %sub3A_57 : f32 to vector<1x128xf32>
    %sub3A_59 = arith.subf %add3A_56, %sub3A_58 : vector<1x128xf32>
    %sub3A_60 = vector.broadcast %reduce_sum3A_37 : f32 to vector<1x128xf32>
    %sub3A_61 = arith.subf %sub3A_60, %sub3A_59 : vector<1x128xf32>
    %add3A_62 = arith.addf %sub3A_61, %slice3A_41 : vector<1x128xf32>
    %sub3A_63 = arith.constant 1.023000e+03 : f32
    %sub3A_64 = vector.broadcast %sub3A_63 : f32 to vector<1x128xf32>
    %sub3A_65 = arith.subf %sub3A_64, %add3A_53 : vector<1x128xf32>
    %add3A_66 = arith.constant 5.000000e-01 : f32
    %add3A_67 = vector.broadcast %add3A_66 : f32 to vector<1x128xf32>
    %add3A_68 = arith.addf %sub3A_65, %add3A_67 : vector<1x128xf32>
    %mul3A = arith.constant 0.01171875 : f32
    %mul3A_69 = vector.broadcast %mul3A : f32 to vector<1x128xf32>
    %mul3A_70 = arith.mulf %add3A_68, %mul3A_69 : vector<1x128xf32>
    %add3A_71 = arith.constant -6.000000e+00 : f32
    %add3A_72 = vector.broadcast %add3A_71 : f32 to vector<1x128xf32>
    %add3A_73 = arith.addf %add3A_72, %mul3A_70 : vector<1x128xf32>
    %exp3A = math.exp %add3A_73 : vector<1x128xf32>
    %add3A_74 = arith.constant 1.000000e+00 : f32
    %add3A_75 = vector.broadcast %add3A_74 : f32 to vector<1x128xf32>
    %add3A_76 = arith.addf %add3A_75, %exp3A : vector<1x128xf32>
    %div3A = arith.constant 1.000000e+00 : f32
    %div3A_77 = vector.broadcast %div3A : f32 to vector<1x128xf32>
    %div3A_78 = arith.divf %div3A_77, %add3A_76 : vector<1x128xf32>
    %reduce_sum3A_79 = vector.shape_cast %slice3A_41 : vector<1x128xf32> to vector<1x1x128xf32>
    %reduce_sum3A_80 = arith.constant dense<0.000000e+00> : vector<1xf32>
    %reduce_sum3A_81 = vector.multi_reduction <add>, %reduce_sum3A_79, %reduce_sum3A_80 [1, 2] : vector<1x1x128xf32> to vector<1xf32>
    %reduce_sum3A_82 = vector.shape_cast %reduce_sum3A_81 : vector<1xf32> to vector<1x1x1xf32>
    %reduce_sum3A_83 = vector.extract %reduce_sum3A_82[0, 0, 0] : f32 from vector<1x1x1xf32>
    %add3A_84 = arith.constant 0.000000e+00 : f32
    %add3A_85 = arith.addf %add3A_84, %reduce_sum3A_83 : f32
    %eq3A = arith.constant 0.000000e+00 : f32
    %eq3A_86 = vector.broadcast %eq3A : f32 to vector<1x128xf32>
    %eq3A_87 = arith.cmpf oeq, %sub3A_47, %eq3A_86 : vector<1x128xf32>
    %sub3A_88 = vector.broadcast %reduce_sum3A_37 : f32 to vector<1x128xf32>
    %sub3A_89 = arith.subf %sub3A_88, %sub3A_61 : vector<1x128xf32>
    %add3A_90 = vector.broadcast %reduce_sum3A_37 : f32 to vector<1x128xf32>
    %add3A_91 = arith.addf %add3A_90, %sub3A_47 : vector<1x128xf32>
    %sub3A_92 = arith.subf %add3A_91, %sub3A_61 : vector<1x128xf32>
    %div3A_93 = arith.divf %sub3A_89, %sub3A_92 : vector<1x128xf32>
    %sub3A_94 = arith.constant 1.000000e+00 : f32
    %sub3A_95 = vector.broadcast %sub3A_94 : f32 to vector<1x128xf32>
    %sub3A_96 = arith.subf %sub3A_95, %div3A_93 : vector<1x128xf32>
    %jit3A = arith.constant 0.000000e+00 : f32
    %broadcast_in_dim3A_97 = vector.broadcast %jit3A : f32 to vector<1x128xf32>
    %select_n3A = arith.select %eq3A_87, %broadcast_in_dim3A_97, %sub3A_96 : vector<1x128xi1>, vector<1x128xf32>
    %eq3A_98 = arith.constant 0.000000e+00 : f32
    %eq3A_99 = vector.broadcast %eq3A_98 : f32 to vector<1x128xf32>
    %eq3A_100 = arith.cmpf oeq, %add3A_48, %eq3A_99 : vector<1x128xf32>
    %sub3A_101 = vector.broadcast %reduce_sum3A_37 : f32 to vector<1x128xf32>
    %sub3A_102 = arith.subf %sub3A_101, %add3A_62 : vector<1x128xf32>
    %add3A_103 = vector.broadcast %reduce_sum3A_37 : f32 to vector<1x128xf32>
    %add3A_104 = arith.addf %add3A_103, %add3A_48 : vector<1x128xf32>
    %sub3A_105 = arith.subf %add3A_104, %add3A_62 : vector<1x128xf32>
    %div3A_106 = arith.divf %sub3A_102, %sub3A_105 : vector<1x128xf32>
    %sub3A_107 = arith.constant 1.000000e+00 : f32
    %sub3A_108 = vector.broadcast %sub3A_107 : f32 to vector<1x128xf32>
    %sub3A_109 = arith.subf %sub3A_108, %div3A_106 : vector<1x128xf32>
    %jit3A_110 = arith.constant 0.000000e+00 : f32
    %broadcast_in_dim3A_111 = vector.broadcast %jit3A_110 : f32 to vector<1x128xf32>
    %select_n3A_112 = arith.select %eq3A_100, %broadcast_in_dim3A_111, %sub3A_109 : vector<1x128xi1>, vector<1x128xf32>
    %sub3A_113 = arith.subf %select_n3A_112, %select_n3A : vector<1x128xf32>
    %mul3A_114 = arith.mulf %div3A_78, %sub3A_113 : vector<1x128xf32>
    %reduce_sum3A_115 = vector.shape_cast %mul3A_114 : vector<1x128xf32> to vector<1x1x128xf32>
    %reduce_sum3A_116 = arith.constant dense<0.000000e+00> : vector<1xf32>
    %reduce_sum3A_117 = vector.multi_reduction <add>, %reduce_sum3A_115, %reduce_sum3A_116 [1, 2] : vector<1x1x128xf32> to vector<1xf32>
    %reduce_sum3A_118 = vector.shape_cast %reduce_sum3A_117 : vector<1xf32> to vector<1x1x1xf32>
    %reduce_sum3A_119 = vector.extract %reduce_sum3A_118[0, 0, 0] : f32 from vector<1x1x1xf32>
    %add3A_120 = arith.constant 0.000000e+00 : f32
    %add3A_121 = arith.addf %add3A_120, %reduce_sum3A_119 : f32
    %reduce_sum3A_122 = vector.shape_cast %slice3A_41 : vector<1x128xf32> to vector<1x1x128xf32>
    %reduce_sum3A_123 = arith.constant dense<0.000000e+00> : vector<1xf32>
    %reduce_sum3A_124 = vector.multi_reduction <add>, %reduce_sum3A_122, %reduce_sum3A_123 [1, 2] : vector<1x1x128xf32> to vector<1xf32>
    %reduce_sum3A_125 = vector.shape_cast %reduce_sum3A_124 : vector<1xf32> to vector<1x1x1xf32>
    %reduce_sum3A_126 = vector.extract %reduce_sum3A_125[0, 0, 0] : f32 from vector<1x1x1xf32>
    %add3A_127 = arith.constant 0.000000e+00 : f32
    %add3A_128 = arith.addf %add3A_127, %reduce_sum3A_126 : f32
    %slice3A_129 = vector.extract_strided_slice %convert_element_type3A {offsets = [0, 128], sizes = [1, 128], strides = [1, 1]} : vector<1x2048xf32> to vector<1x128xf32>
    %dot_general3A_130 = arith.constant dense<0.000000e+00> : vector<1x128xf32>
    %dot_general3A_131 = tpu.matmul %slice3A_129, %convert_element_type3A_40, %dot_general3A_130 {dimension_numbers = #tpu.dot_dimension_numbers<[1], [0], [0], [1], [0, 0, 1, 1], [], []>, precision = #tpu.contract_precision<fp32>, transpose_lhs_hint = false} : vector<1x128xf32>, vector<128x128xf32>, vector<1x128xf32> -> vector<1x128xf32>
    %add3A_132 = vector.broadcast %add3A_128 : f32 to vector<1x128xf32>
    %add3A_133 = arith.addf %add3A_132, %dot_general3A_131 : vector<1x128xf32>
    %sub3A_134 = arith.constant 0x4A800000 : f32
    %sub3A_135 = vector.broadcast %sub3A_134 : f32 to vector<1x128xf32>
    %sub3A_136 = arith.subf %sub3A_135, %add3A_133 : vector<1x128xf32>
    %add3A_137 = arith.addf %sub3A_136, %slice3A_129 : vector<1x128xf32>
    %iota3A_138 = tpu.iota {dimensions = array<i32: 1>} : vector<1x128xi32>
    %convert_element_type3A_139 = arith.sitofp %iota3A_138 : vector<1x128xi32> to vector<1x128xf32>
    %add3A_140 = arith.constant 1.280000e+02 : f32
    %add3A_141 = vector.broadcast %add3A_140 : f32 to vector<1x128xf32>
    %add3A_142 = arith.addf %convert_element_type3A_139, %add3A_141 : vector<1x128xf32>
    %add3A_143 = vector.broadcast %add3A_85 : f32 to vector<1x128xf32>
    %add3A_144 = arith.addf %add3A_143, %add3A_133 : vector<1x128xf32>
    %sub3A_145 = vector.broadcast %add3A_128 : f32 to vector<1x128xf32>
    %sub3A_146 = arith.subf %add3A_144, %sub3A_145 : vector<1x128xf32>
    %sub3A_147 = vector.broadcast %reduce_sum3A_37 : f32 to vector<1x128xf32>
    %sub3A_148 = arith.subf %sub3A_147, %sub3A_146 : vector<1x128xf32>
    %add3A_149 = arith.addf %sub3A_148, %slice3A_129 : vector<1x128xf32>
    %sub3A_150 = arith.constant 1.023000e+03 : f32
    %sub3A_151 = vector.broadcast %sub3A_150 : f32 to vector<1x128xf32>
    %sub3A_152 = arith.subf %sub3A_151, %add3A_142 : vector<1x128xf32>
    %add3A_153 = arith.constant 5.000000e-01 : f32
    %add3A_154 = vector.broadcast %add3A_153 : f32 to vector<1x128xf32>
    %add3A_155 = arith.addf %sub3A_152, %add3A_154 : vector<1x128xf32>
    %mul3A_156 = arith.constant 0.01171875 : f32
    %mul3A_157 = vector.broadcast %mul3A_156 : f32 to vector<1x128xf32>
    %mul3A_158 = arith.mulf %add3A_155, %mul3A_157 : vector<1x128xf32>
    %add3A_159 = arith.constant -6.000000e+00 : f32
    %add3A_160 = vector.broadcast %add3A_159 : f32 to vector<1x128xf32>
    %add3A_161 = arith.addf %add3A_160, %mul3A_158 : vector<1x128xf32>
    %exp3A_162 = math.exp %add3A_161 : vector<1x128xf32>
    %add3A_163 = arith.constant 1.000000e+00 : f32
    %add3A_164 = vector.broadcast %add3A_163 : f32 to vector<1x128xf32>
    %add3A_165 = arith.addf %add3A_164, %exp3A_162 : vector<1x128xf32>
    %div3A_166 = arith.constant 1.000000e+00 : f32
    %div3A_167 = vector.broadcast %div3A_166 : f32 to vector<1x128xf32>
    %div3A_168 = arith.divf %div3A_167, %add3A_165 : vector<1x128xf32>
    %reduce_sum3A_169 = vector.shape_cast %slice3A_129 : vector<1x128xf32> to vector<1x1x128xf32>
    %reduce_sum3A_170 = arith.constant dense<0.000000e+00> : vector<1xf32>
    %reduce_sum3A_171 = vector.multi_reduction <add>, %reduce_sum3A_169, %reduce_sum3A_170 [1, 2] : vector<1x1x128xf32> to vector<1xf32>
    %reduce_sum3A_172 = vector.shape_cast %reduce_sum3A_171 : vector<1xf32> to vector<1x1x1xf32>
    %reduce_sum3A_173 = vector.extract %reduce_sum3A_172[0, 0, 0] : f32 from vector<1x1x1xf32>
    %add3A_174 = arith.addf %add3A_85, %reduce_sum3A_173 : f32
    %eq3A_175 = arith.constant 0.000000e+00 : f32
    %eq3A_176 = vector.broadcast %eq3A_175 : f32 to vector<1x128xf32>
    %eq3A_177 = arith.cmpf oeq, %sub3A_136, %eq3A_176 : vector<1x128xf32>
    %sub3A_178 = vector.broadcast %reduce_sum3A_37 : f32 to vector<1x128xf32>
    %sub3A_179 = arith.subf %sub3A_178, %sub3A_148 : vector<1x128xf32>
    %add3A_180 = vector.broadcast %reduce_sum3A_37 : f32 to vector<1x128xf32>
    %add3A_181 = arith.addf %add3A_180, %sub3A_136 : vector<1x128xf32>
    %sub3A_182 = arith.subf %add3A_181, %sub3A_148 : vector<1x128xf32>
    %div3A_183 = arith.divf %sub3A_179, %sub3A_182 : vector<1x128xf32>
    %sub3A_184 = arith.constant 1.000000e+00 : f32
    %sub3A_185 = vector.broadcast %sub3A_184 : f32 to vector<1x128xf32>
    %sub3A_186 = arith.subf %sub3A_185, %div3A_183 : vector<1x128xf32>
    %jit3A_187 = arith.constant 0.000000e+00 : f32
    %broadcast_in_dim3A_188 = vector.broadcast %jit3A_187 : f32 to vector<1x128xf32>
    %select_n3A_189 = arith.select %eq3A_177, %broadcast_in_dim3A_188, %sub3A_186 : vector<1x128xi1>, vector<1x128xf32>
    %eq3A_190 = arith.constant 0.000000e+00 : f32
    %eq3A_191 = vector.broadcast %eq3A_190 : f32 to vector<1x128xf32>
    %eq3A_192 = arith.cmpf oeq, %add3A_137, %eq3A_191 : vector<1x128xf32>
    %sub3A_193 = vector.broadcast %reduce_sum3A_37 : f32 to vector<1x128xf32>
    %sub3A_194 = arith.subf %sub3A_193, %add3A_149 : vector<1x128xf32>
    %add3A_195 = vector.broadcast %reduce_sum3A_37 : f32 to vector<1x128xf32>
    %add3A_196 = arith.addf %add3A_195, %add3A_137 : vector<1x128xf32>
    %sub3A_197 = arith.subf %add3A_196, %add3A_149 : vector<1x128xf32>
    %div3A_198 = arith.divf %sub3A_194, %sub3A_197 : vector<1x128xf32>
    %sub3A_199 = arith.constant 1.000000e+00 : f32
    %sub3A_200 = vector.broadcast %sub3A_199 : f32 to vector<1x128xf32>
    %sub3A_201 = arith.subf %sub3A_200, %div3A_198 : vector<1x128xf32>
    %jit3A_202 = arith.constant 0.000000e+00 : f32
    %broadcast_in_dim3A_203 = vector.broadcast %jit3A_202 : f32 to vector<1x128xf32>
    %select_n3A_204 = arith.select %eq3A_192, %broadcast_in_dim3A_203, %sub3A_201 : vector<1x128xi1>, vector<1x128xf32>
    %sub3A_205 = arith.subf %select_n3A_204, %select_n3A_189 : vector<1x128xf32>
    %mul3A_206 = arith.mulf %div3A_168, %sub3A_205 : vector<1x128xf32>
    %reduce_sum3A_207 = vector.shape_cast %mul3A_206 : vector<1x128xf32> to vector<1x1x128xf32>
    %reduce_sum3A_208 = arith.constant dense<0.000000e+00> : vector<1xf32>
    %reduce_sum3A_209 = vector.multi_reduction <add>, %reduce_sum3A_207, %reduce_sum3A_208 [1, 2] : vector<1x1x128xf32> to vector<1xf32>
    %reduce_sum3A_210 = vector.shape_cast %reduce_sum3A_209 : vector<1xf32> to vector<1x1x1xf32>
    %reduce_sum3A_211 = vector.extract %reduce_sum3A_210[0, 0, 0] : f32 from vector<1x1x1xf32>
    %add3A_212 = arith.addf %add3A_121, %reduce_sum3A_211 : f32
    %reduce_sum3A_213 = vector.shape_cast %slice3A_129 : vector<1x128xf32> to vector<1x1x128xf32>
    %reduce_sum3A_214 = arith.constant dense<0.000000e+00> : vector<1xf32>
    %reduce_sum3A_215 = vector.multi_reduction <add>, %reduce_sum3A_213, %reduce_sum3A_214 [1, 2] : vector<1x1x128xf32> to vector<1xf32>
    %reduce_sum3A_216 = vector.shape_cast %reduce_sum3A_215 : vector<1xf32> to vector<1x1x1xf32>
    %reduce_sum3A_217 = vector.extract %reduce_sum3A_216[0, 0, 0] : f32 from vector<1x1x1xf32>
    %add3A_218 = arith.addf %add3A_128, %reduce_sum3A_217 : f32
    %slice3A_219 = vector.extract_strided_slice %convert_element_type3A {offsets = [0, 256], sizes = [1, 128], strides = [1, 1]} : vector<1x2048xf32> to vector<1x128xf32>
    %dot_general3A_220 = arith.constant dense<0.000000e+00> : vector<1x128xf32>
    %dot_general3A_221 = tpu.matmul %slice3A_219, %convert_element_type3A_40, %dot_general3A_220 {dimension_numbers = #tpu.dot_dimension_numbers<[1], [0], [0], [1], [0, 0, 1, 1], [], []>, precision = #tpu.contract_precision<fp32>, transpose_lhs_hint = false} : vector<1x128xf32>, vector<128x128xf32>, vector<1x128xf32> -> vector<1x128xf32>
    %add3A_222 = vector.broadcast %add3A_218 : f32 to vector<1x128xf32>
    %add3A_223 = arith.addf %add3A_222, %dot_general3A_221 : vector<1x128xf32>
    %sub3A_224 = arith.constant 0x4A800000 : f32
    %sub3A_225 = vector.broadcast %sub3A_224 : f32 to vector<1x128xf32>
    %sub3A_226 = arith.subf %sub3A_225, %add3A_223 : vector<1x128xf32>
    %add3A_227 = arith.addf %sub3A_226, %slice3A_219 : vector<1x128xf32>
    %iota3A_228 = tpu.iota {dimensions = array<i32: 1>} : vector<1x128xi32>
    %convert_element_type3A_229 = arith.sitofp %iota3A_228 : vector<1x128xi32> to vector<1x128xf32>
    %add3A_230 = arith.constant 2.560000e+02 : f32
    %add3A_231 = vector.broadcast %add3A_230 : f32 to vector<1x128xf32>
    %add3A_232 = arith.addf %convert_element_type3A_229, %add3A_231 : vector<1x128xf32>
    %add3A_233 = vector.broadcast %add3A_174 : f32 to vector<1x128xf32>
    %add3A_234 = arith.addf %add3A_233, %add3A_223 : vector<1x128xf32>
    %sub3A_235 = vector.broadcast %add3A_218 : f32 to vector<1x128xf32>
    %sub3A_236 = arith.subf %add3A_234, %sub3A_235 : vector<1x128xf32>
    %sub3A_237 = vector.broadcast %reduce_sum3A_37 : f32 to vector<1x128xf32>
    %sub3A_238 = arith.subf %sub3A_237, %sub3A_236 : vector<1x128xf32>
    %add3A_239 = arith.addf %sub3A_238, %slice3A_219 : vector<1x128xf32>
    %sub3A_240 = arith.constant 1.023000e+03 : f32
    %sub3A_241 = vector.broadcast %sub3A_240 : f32 to vector<1x128xf32>
    %sub3A_242 = arith.subf %sub3A_241, %add3A_232 : vector<1x128xf32>
    %add3A_243 = arith.constant 5.000000e-01 : f32
    %add3A_244 = vector.broadcast %add3A_243 : f32 to vector<1x128xf32>
    %add3A_245 = arith.addf %sub3A_242, %add3A_244 : vector<1x128xf32>
    %mul3A_246 = arith.constant 0.01171875 : f32
    %mul3A_247 = vector.broadcast %mul3A_246 : f32 to vector<1x128xf32>
    %mul3A_248 = arith.mulf %add3A_245, %mul3A_247 : vector<1x128xf32>
    %add3A_249 = arith.constant -6.000000e+00 : f32
    %add3A_250 = vector.broadcast %add3A_249 : f32 to vector<1x128xf32>
    %add3A_251 = arith.addf %add3A_250, %mul3A_248 : vector<1x128xf32>
    %exp3A_252 = math.exp %add3A_251 : vector<1x128xf32>
    %add3A_253 = arith.constant 1.000000e+00 : f32
    %add3A_254 = vector.broadcast %add3A_253 : f32 to vector<1x128xf32>
    %add3A_255 = arith.addf %add3A_254, %exp3A_252 : vector<1x128xf32>
    %div3A_256 = arith.constant 1.000000e+00 : f32
    %div3A_257 = vector.broadcast %div3A_256 : f32 to vector<1x128xf32>
    %div3A_258 = arith.divf %div3A_257, %add3A_255 : vector<1x128xf32>
    %reduce_sum3A_259 = vector.shape_cast %slice3A_219 : vector<1x128xf32> to vector<1x1x128xf32>
    %reduce_sum3A_260 = arith.constant dense<0.000000e+00> : vector<1xf32>
    %reduce_sum3A_261 = vector.multi_reduction <add>, %reduce_sum3A_259, %reduce_sum3A_260 [1, 2] : vector<1x1x128xf32> to vector<1xf32>
    %reduce_sum3A_262 = vector.shape_cast %reduce_sum3A_261 : vector<1xf32> to vector<1x1x1xf32>
    %reduce_sum3A_263 = vector.extract %reduce_sum3A_262[0, 0, 0] : f32 from vector<1x1x1xf32>
    %add3A_264 = arith.addf %add3A_174, %reduce_sum3A_263 : f32
    %eq3A_265 = arith.constant 0.000000e+00 : f32
    %eq3A_266 = vector.broadcast %eq3A_265 : f32 to vector<1x128xf32>
    %eq3A_267 = arith.cmpf oeq, %sub3A_226, %eq3A_266 : vector<1x128xf32>
    %sub3A_268 = vector.broadcast %reduce_sum3A_37 : f32 to vector<1x128xf32>
    %sub3A_269 = arith.subf %sub3A_268, %sub3A_238 : vector<1x128xf32>
    %add3A_270 = vector.broadcast %reduce_sum3A_37 : f32 to vector<1x128xf32>
    %add3A_271 = arith.addf %add3A_270, %sub3A_226 : vector<1x128xf32>
    %sub3A_272 = arith.subf %add3A_271, %sub3A_238 : vector<1x128xf32>
    %div3A_273 = arith.divf %sub3A_269, %sub3A_272 : vector<1x128xf32>
    %sub3A_274 = arith.constant 1.000000e+00 : f32
    %sub3A_275 = vector.broadcast %sub3A_274 : f32 to vector<1x128xf32>
    %sub3A_276 = arith.subf %sub3A_275, %div3A_273 : vector<1x128xf32>
    %jit3A_277 = arith.constant 0.000000e+00 : f32
    %broadcast_in_dim3A_278 = vector.broadcast %jit3A_277 : f32 to vector<1x128xf32>
    %select_n3A_279 = arith.select %eq3A_267, %broadcast_in_dim3A_278, %sub3A_276 : vector<1x128xi1>, vector<1x128xf32>
    %eq3A_280 = arith.constant 0.000000e+00 : f32
    %eq3A_281 = vector.broadcast %eq3A_280 : f32 to vector<1x128xf32>
    %eq3A_282 = arith.cmpf oeq, %add3A_227, %eq3A_281 : vector<1x128xf32>
    %sub3A_283 = vector.broadcast %reduce_sum3A_37 : f32 to vector<1x128xf32>
    %sub3A_284 = arith.subf %sub3A_283, %add3A_239 : vector<1x128xf32>
    %add3A_285 = vector.broadcast %reduce_sum3A_37 : f32 to vector<1x128xf32>
    %add3A_286 = arith.addf %add3A_285, %add3A_227 : vector<1x128xf32>
    %sub3A_287 = arith.subf %add3A_286, %add3A_239 : vector<1x128xf32>
    %div3A_288 = arith.divf %sub3A_284, %sub3A_287 : vector<1x128xf32>
    %sub3A_289 = arith.constant 1.000000e+00 : f32
    %sub3A_290 = vector.broadcast %sub3A_289 : f32 to vector<1x128xf32>
    %sub3A_291 = arith.subf %sub3A_290, %div3A_288 : vector<1x128xf32>
    %jit3A_292 = arith.constant 0.000000e+00 : f32
    %broadcast_in_dim3A_293 = vector.broadcast %jit3A_292 : f32 to vector<1x128xf32>
    %select_n3A_294 = arith.select %eq3A_282, %broadcast_in_dim3A_293, %sub3A_291 : vector<1x128xi1>, vector<1x128xf32>
    %sub3A_295 = arith.subf %select_n3A_294, %select_n3A_279 : vector<1x128xf32>
    %mul3A_296 = arith.mulf %div3A_258, %sub3A_295 : vector<1x128xf32>
    %reduce_sum3A_297 = vector.shape_cast %mul3A_296 : vector<1x128xf32> to vector<1x1x128xf32>
    %reduce_sum3A_298 = arith.constant dense<0.000000e+00> : vector<1xf32>
    %reduce_sum3A_299 = vector.multi_reduction <add>, %reduce_sum3A_297, %reduce_sum3A_298 [1, 2] : vector<1x1x128xf32> to vector<1xf32>
    %reduce_sum3A_300 = vector.shape_cast %reduce_sum3A_299 : vector<1xf32> to vector<1x1x1xf32>
    %reduce_sum3A_301 = vector.extract %reduce_sum3A_300[0, 0, 0] : f32 from vector<1x1x1xf32>
    %add3A_302 = arith.addf %add3A_212, %reduce_sum3A_301 : f32
    %reduce_sum3A_303 = vector.shape_cast %slice3A_219 : vector<1x128xf32> to vector<1x1x128xf32>
    %reduce_sum3A_304 = arith.constant dense<0.000000e+00> : vector<1xf32>
    %reduce_sum3A_305 = vector.multi_reduction <add>, %reduce_sum3A_303, %reduce_sum3A_304 [1, 2] : vector<1x1x128xf32> to vector<1xf32>
    %reduce_sum3A_306 = vector.shape_cast %reduce_sum3A_305 : vector<1xf32> to vector<1x1x1xf32>
    %reduce_sum3A_307 = vector.extract %reduce_sum3A_306[0, 0, 0] : f32 from vector<1x1x1xf32>
    %add3A_308 = arith.addf %add3A_218, %reduce_sum3A_307 : f32
    %slice3A_309 = vector.extract_strided_slice %convert_element_type3A {offsets = [0, 384], sizes = [1, 128], strides = [1, 1]} : vector<1x2048xf32> to vector<1x128xf32>
    %dot_general3A_310 = arith.constant dense<0.000000e+00> : vector<1x128xf32>
    %dot_general3A_311 = tpu.matmul %slice3A_309, %convert_element_type3A_40, %dot_general3A_310 {dimension_numbers = #tpu.dot_dimension_numbers<[1], [0], [0], [1], [0, 0, 1, 1], [], []>, precision = #tpu.contract_precision<fp32>, transpose_lhs_hint = false} : vector<1x128xf32>, vector<128x128xf32>, vector<1x128xf32> -> vector<1x128xf32>
    %add3A_312 = vector.broadcast %add3A_308 : f32 to vector<1x128xf32>
    %add3A_313 = arith.addf %add3A_312, %dot_general3A_311 : vector<1x128xf32>
    %sub3A_314 = arith.constant 0x4A800000 : f32
    %sub3A_315 = vector.broadcast %sub3A_314 : f32 to vector<1x128xf32>
    %sub3A_316 = arith.subf %sub3A_315, %add3A_313 : vector<1x128xf32>
    %add3A_317 = arith.addf %sub3A_316, %slice3A_309 : vector<1x128xf32>
    %iota3A_318 = tpu.iota {dimensions = array<i32: 1>} : vector<1x128xi32>
    %convert_element_type3A_319 = arith.sitofp %iota3A_318 : vector<1x128xi32> to vector<1x128xf32>
    %add3A_320 = arith.constant 3.840000e+02 : f32
    %add3A_321 = vector.broadcast %add3A_320 : f32 to vector<1x128xf32>
    %add3A_322 = arith.addf %convert_element_type3A_319, %add3A_321 : vector<1x128xf32>
    %add3A_323 = vector.broadcast %add3A_264 : f32 to vector<1x128xf32>
    %add3A_324 = arith.addf %add3A_323, %add3A_313 : vector<1x128xf32>
    %sub3A_325 = vector.broadcast %add3A_308 : f32 to vector<1x128xf32>
    %sub3A_326 = arith.subf %add3A_324, %sub3A_325 : vector<1x128xf32>
    %sub3A_327 = vector.broadcast %reduce_sum3A_37 : f32 to vector<1x128xf32>
    %sub3A_328 = arith.subf %sub3A_327, %sub3A_326 : vector<1x128xf32>
    %add3A_329 = arith.addf %sub3A_328, %slice3A_309 : vector<1x128xf32>
    %sub3A_330 = arith.constant 1.023000e+03 : f32
    %sub3A_331 = vector.broadcast %sub3A_330 : f32 to vector<1x128xf32>
    %sub3A_332 = arith.subf %sub3A_331, %add3A_322 : vector<1x128xf32>
    %add3A_333 = arith.constant 5.000000e-01 : f32
    %add3A_334 = vector.broadcast %add3A_333 : f32 to vector<1x128xf32>
    %add3A_335 = arith.addf %sub3A_332, %add3A_334 : vector<1x128xf32>
    %mul3A_336 = arith.constant 0.01171875 : f32
    %mul3A_337 = vector.broadcast %mul3A_336 : f32 to vector<1x128xf32>
    %mul3A_338 = arith.mulf %add3A_335, %mul3A_337 : vector<1x128xf32>
    %add3A_339 = arith.constant -6.000000e+00 : f32
    %add3A_340 = vector.broadcast %add3A_339 : f32 to vector<1x128xf32>
    %add3A_341 = arith.addf %add3A_340, %mul3A_338 : vector<1x128xf32>
    %exp3A_342 = math.exp %add3A_341 : vector<1x128xf32>
    %add3A_343 = arith.constant 1.000000e+00 : f32
    %add3A_344 = vector.broadcast %add3A_343 : f32 to vector<1x128xf32>
    %add3A_345 = arith.addf %add3A_344, %exp3A_342 : vector<1x128xf32>
    %div3A_346 = arith.constant 1.000000e+00 : f32
    %div3A_347 = vector.broadcast %div3A_346 : f32 to vector<1x128xf32>
    %div3A_348 = arith.divf %div3A_347, %add3A_345 : vector<1x128xf32>
    %reduce_sum3A_349 = vector.shape_cast %slice3A_309 : vector<1x128xf32> to vector<1x1x128xf32>
    %reduce_sum3A_350 = arith.constant dense<0.000000e+00> : vector<1xf32>
    %reduce_sum3A_351 = vector.multi_reduction <add>, %reduce_sum3A_349, %reduce_sum3A_350 [1, 2] : vector<1x1x128xf32> to vector<1xf32>
    %reduce_sum3A_352 = vector.shape_cast %reduce_sum3A_351 : vector<1xf32> to vector<1x1x1xf32>
    %reduce_sum3A_353 = vector.extract %reduce_sum3A_352[0, 0, 0] : f32 from vector<1x1x1xf32>
    %add3A_354 = arith.addf %add3A_264, %reduce_sum3A_353 : f32
    %eq3A_355 = arith.constant 0.000000e+00 : f32
    %eq3A_356 = vector.broadcast %eq3A_355 : f32 to vector<1x128xf32>
    %eq3A_357 = arith.cmpf oeq, %sub3A_316, %eq3A_356 : vector<1x128xf32>
    %sub3A_358 = vector.broadcast %reduce_sum3A_37 : f32 to vector<1x128xf32>
    %sub3A_359 = arith.subf %sub3A_358, %sub3A_328 : vector<1x128xf32>
    %add3A_360 = vector.broadcast %reduce_sum3A_37 : f32 to vector<1x128xf32>
    %add3A_361 = arith.addf %add3A_360, %sub3A_316 : vector<1x128xf32>
    %sub3A_362 = arith.subf %add3A_361, %sub3A_328 : vector<1x128xf32>
    %div3A_363 = arith.divf %sub3A_359, %sub3A_362 : vector<1x128xf32>
    %sub3A_364 = arith.constant 1.000000e+00 : f32
    %sub3A_365 = vector.broadcast %sub3A_364 : f32 to vector<1x128xf32>
    %sub3A_366 = arith.subf %sub3A_365, %div3A_363 : vector<1x128xf32>
    %jit3A_367 = arith.constant 0.000000e+00 : f32
    %broadcast_in_dim3A_368 = vector.broadcast %jit3A_367 : f32 to vector<1x128xf32>
    %select_n3A_369 = arith.select %eq3A_357, %broadcast_in_dim3A_368, %sub3A_366 : vector<1x128xi1>, vector<1x128xf32>
    %eq3A_370 = arith.constant 0.000000e+00 : f32
    %eq3A_371 = vector.broadcast %eq3A_370 : f32 to vector<1x128xf32>
    %eq3A_372 = arith.cmpf oeq, %add3A_317, %eq3A_371 : vector<1x128xf32>
    %sub3A_373 = vector.broadcast %reduce_sum3A_37 : f32 to vector<1x128xf32>
    %sub3A_374 = arith.subf %sub3A_373, %add3A_329 : vector<1x128xf32>
    %add3A_375 = vector.broadcast %reduce_sum3A_37 : f32 to vector<1x128xf32>
    %add3A_376 = arith.addf %add3A_375, %add3A_317 : vector<1x128xf32>
    %sub3A_377 = arith.subf %add3A_376, %add3A_329 : vector<1x128xf32>
    %div3A_378 = arith.divf %sub3A_374, %sub3A_377 : vector<1x128xf32>
    %sub3A_379 = arith.constant 1.000000e+00 : f32
    %sub3A_380 = vector.broadcast %sub3A_379 : f32 to vector<1x128xf32>
    %sub3A_381 = arith.subf %sub3A_380, %div3A_378 : vector<1x128xf32>
    %jit3A_382 = arith.constant 0.000000e+00 : f32
    %broadcast_in_dim3A_383 = vector.broadcast %jit3A_382 : f32 to vector<1x128xf32>
    %select_n3A_384 = arith.select %eq3A_372, %broadcast_in_dim3A_383, %sub3A_381 : vector<1x128xi1>, vector<1x128xf32>
    %sub3A_385 = arith.subf %select_n3A_384, %select_n3A_369 : vector<1x128xf32>
    %mul3A_386 = arith.mulf %div3A_348, %sub3A_385 : vector<1x128xf32>
    %reduce_sum3A_387 = vector.shape_cast %mul3A_386 : vector<1x128xf32> to vector<1x1x128xf32>
    %reduce_sum3A_388 = arith.constant dense<0.000000e+00> : vector<1xf32>
    %reduce_sum3A_389 = vector.multi_reduction <add>, %reduce_sum3A_387, %reduce_sum3A_388 [1, 2] : vector<1x1x128xf32> to vector<1xf32>
    %reduce_sum3A_390 = vector.shape_cast %reduce_sum3A_389 : vector<1xf32> to vector<1x1x1xf32>
    %reduce_sum3A_391 = vector.extract %reduce_sum3A_390[0, 0, 0] : f32 from vector<1x1x1xf32>
    %add3A_392 = arith.addf %add3A_302, %reduce_sum3A_391 : f32
    %reduce_sum3A_393 = vector.shape_cast %slice3A_309 : vector<1x128xf32> to vector<1x1x128xf32>
    %reduce_sum3A_394 = arith.constant dense<0.000000e+00> : vector<1xf32>
    %reduce_sum3A_395 = vector.multi_reduction <add>, %reduce_sum3A_393, %reduce_sum3A_394 [1, 2] : vector<1x1x128xf32> to vector<1xf32>
    %reduce_sum3A_396 = vector.shape_cast %reduce_sum3A_395 : vector<1xf32> to vector<1x1x1xf32>
    %reduce_sum3A_397 = vector.extract %reduce_sum3A_396[0, 0, 0] : f32 from vector<1x1x1xf32>
    %add3A_398 = arith.addf %add3A_308, %reduce_sum3A_397 : f32
    %slice3A_399 = vector.extract_strided_slice %convert_element_type3A {offsets = [0, 512], sizes = [1, 128], strides = [1, 1]} : vector<1x2048xf32> to vector<1x128xf32>
    %dot_general3A_400 = arith.constant dense<0.000000e+00> : vector<1x128xf32>
    %dot_general3A_401 = tpu.matmul %slice3A_399, %convert_element_type3A_40, %dot_general3A_400 {dimension_numbers = #tpu.dot_dimension_numbers<[1], [0], [0], [1], [0, 0, 1, 1], [], []>, precision = #tpu.contract_precision<fp32>, transpose_lhs_hint = false} : vector<1x128xf32>, vector<128x128xf32>, vector<1x128xf32> -> vector<1x128xf32>
    %add3A_402 = vector.broadcast %add3A_398 : f32 to vector<1x128xf32>
    %add3A_403 = arith.addf %add3A_402, %dot_general3A_401 : vector<1x128xf32>
    %sub3A_404 = arith.constant 0x4A800000 : f32
    %sub3A_405 = vector.broadcast %sub3A_404 : f32 to vector<1x128xf32>
    %sub3A_406 = arith.subf %sub3A_405, %add3A_403 : vector<1x128xf32>
    %add3A_407 = arith.addf %sub3A_406, %slice3A_399 : vector<1x128xf32>
    %iota3A_408 = tpu.iota {dimensions = array<i32: 1>} : vector<1x128xi32>
    %convert_element_type3A_409 = arith.sitofp %iota3A_408 : vector<1x128xi32> to vector<1x128xf32>
    %add3A_410 = arith.constant 5.120000e+02 : f32
    %add3A_411 = vector.broadcast %add3A_410 : f32 to vector<1x128xf32>
    %add3A_412 = arith.addf %convert_element_type3A_409, %add3A_411 : vector<1x128xf32>
    %add3A_413 = vector.broadcast %add3A_354 : f32 to vector<1x128xf32>
    %add3A_414 = arith.addf %add3A_413, %add3A_403 : vector<1x128xf32>
    %sub3A_415 = vector.broadcast %add3A_398 : f32 to vector<1x128xf32>
    %sub3A_416 = arith.subf %add3A_414, %sub3A_415 : vector<1x128xf32>
    %sub3A_417 = vector.broadcast %reduce_sum3A_37 : f32 to vector<1x128xf32>
    %sub3A_418 = arith.subf %sub3A_417, %sub3A_416 : vector<1x128xf32>
    %add3A_419 = arith.addf %sub3A_418, %slice3A_399 : vector<1x128xf32>
    %sub3A_420 = arith.constant 1.023000e+03 : f32
    %sub3A_421 = vector.broadcast %sub3A_420 : f32 to vector<1x128xf32>
    %sub3A_422 = arith.subf %sub3A_421, %add3A_412 : vector<1x128xf32>
    %add3A_423 = arith.constant 5.000000e-01 : f32
    %add3A_424 = vector.broadcast %add3A_423 : f32 to vector<1x128xf32>
    %add3A_425 = arith.addf %sub3A_422, %add3A_424 : vector<1x128xf32>
    %mul3A_426 = arith.constant 0.01171875 : f32
    %mul3A_427 = vector.broadcast %mul3A_426 : f32 to vector<1x128xf32>
    %mul3A_428 = arith.mulf %add3A_425, %mul3A_427 : vector<1x128xf32>
    %add3A_429 = arith.constant -6.000000e+00 : f32
    %add3A_430 = vector.broadcast %add3A_429 : f32 to vector<1x128xf32>
    %add3A_431 = arith.addf %add3A_430, %mul3A_428 : vector<1x128xf32>
    %exp3A_432 = math.exp %add3A_431 : vector<1x128xf32>
    %add3A_433 = arith.constant 1.000000e+00 : f32
    %add3A_434 = vector.broadcast %add3A_433 : f32 to vector<1x128xf32>
    %add3A_435 = arith.addf %add3A_434, %exp3A_432 : vector<1x128xf32>
    %div3A_436 = arith.constant 1.000000e+00 : f32
    %div3A_437 = vector.broadcast %div3A_436 : f32 to vector<1x128xf32>
    %div3A_438 = arith.divf %div3A_437, %add3A_435 : vector<1x128xf32>
    %reduce_sum3A_439 = vector.shape_cast %slice3A_399 : vector<1x128xf32> to vector<1x1x128xf32>
    %reduce_sum3A_440 = arith.constant dense<0.000000e+00> : vector<1xf32>
    %reduce_sum3A_441 = vector.multi_reduction <add>, %reduce_sum3A_439, %reduce_sum3A_440 [1, 2] : vector<1x1x128xf32> to vector<1xf32>
    %reduce_sum3A_442 = vector.shape_cast %reduce_sum3A_441 : vector<1xf32> to vector<1x1x1xf32>
    %reduce_sum3A_443 = vector.extract %reduce_sum3A_442[0, 0, 0] : f32 from vector<1x1x1xf32>
    %add3A_444 = arith.addf %add3A_354, %reduce_sum3A_443 : f32
    %eq3A_445 = arith.constant 0.000000e+00 : f32
    %eq3A_446 = vector.broadcast %eq3A_445 : f32 to vector<1x128xf32>
    %eq3A_447 = arith.cmpf oeq, %sub3A_406, %eq3A_446 : vector<1x128xf32>
    %sub3A_448 = vector.broadcast %reduce_sum3A_37 : f32 to vector<1x128xf32>
    %sub3A_449 = arith.subf %sub3A_448, %sub3A_418 : vector<1x128xf32>
    %add3A_450 = vector.broadcast %reduce_sum3A_37 : f32 to vector<1x128xf32>
    %add3A_451 = arith.addf %add3A_450, %sub3A_406 : vector<1x128xf32>
    %sub3A_452 = arith.subf %add3A_451, %sub3A_418 : vector<1x128xf32>
    %div3A_453 = arith.divf %sub3A_449, %sub3A_452 : vector<1x128xf32>
    %sub3A_454 = arith.constant 1.000000e+00 : f32
    %sub3A_455 = vector.broadcast %sub3A_454 : f32 to vector<1x128xf32>
    %sub3A_456 = arith.subf %sub3A_455, %div3A_453 : vector<1x128xf32>
    %jit3A_457 = arith.constant 0.000000e+00 : f32
    %broadcast_in_dim3A_458 = vector.broadcast %jit3A_457 : f32 to vector<1x128xf32>
    %select_n3A_459 = arith.select %eq3A_447, %broadcast_in_dim3A_458, %sub3A_456 : vector<1x128xi1>, vector<1x128xf32>
    %eq3A_460 = arith.constant 0.000000e+00 : f32
    %eq3A_461 = vector.broadcast %eq3A_460 : f32 to vector<1x128xf32>
    %eq3A_462 = arith.cmpf oeq, %add3A_407, %eq3A_461 : vector<1x128xf32>
    %sub3A_463 = vector.broadcast %reduce_sum3A_37 : f32 to vector<1x128xf32>
    %sub3A_464 = arith.subf %sub3A_463, %add3A_419 : vector<1x128xf32>
    %add3A_465 = vector.broadcast %reduce_sum3A_37 : f32 to vector<1x128xf32>
    %add3A_466 = arith.addf %add3A_465, %add3A_407 : vector<1x128xf32>
    %sub3A_467 = arith.subf %add3A_466, %add3A_419 : vector<1x128xf32>
    %div3A_468 = arith.divf %sub3A_464, %sub3A_467 : vector<1x128xf32>
    %sub3A_469 = arith.constant 1.000000e+00 : f32
    %sub3A_470 = vector.broadcast %sub3A_469 : f32 to vector<1x128xf32>
    %sub3A_471 = arith.subf %sub3A_470, %div3A_468 : vector<1x128xf32>
    %jit3A_472 = arith.constant 0.000000e+00 : f32
    %broadcast_in_dim3A_473 = vector.broadcast %jit3A_472 : f32 to vector<1x128xf32>
    %select_n3A_474 = arith.select %eq3A_462, %broadcast_in_dim3A_473, %sub3A_471 : vector<1x128xi1>, vector<1x128xf32>
    %sub3A_475 = arith.subf %select_n3A_474, %select_n3A_459 : vector<1x128xf32>
    %mul3A_476 = arith.mulf %div3A_438, %sub3A_475 : vector<1x128xf32>
    %reduce_sum3A_477 = vector.shape_cast %mul3A_476 : vector<1x128xf32> to vector<1x1x128xf32>
    %reduce_sum3A_478 = arith.constant dense<0.000000e+00> : vector<1xf32>
    %reduce_sum3A_479 = vector.multi_reduction <add>, %reduce_sum3A_477, %reduce_sum3A_478 [1, 2] : vector<1x1x128xf32> to vector<1xf32>
    %reduce_sum3A_480 = vector.shape_cast %reduce_sum3A_479 : vector<1xf32> to vector<1x1x1xf32>
    %reduce_sum3A_481 = vector.extract %reduce_sum3A_480[0, 0, 0] : f32 from vector<1x1x1xf32>
    %add3A_482 = arith.addf %add3A_392, %reduce_sum3A_481 : f32
    %reduce_sum3A_483 = vector.shape_cast %slice3A_399 : vector<1x128xf32> to vector<1x1x128xf32>
    %reduce_sum3A_484 = arith.constant dense<0.000000e+00> : vector<1xf32>
    %reduce_sum3A_485 = vector.multi_reduction <add>, %reduce_sum3A_483, %reduce_sum3A_484 [1, 2] : vector<1x1x128xf32> to vector<1xf32>
    %reduce_sum3A_486 = vector.shape_cast %reduce_sum3A_485 : vector<1xf32> to vector<1x1x1xf32>
    %reduce_sum3A_487 = vector.extract %reduce_sum3A_486[0, 0, 0] : f32 from vector<1x1x1xf32>
    %add3A_488 = arith.addf %add3A_398, %reduce_sum3A_487 : f32
    %slice3A_489 = vector.extract_strided_slice %convert_element_type3A {offsets = [0, 640], sizes = [1, 128], strides = [1, 1]} : vector<1x2048xf32> to vector<1x128xf32>
    %dot_general3A_490 = arith.constant dense<0.000000e+00> : vector<1x128xf32>
    %dot_general3A_491 = tpu.matmul %slice3A_489, %convert_element_type3A_40, %dot_general3A_490 {dimension_numbers = #tpu.dot_dimension_numbers<[1], [0], [0], [1], [0, 0, 1, 1], [], []>, precision = #tpu.contract_precision<fp32>, transpose_lhs_hint = false} : vector<1x128xf32>, vector<128x128xf32>, vector<1x128xf32> -> vector<1x128xf32>
    %add3A_492 = vector.broadcast %add3A_488 : f32 to vector<1x128xf32>
    %add3A_493 = arith.addf %add3A_492, %dot_general3A_491 : vector<1x128xf32>
    %sub3A_494 = arith.constant 0x4A800000 : f32
    %sub3A_495 = vector.broadcast %sub3A_494 : f32 to vector<1x128xf32>
    %sub3A_496 = arith.subf %sub3A_495, %add3A_493 : vector<1x128xf32>
    %add3A_497 = arith.addf %sub3A_496, %slice3A_489 : vector<1x128xf32>
    %iota3A_498 = tpu.iota {dimensions = array<i32: 1>} : vector<1x128xi32>
    %convert_element_type3A_499 = arith.sitofp %iota3A_498 : vector<1x128xi32> to vector<1x128xf32>
    %add3A_500 = arith.constant 6.400000e+02 : f32
    %add3A_501 = vector.broadcast %add3A_500 : f32 to vector<1x128xf32>
    %add3A_502 = arith.addf %convert_element_type3A_499, %add3A_501 : vector<1x128xf32>
    %add3A_503 = vector.broadcast %add3A_444 : f32 to vector<1x128xf32>
    %add3A_504 = arith.addf %add3A_503, %add3A_493 : vector<1x128xf32>
    %sub3A_505 = vector.broadcast %add3A_488 : f32 to vector<1x128xf32>
    %sub3A_506 = arith.subf %add3A_504, %sub3A_505 : vector<1x128xf32>
    %sub3A_507 = vector.broadcast %reduce_sum3A_37 : f32 to vector<1x128xf32>
    %sub3A_508 = arith.subf %sub3A_507, %sub3A_506 : vector<1x128xf32>
    %add3A_509 = arith.addf %sub3A_508, %slice3A_489 : vector<1x128xf32>
    %sub3A_510 = arith.constant 1.023000e+03 : f32
    %sub3A_511 = vector.broadcast %sub3A_510 : f32 to vector<1x128xf32>
    %sub3A_512 = arith.subf %sub3A_511, %add3A_502 : vector<1x128xf32>
    %add3A_513 = arith.constant 5.000000e-01 : f32
    %add3A_514 = vector.broadcast %add3A_513 : f32 to vector<1x128xf32>
    %add3A_515 = arith.addf %sub3A_512, %add3A_514 : vector<1x128xf32>
    %mul3A_516 = arith.constant 0.01171875 : f32
    %mul3A_517 = vector.broadcast %mul3A_516 : f32 to vector<1x128xf32>
    %mul3A_518 = arith.mulf %add3A_515, %mul3A_517 : vector<1x128xf32>
    %add3A_519 = arith.constant -6.000000e+00 : f32
    %add3A_520 = vector.broadcast %add3A_519 : f32 to vector<1x128xf32>
    %add3A_521 = arith.addf %add3A_520, %mul3A_518 : vector<1x128xf32>
    %exp3A_522 = math.exp %add3A_521 : vector<1x128xf32>
    %add3A_523 = arith.constant 1.000000e+00 : f32
    %add3A_524 = vector.broadcast %add3A_523 : f32 to vector<1x128xf32>
    %add3A_525 = arith.addf %add3A_524, %exp3A_522 : vector<1x128xf32>
    %div3A_526 = arith.constant 1.000000e+00 : f32
    %div3A_527 = vector.broadcast %div3A_526 : f32 to vector<1x128xf32>
    %div3A_528 = arith.divf %div3A_527, %add3A_525 : vector<1x128xf32>
    %reduce_sum3A_529 = vector.shape_cast %slice3A_489 : vector<1x128xf32> to vector<1x1x128xf32>
    %reduce_sum3A_530 = arith.constant dense<0.000000e+00> : vector<1xf32>
    %reduce_sum3A_531 = vector.multi_reduction <add>, %reduce_sum3A_529, %reduce_sum3A_530 [1, 2] : vector<1x1x128xf32> to vector<1xf32>
    %reduce_sum3A_532 = vector.shape_cast %reduce_sum3A_531 : vector<1xf32> to vector<1x1x1xf32>
    %reduce_sum3A_533 = vector.extract %reduce_sum3A_532[0, 0, 0] : f32 from vector<1x1x1xf32>
    %add3A_534 = arith.addf %add3A_444, %reduce_sum3A_533 : f32
    %eq3A_535 = arith.constant 0.000000e+00 : f32
    %eq3A_536 = vector.broadcast %eq3A_535 : f32 to vector<1x128xf32>
    %eq3A_537 = arith.cmpf oeq, %sub3A_496, %eq3A_536 : vector<1x128xf32>
    %sub3A_538 = vector.broadcast %reduce_sum3A_37 : f32 to vector<1x128xf32>
    %sub3A_539 = arith.subf %sub3A_538, %sub3A_508 : vector<1x128xf32>
    %add3A_540 = vector.broadcast %reduce_sum3A_37 : f32 to vector<1x128xf32>
    %add3A_541 = arith.addf %add3A_540, %sub3A_496 : vector<1x128xf32>
    %sub3A_542 = arith.subf %add3A_541, %sub3A_508 : vector<1x128xf32>
    %div3A_543 = arith.divf %sub3A_539, %sub3A_542 : vector<1x128xf32>
    %sub3A_544 = arith.constant 1.000000e+00 : f32
    %sub3A_545 = vector.broadcast %sub3A_544 : f32 to vector<1x128xf32>
    %sub3A_546 = arith.subf %sub3A_545, %div3A_543 : vector<1x128xf32>
    %jit3A_547 = arith.constant 0.000000e+00 : f32
    %broadcast_in_dim3A_548 = vector.broadcast %jit3A_547 : f32 to vector<1x128xf32>
    %select_n3A_549 = arith.select %eq3A_537, %broadcast_in_dim3A_548, %sub3A_546 : vector<1x128xi1>, vector<1x128xf32>
    %eq3A_550 = arith.constant 0.000000e+00 : f32
    %eq3A_551 = vector.broadcast %eq3A_550 : f32 to vector<1x128xf32>
    %eq3A_552 = arith.cmpf oeq, %add3A_497, %eq3A_551 : vector<1x128xf32>
    %sub3A_553 = vector.broadcast %reduce_sum3A_37 : f32 to vector<1x128xf32>
    %sub3A_554 = arith.subf %sub3A_553, %add3A_509 : vector<1x128xf32>
    %add3A_555 = vector.broadcast %reduce_sum3A_37 : f32 to vector<1x128xf32>
    %add3A_556 = arith.addf %add3A_555, %add3A_497 : vector<1x128xf32>
    %sub3A_557 = arith.subf %add3A_556, %add3A_509 : vector<1x128xf32>
    %div3A_558 = arith.divf %sub3A_554, %sub3A_557 : vector<1x128xf32>
    %sub3A_559 = arith.constant 1.000000e+00 : f32
    %sub3A_560 = vector.broadcast %sub3A_559 : f32 to vector<1x128xf32>
    %sub3A_561 = arith.subf %sub3A_560, %div3A_558 : vector<1x128xf32>
    %jit3A_562 = arith.constant 0.000000e+00 : f32
    %broadcast_in_dim3A_563 = vector.broadcast %jit3A_562 : f32 to vector<1x128xf32>
    %select_n3A_564 = arith.select %eq3A_552, %broadcast_in_dim3A_563, %sub3A_561 : vector<1x128xi1>, vector<1x128xf32>
    %sub3A_565 = arith.subf %select_n3A_564, %select_n3A_549 : vector<1x128xf32>
    %mul3A_566 = arith.mulf %div3A_528, %sub3A_565 : vector<1x128xf32>
    %reduce_sum3A_567 = vector.shape_cast %mul3A_566 : vector<1x128xf32> to vector<1x1x128xf32>
    %reduce_sum3A_568 = arith.constant dense<0.000000e+00> : vector<1xf32>
    %reduce_sum3A_569 = vector.multi_reduction <add>, %reduce_sum3A_567, %reduce_sum3A_568 [1, 2] : vector<1x1x128xf32> to vector<1xf32>
    %reduce_sum3A_570 = vector.shape_cast %reduce_sum3A_569 : vector<1xf32> to vector<1x1x1xf32>
    %reduce_sum3A_571 = vector.extract %reduce_sum3A_570[0, 0, 0] : f32 from vector<1x1x1xf32>
    %add3A_572 = arith.addf %add3A_482, %reduce_sum3A_571 : f32
    %reduce_sum3A_573 = vector.shape_cast %slice3A_489 : vector<1x128xf32> to vector<1x1x128xf32>
    %reduce_sum3A_574 = arith.constant dense<0.000000e+00> : vector<1xf32>
    %reduce_sum3A_575 = vector.multi_reduction <add>, %reduce_sum3A_573, %reduce_sum3A_574 [1, 2] : vector<1x1x128xf32> to vector<1xf32>
    %reduce_sum3A_576 = vector.shape_cast %reduce_sum3A_575 : vector<1xf32> to vector<1x1x1xf32>
    %reduce_sum3A_577 = vector.extract %reduce_sum3A_576[0, 0, 0] : f32 from vector<1x1x1xf32>
    %add3A_578 = arith.addf %add3A_488, %reduce_sum3A_577 : f32
    %slice3A_579 = vector.extract_strided_slice %convert_element_type3A {offsets = [0, 768], sizes = [1, 128], strides = [1, 1]} : vector<1x2048xf32> to vector<1x128xf32>
    %dot_general3A_580 = arith.constant dense<0.000000e+00> : vector<1x128xf32>
    %dot_general3A_581 = tpu.matmul %slice3A_579, %convert_element_type3A_40, %dot_general3A_580 {dimension_numbers = #tpu.dot_dimension_numbers<[1], [0], [0], [1], [0, 0, 1, 1], [], []>, precision = #tpu.contract_precision<fp32>, transpose_lhs_hint = false} : vector<1x128xf32>, vector<128x128xf32>, vector<1x128xf32> -> vector<1x128xf32>
    %add3A_582 = vector.broadcast %add3A_578 : f32 to vector<1x128xf32>
    %add3A_583 = arith.addf %add3A_582, %dot_general3A_581 : vector<1x128xf32>
    %sub3A_584 = arith.constant 0x4A800000 : f32
    %sub3A_585 = vector.broadcast %sub3A_584 : f32 to vector<1x128xf32>
    %sub3A_586 = arith.subf %sub3A_585, %add3A_583 : vector<1x128xf32>
    %add3A_587 = arith.addf %sub3A_586, %slice3A_579 : vector<1x128xf32>
    %iota3A_588 = tpu.iota {dimensions = array<i32: 1>} : vector<1x128xi32>
    %convert_element_type3A_589 = arith.sitofp %iota3A_588 : vector<1x128xi32> to vector<1x128xf32>
    %add3A_590 = arith.constant 7.680000e+02 : f32
    %add3A_591 = vector.broadcast %add3A_590 : f32 to vector<1x128xf32>
    %add3A_592 = arith.addf %convert_element_type3A_589, %add3A_591 : vector<1x128xf32>
    %add3A_593 = vector.broadcast %add3A_534 : f32 to vector<1x128xf32>
    %add3A_594 = arith.addf %add3A_593, %add3A_583 : vector<1x128xf32>
    %sub3A_595 = vector.broadcast %add3A_578 : f32 to vector<1x128xf32>
    %sub3A_596 = arith.subf %add3A_594, %sub3A_595 : vector<1x128xf32>
    %sub3A_597 = vector.broadcast %reduce_sum3A_37 : f32 to vector<1x128xf32>
    %sub3A_598 = arith.subf %sub3A_597, %sub3A_596 : vector<1x128xf32>
    %add3A_599 = arith.addf %sub3A_598, %slice3A_579 : vector<1x128xf32>
    %sub3A_600 = arith.constant 1.023000e+03 : f32
    %sub3A_601 = vector.broadcast %sub3A_600 : f32 to vector<1x128xf32>
    %sub3A_602 = arith.subf %sub3A_601, %add3A_592 : vector<1x128xf32>
    %add3A_603 = arith.constant 5.000000e-01 : f32
    %add3A_604 = vector.broadcast %add3A_603 : f32 to vector<1x128xf32>
    %add3A_605 = arith.addf %sub3A_602, %add3A_604 : vector<1x128xf32>
    %mul3A_606 = arith.constant 0.01171875 : f32
    %mul3A_607 = vector.broadcast %mul3A_606 : f32 to vector<1x128xf32>
    %mul3A_608 = arith.mulf %add3A_605, %mul3A_607 : vector<1x128xf32>
    %add3A_609 = arith.constant -6.000000e+00 : f32
    %add3A_610 = vector.broadcast %add3A_609 : f32 to vector<1x128xf32>
    %add3A_611 = arith.addf %add3A_610, %mul3A_608 : vector<1x128xf32>
    %exp3A_612 = math.exp %add3A_611 : vector<1x128xf32>
    %add3A_613 = arith.constant 1.000000e+00 : f32
    %add3A_614 = vector.broadcast %add3A_613 : f32 to vector<1x128xf32>
    %add3A_615 = arith.addf %add3A_614, %exp3A_612 : vector<1x128xf32>
    %div3A_616 = arith.constant 1.000000e+00 : f32
    %div3A_617 = vector.broadcast %div3A_616 : f32 to vector<1x128xf32>
    %div3A_618 = arith.divf %div3A_617, %add3A_615 : vector<1x128xf32>
    %reduce_sum3A_619 = vector.shape_cast %slice3A_579 : vector<1x128xf32> to vector<1x1x128xf32>
    %reduce_sum3A_620 = arith.constant dense<0.000000e+00> : vector<1xf32>
    %reduce_sum3A_621 = vector.multi_reduction <add>, %reduce_sum3A_619, %reduce_sum3A_620 [1, 2] : vector<1x1x128xf32> to vector<1xf32>
    %reduce_sum3A_622 = vector.shape_cast %reduce_sum3A_621 : vector<1xf32> to vector<1x1x1xf32>
    %reduce_sum3A_623 = vector.extract %reduce_sum3A_622[0, 0, 0] : f32 from vector<1x1x1xf32>
    %add3A_624 = arith.addf %add3A_534, %reduce_sum3A_623 : f32
    %eq3A_625 = arith.constant 0.000000e+00 : f32
    %eq3A_626 = vector.broadcast %eq3A_625 : f32 to vector<1x128xf32>
    %eq3A_627 = arith.cmpf oeq, %sub3A_586, %eq3A_626 : vector<1x128xf32>
    %sub3A_628 = vector.broadcast %reduce_sum3A_37 : f32 to vector<1x128xf32>
    %sub3A_629 = arith.subf %sub3A_628, %sub3A_598 : vector<1x128xf32>
    %add3A_630 = vector.broadcast %reduce_sum3A_37 : f32 to vector<1x128xf32>
    %add3A_631 = arith.addf %add3A_630, %sub3A_586 : vector<1x128xf32>
    %sub3A_632 = arith.subf %add3A_631, %sub3A_598 : vector<1x128xf32>
    %div3A_633 = arith.divf %sub3A_629, %sub3A_632 : vector<1x128xf32>
    %sub3A_634 = arith.constant 1.000000e+00 : f32
    %sub3A_635 = vector.broadcast %sub3A_634 : f32 to vector<1x128xf32>
    %sub3A_636 = arith.subf %sub3A_635, %div3A_633 : vector<1x128xf32>
    %jit3A_637 = arith.constant 0.000000e+00 : f32
    %broadcast_in_dim3A_638 = vector.broadcast %jit3A_637 : f32 to vector<1x128xf32>
    %select_n3A_639 = arith.select %eq3A_627, %broadcast_in_dim3A_638, %sub3A_636 : vector<1x128xi1>, vector<1x128xf32>
    %eq3A_640 = arith.constant 0.000000e+00 : f32
    %eq3A_641 = vector.broadcast %eq3A_640 : f32 to vector<1x128xf32>
    %eq3A_642 = arith.cmpf oeq, %add3A_587, %eq3A_641 : vector<1x128xf32>
    %sub3A_643 = vector.broadcast %reduce_sum3A_37 : f32 to vector<1x128xf32>
    %sub3A_644 = arith.subf %sub3A_643, %add3A_599 : vector<1x128xf32>
    %add3A_645 = vector.broadcast %reduce_sum3A_37 : f32 to vector<1x128xf32>
    %add3A_646 = arith.addf %add3A_645, %add3A_587 : vector<1x128xf32>
    %sub3A_647 = arith.subf %add3A_646, %add3A_599 : vector<1x128xf32>
    %div3A_648 = arith.divf %sub3A_644, %sub3A_647 : vector<1x128xf32>
    %sub3A_649 = arith.constant 1.000000e+00 : f32
    %sub3A_650 = vector.broadcast %sub3A_649 : f32 to vector<1x128xf32>
    %sub3A_651 = arith.subf %sub3A_650, %div3A_648 : vector<1x128xf32>
    %jit3A_652 = arith.constant 0.000000e+00 : f32
    %broadcast_in_dim3A_653 = vector.broadcast %jit3A_652 : f32 to vector<1x128xf32>
    %select_n3A_654 = arith.select %eq3A_642, %broadcast_in_dim3A_653, %sub3A_651 : vector<1x128xi1>, vector<1x128xf32>
    %sub3A_655 = arith.subf %select_n3A_654, %select_n3A_639 : vector<1x128xf32>
    %mul3A_656 = arith.mulf %div3A_618, %sub3A_655 : vector<1x128xf32>
    %reduce_sum3A_657 = vector.shape_cast %mul3A_656 : vector<1x128xf32> to vector<1x1x128xf32>
    %reduce_sum3A_658 = arith.constant dense<0.000000e+00> : vector<1xf32>
    %reduce_sum3A_659 = vector.multi_reduction <add>, %reduce_sum3A_657, %reduce_sum3A_658 [1, 2] : vector<1x1x128xf32> to vector<1xf32>
    %reduce_sum3A_660 = vector.shape_cast %reduce_sum3A_659 : vector<1xf32> to vector<1x1x1xf32>
    %reduce_sum3A_661 = vector.extract %reduce_sum3A_660[0, 0, 0] : f32 from vector<1x1x1xf32>
    %add3A_662 = arith.addf %add3A_572, %reduce_sum3A_661 : f32
    %reduce_sum3A_663 = vector.shape_cast %slice3A_579 : vector<1x128xf32> to vector<1x1x128xf32>
    %reduce_sum3A_664 = arith.constant dense<0.000000e+00> : vector<1xf32>
    %reduce_sum3A_665 = vector.multi_reduction <add>, %reduce_sum3A_663, %reduce_sum3A_664 [1, 2] : vector<1x1x128xf32> to vector<1xf32>
    %reduce_sum3A_666 = vector.shape_cast %reduce_sum3A_665 : vector<1xf32> to vector<1x1x1xf32>
    %reduce_sum3A_667 = vector.extract %reduce_sum3A_666[0, 0, 0] : f32 from vector<1x1x1xf32>
    %add3A_668 = arith.addf %add3A_578, %reduce_sum3A_667 : f32
    %slice3A_669 = vector.extract_strided_slice %convert_element_type3A {offsets = [0, 896], sizes = [1, 128], strides = [1, 1]} : vector<1x2048xf32> to vector<1x128xf32>
    %dot_general3A_670 = arith.constant dense<0.000000e+00> : vector<1x128xf32>
    %dot_general3A_671 = tpu.matmul %slice3A_669, %convert_element_type3A_40, %dot_general3A_670 {dimension_numbers = #tpu.dot_dimension_numbers<[1], [0], [0], [1], [0, 0, 1, 1], [], []>, precision = #tpu.contract_precision<fp32>, transpose_lhs_hint = false} : vector<1x128xf32>, vector<128x128xf32>, vector<1x128xf32> -> vector<1x128xf32>
    %add3A_672 = vector.broadcast %add3A_668 : f32 to vector<1x128xf32>
    %add3A_673 = arith.addf %add3A_672, %dot_general3A_671 : vector<1x128xf32>
    %sub3A_674 = arith.constant 0x4A800000 : f32
    %sub3A_675 = vector.broadcast %sub3A_674 : f32 to vector<1x128xf32>
    %sub3A_676 = arith.subf %sub3A_675, %add3A_673 : vector<1x128xf32>
    %add3A_677 = arith.addf %sub3A_676, %slice3A_669 : vector<1x128xf32>
    %iota3A_678 = tpu.iota {dimensions = array<i32: 1>} : vector<1x128xi32>
    %convert_element_type3A_679 = arith.sitofp %iota3A_678 : vector<1x128xi32> to vector<1x128xf32>
    %add3A_680 = arith.constant 8.960000e+02 : f32
    %add3A_681 = vector.broadcast %add3A_680 : f32 to vector<1x128xf32>
    %add3A_682 = arith.addf %convert_element_type3A_679, %add3A_681 : vector<1x128xf32>
    %add3A_683 = vector.broadcast %add3A_624 : f32 to vector<1x128xf32>
    %add3A_684 = arith.addf %add3A_683, %add3A_673 : vector<1x128xf32>
    %sub3A_685 = vector.broadcast %add3A_668 : f32 to vector<1x128xf32>
    %sub3A_686 = arith.subf %add3A_684, %sub3A_685 : vector<1x128xf32>
    %sub3A_687 = vector.broadcast %reduce_sum3A_37 : f32 to vector<1x128xf32>
    %sub3A_688 = arith.subf %sub3A_687, %sub3A_686 : vector<1x128xf32>
    %add3A_689 = arith.addf %sub3A_688, %slice3A_669 : vector<1x128xf32>
    %sub3A_690 = arith.constant 1.023000e+03 : f32
    %sub3A_691 = vector.broadcast %sub3A_690 : f32 to vector<1x128xf32>
    %sub3A_692 = arith.subf %sub3A_691, %add3A_682 : vector<1x128xf32>
    %add3A_693 = arith.constant 5.000000e-01 : f32
    %add3A_694 = vector.broadcast %add3A_693 : f32 to vector<1x128xf32>
    %add3A_695 = arith.addf %sub3A_692, %add3A_694 : vector<1x128xf32>
    %mul3A_696 = arith.constant 0.01171875 : f32
    %mul3A_697 = vector.broadcast %mul3A_696 : f32 to vector<1x128xf32>
    %mul3A_698 = arith.mulf %add3A_695, %mul3A_697 : vector<1x128xf32>
    %add3A_699 = arith.constant -6.000000e+00 : f32
    %add3A_700 = vector.broadcast %add3A_699 : f32 to vector<1x128xf32>
    %add3A_701 = arith.addf %add3A_700, %mul3A_698 : vector<1x128xf32>
    %exp3A_702 = math.exp %add3A_701 : vector<1x128xf32>
    %add3A_703 = arith.constant 1.000000e+00 : f32
    %add3A_704 = vector.broadcast %add3A_703 : f32 to vector<1x128xf32>
    %add3A_705 = arith.addf %add3A_704, %exp3A_702 : vector<1x128xf32>
    %div3A_706 = arith.constant 1.000000e+00 : f32
    %div3A_707 = vector.broadcast %div3A_706 : f32 to vector<1x128xf32>
    %div3A_708 = arith.divf %div3A_707, %add3A_705 : vector<1x128xf32>
    %reduce_sum3A_709 = vector.shape_cast %slice3A_669 : vector<1x128xf32> to vector<1x1x128xf32>
    %reduce_sum3A_710 = arith.constant dense<0.000000e+00> : vector<1xf32>
    %reduce_sum3A_711 = vector.multi_reduction <add>, %reduce_sum3A_709, %reduce_sum3A_710 [1, 2] : vector<1x1x128xf32> to vector<1xf32>
    %reduce_sum3A_712 = vector.shape_cast %reduce_sum3A_711 : vector<1xf32> to vector<1x1x1xf32>
    %reduce_sum3A_713 = vector.extract %reduce_sum3A_712[0, 0, 0] : f32 from vector<1x1x1xf32>
    %add3A_714 = arith.addf %add3A_624, %reduce_sum3A_713 : f32
    %eq3A_715 = arith.constant 0.000000e+00 : f32
    %eq3A_716 = vector.broadcast %eq3A_715 : f32 to vector<1x128xf32>
    %eq3A_717 = arith.cmpf oeq, %sub3A_676, %eq3A_716 : vector<1x128xf32>
    %sub3A_718 = vector.broadcast %reduce_sum3A_37 : f32 to vector<1x128xf32>
    %sub3A_719 = arith.subf %sub3A_718, %sub3A_688 : vector<1x128xf32>
    %add3A_720 = vector.broadcast %reduce_sum3A_37 : f32 to vector<1x128xf32>
    %add3A_721 = arith.addf %add3A_720, %sub3A_676 : vector<1x128xf32>
    %sub3A_722 = arith.subf %add3A_721, %sub3A_688 : vector<1x128xf32>
    %div3A_723 = arith.divf %sub3A_719, %sub3A_722 : vector<1x128xf32>
    %sub3A_724 = arith.constant 1.000000e+00 : f32
    %sub3A_725 = vector.broadcast %sub3A_724 : f32 to vector<1x128xf32>
    %sub3A_726 = arith.subf %sub3A_725, %div3A_723 : vector<1x128xf32>
    %jit3A_727 = arith.constant 0.000000e+00 : f32
    %broadcast_in_dim3A_728 = vector.broadcast %jit3A_727 : f32 to vector<1x128xf32>
    %select_n3A_729 = arith.select %eq3A_717, %broadcast_in_dim3A_728, %sub3A_726 : vector<1x128xi1>, vector<1x128xf32>
    %eq3A_730 = arith.constant 0.000000e+00 : f32
    %eq3A_731 = vector.broadcast %eq3A_730 : f32 to vector<1x128xf32>
    %eq3A_732 = arith.cmpf oeq, %add3A_677, %eq3A_731 : vector<1x128xf32>
    %sub3A_733 = vector.broadcast %reduce_sum3A_37 : f32 to vector<1x128xf32>
    %sub3A_734 = arith.subf %sub3A_733, %add3A_689 : vector<1x128xf32>
    %add3A_735 = vector.broadcast %reduce_sum3A_37 : f32 to vector<1x128xf32>
    %add3A_736 = arith.addf %add3A_735, %add3A_677 : vector<1x128xf32>
    %sub3A_737 = arith.subf %add3A_736, %add3A_689 : vector<1x128xf32>
    %div3A_738 = arith.divf %sub3A_734, %sub3A_737 : vector<1x128xf32>
    %sub3A_739 = arith.constant 1.000000e+00 : f32
    %sub3A_740 = vector.broadcast %sub3A_739 : f32 to vector<1x128xf32>
    %sub3A_741 = arith.subf %sub3A_740, %div3A_738 : vector<1x128xf32>
    %jit3A_742 = arith.constant 0.000000e+00 : f32
    %broadcast_in_dim3A_743 = vector.broadcast %jit3A_742 : f32 to vector<1x128xf32>
    %select_n3A_744 = arith.select %eq3A_732, %broadcast_in_dim3A_743, %sub3A_741 : vector<1x128xi1>, vector<1x128xf32>
    %sub3A_745 = arith.subf %select_n3A_744, %select_n3A_729 : vector<1x128xf32>
    %mul3A_746 = arith.mulf %div3A_708, %sub3A_745 : vector<1x128xf32>
    %reduce_sum3A_747 = vector.shape_cast %mul3A_746 : vector<1x128xf32> to vector<1x1x128xf32>
    %reduce_sum3A_748 = arith.constant dense<0.000000e+00> : vector<1xf32>
    %reduce_sum3A_749 = vector.multi_reduction <add>, %reduce_sum3A_747, %reduce_sum3A_748 [1, 2] : vector<1x1x128xf32> to vector<1xf32>
    %reduce_sum3A_750 = vector.shape_cast %reduce_sum3A_749 : vector<1xf32> to vector<1x1x1xf32>
    %reduce_sum3A_751 = vector.extract %reduce_sum3A_750[0, 0, 0] : f32 from vector<1x1x1xf32>
    %add3A_752 = arith.addf %add3A_662, %reduce_sum3A_751 : f32
    %reduce_sum3A_753 = vector.shape_cast %slice3A_669 : vector<1x128xf32> to vector<1x1x128xf32>
    %reduce_sum3A_754 = arith.constant dense<0.000000e+00> : vector<1xf32>
    %reduce_sum3A_755 = vector.multi_reduction <add>, %reduce_sum3A_753, %reduce_sum3A_754 [1, 2] : vector<1x1x128xf32> to vector<1xf32>
    %reduce_sum3A_756 = vector.shape_cast %reduce_sum3A_755 : vector<1xf32> to vector<1x1x1xf32>
    %reduce_sum3A_757 = vector.extract %reduce_sum3A_756[0, 0, 0] : f32 from vector<1x1x1xf32>
    %add3A_758 = arith.addf %add3A_668, %reduce_sum3A_757 : f32
    %slice3A_759 = vector.extract_strided_slice %convert_element_type3A {offsets = [0, 1024], sizes = [1, 128], strides = [1, 1]} : vector<1x2048xf32> to vector<1x128xf32>
    %dot_general3A_760 = arith.constant dense<0.000000e+00> : vector<1x128xf32>
    %dot_general3A_761 = tpu.matmul %slice3A_759, %convert_element_type3A_40, %dot_general3A_760 {dimension_numbers = #tpu.dot_dimension_numbers<[1], [0], [0], [1], [0, 0, 1, 1], [], []>, precision = #tpu.contract_precision<fp32>, transpose_lhs_hint = false} : vector<1x128xf32>, vector<128x128xf32>, vector<1x128xf32> -> vector<1x128xf32>
    %add3A_762 = vector.broadcast %add3A_758 : f32 to vector<1x128xf32>
    %add3A_763 = arith.addf %add3A_762, %dot_general3A_761 : vector<1x128xf32>
    %sub3A_764 = arith.constant 0x4A800000 : f32
    %sub3A_765 = vector.broadcast %sub3A_764 : f32 to vector<1x128xf32>
    %sub3A_766 = arith.subf %sub3A_765, %add3A_763 : vector<1x128xf32>
    %add3A_767 = arith.addf %sub3A_766, %slice3A_759 : vector<1x128xf32>
    %iota3A_768 = tpu.iota {dimensions = array<i32: 1>} : vector<1x128xi32>
    %convert_element_type3A_769 = arith.sitofp %iota3A_768 : vector<1x128xi32> to vector<1x128xf32>
    %add3A_770 = arith.constant 1.024000e+03 : f32
    %add3A_771 = vector.broadcast %add3A_770 : f32 to vector<1x128xf32>
    %add3A_772 = arith.addf %convert_element_type3A_769, %add3A_771 : vector<1x128xf32>
    %sub3A_773 = arith.subf %reduce_sum3A_37, %add3A_714 : f32
    %sub3A_774 = arith.constant 1.024000e+03 : f32
    %sub3A_775 = vector.broadcast %sub3A_774 : f32 to vector<1x128xf32>
    %sub3A_776 = arith.subf %add3A_772, %sub3A_775 : vector<1x128xf32>
    %add3A_777 = arith.constant 5.000000e-01 : f32
    %add3A_778 = vector.broadcast %add3A_777 : f32 to vector<1x128xf32>
    %add3A_779 = arith.addf %sub3A_776, %add3A_778 : vector<1x128xf32>
    %mul3A_780 = arith.constant 0.01171875 : f32
    %mul3A_781 = vector.broadcast %mul3A_780 : f32 to vector<1x128xf32>
    %mul3A_782 = arith.mulf %add3A_779, %mul3A_781 : vector<1x128xf32>
    %add3A_783 = arith.constant -6.000000e+00 : f32
    %add3A_784 = vector.broadcast %add3A_783 : f32 to vector<1x128xf32>
    %add3A_785 = arith.addf %add3A_784, %mul3A_782 : vector<1x128xf32>
    %neg3A = arith.constant 0.000000e+00 : f32
    %neg3A_786 = vector.broadcast %neg3A : f32 to vector<1x128xf32>
    %neg3A_787 = arith.subf %neg3A_786, %add3A_785 : vector<1x128xf32>
    %exp3A_788 = math.exp %neg3A_787 : vector<1x128xf32>
    %add3A_789 = arith.constant 1.000000e+00 : f32
    %add3A_790 = vector.broadcast %add3A_789 : f32 to vector<1x128xf32>
    %add3A_791 = arith.addf %add3A_790, %exp3A_788 : vector<1x128xf32>
    %div3A_792 = arith.constant 1.000000e+00 : f32
    %div3A_793 = vector.broadcast %div3A_792 : f32 to vector<1x128xf32>
    %div3A_794 = arith.divf %div3A_793, %add3A_791 : vector<1x128xf32>
    %add3A_795 = arith.constant 1.000000e+00 : f32
    %add3A_796 = vector.broadcast %add3A_795 : f32 to vector<1x128xf32>
    %add3A_797 = arith.addf %add3A_796, %div3A_794 : vector<1x128xf32>
    %eq3A_798 = arith.constant 0.000000e+00 : f32
    %eq3A_799 = vector.broadcast %eq3A_798 : f32 to vector<1x128xf32>
    %eq3A_800 = arith.cmpf oeq, %sub3A_766, %eq3A_799 : vector<1x128xf32>
    %sub3A_801 = arith.subf %reduce_sum3A_37, %sub3A_773 : f32
    %add3A_802 = vector.broadcast %reduce_sum3A_37 : f32 to vector<1x128xf32>
    %add3A_803 = arith.addf %add3A_802, %sub3A_766 : vector<1x128xf32>
    %sub3A_804 = vector.broadcast %sub3A_773 : f32 to vector<1x128xf32>
    %sub3A_805 = arith.subf %add3A_803, %sub3A_804 : vector<1x128xf32>
    %div3A_806 = vector.broadcast %sub3A_801 : f32 to vector<1x128xf32>
    %div3A_807 = arith.divf %div3A_806, %sub3A_805 : vector<1x128xf32>
    %sub3A_808 = arith.constant 1.000000e+00 : f32
    %sub3A_809 = vector.broadcast %sub3A_808 : f32 to vector<1x128xf32>
    %sub3A_810 = arith.subf %sub3A_809, %div3A_807 : vector<1x128xf32>
    %jit3A_811 = arith.constant 0.000000e+00 : f32
    %broadcast_in_dim3A_812 = vector.broadcast %jit3A_811 : f32 to vector<1x128xf32>
    %select_n3A_813 = arith.select %eq3A_800, %broadcast_in_dim3A_812, %sub3A_810 : vector<1x128xi1>, vector<1x128xf32>
    %eq3A_814 = arith.constant 0.000000e+00 : f32
    %eq3A_815 = vector.broadcast %eq3A_814 : f32 to vector<1x128xf32>
    %eq3A_816 = arith.cmpf oeq, %add3A_767, %eq3A_815 : vector<1x128xf32>
    %sub3A_817 = arith.subf %reduce_sum3A_37, %sub3A_773 : f32
    %add3A_818 = vector.broadcast %reduce_sum3A_37 : f32 to vector<1x128xf32>
    %add3A_819 = arith.addf %add3A_818, %add3A_767 : vector<1x128xf32>
    %sub3A_820 = vector.broadcast %sub3A_773 : f32 to vector<1x128xf32>
    %sub3A_821 = arith.subf %add3A_819, %sub3A_820 : vector<1x128xf32>
    %div3A_822 = vector.broadcast %sub3A_817 : f32 to vector<1x128xf32>
    %div3A_823 = arith.divf %div3A_822, %sub3A_821 : vector<1x128xf32>
    %sub3A_824 = arith.constant 1.000000e+00 : f32
    %sub3A_825 = vector.broadcast %sub3A_824 : f32 to vector<1x128xf32>
    %sub3A_826 = arith.subf %sub3A_825, %div3A_823 : vector<1x128xf32>
    %jit3A_827 = arith.constant 0.000000e+00 : f32
    %broadcast_in_dim3A_828 = vector.broadcast %jit3A_827 : f32 to vector<1x128xf32>
    %select_n3A_829 = arith.select %eq3A_816, %broadcast_in_dim3A_828, %sub3A_826 : vector<1x128xi1>, vector<1x128xf32>
    %sub3A_830 = arith.subf %select_n3A_829, %select_n3A_813 : vector<1x128xf32>
    %mul3A_831 = arith.mulf %add3A_797, %sub3A_830 : vector<1x128xf32>
    %reduce_sum3A_832 = vector.shape_cast %mul3A_831 : vector<1x128xf32> to vector<1x1x128xf32>
    %reduce_sum3A_833 = arith.constant dense<0.000000e+00> : vector<1xf32>
    %reduce_sum3A_834 = vector.multi_reduction <add>, %reduce_sum3A_832, %reduce_sum3A_833 [1, 2] : vector<1x1x128xf32> to vector<1xf32>
    %reduce_sum3A_835 = vector.shape_cast %reduce_sum3A_834 : vector<1xf32> to vector<1x1x1xf32>
    %reduce_sum3A_836 = vector.extract %reduce_sum3A_835[0, 0, 0] : f32 from vector<1x1x1xf32>
    %add3A_837 = arith.addf %add3A_752, %reduce_sum3A_836 : f32
    %reduce_sum3A_838 = vector.shape_cast %slice3A_759 : vector<1x128xf32> to vector<1x1x128xf32>
    %reduce_sum3A_839 = arith.constant dense<0.000000e+00> : vector<1xf32>
    %reduce_sum3A_840 = vector.multi_reduction <add>, %reduce_sum3A_838, %reduce_sum3A_839 [1, 2] : vector<1x1x128xf32> to vector<1xf32>
    %reduce_sum3A_841 = vector.shape_cast %reduce_sum3A_840 : vector<1xf32> to vector<1x1x1xf32>
    %reduce_sum3A_842 = vector.extract %reduce_sum3A_841[0, 0, 0] : f32 from vector<1x1x1xf32>
    %add3A_843 = arith.addf %add3A_758, %reduce_sum3A_842 : f32
    %slice3A_844 = vector.extract_strided_slice %convert_element_type3A {offsets = [0, 1152], sizes = [1, 128], strides = [1, 1]} : vector<1x2048xf32> to vector<1x128xf32>
    %dot_general3A_845 = arith.constant dense<0.000000e+00> : vector<1x128xf32>
    %dot_general3A_846 = tpu.matmul %slice3A_844, %convert_element_type3A_40, %dot_general3A_845 {dimension_numbers = #tpu.dot_dimension_numbers<[1], [0], [0], [1], [0, 0, 1, 1], [], []>, precision = #tpu.contract_precision<fp32>, transpose_lhs_hint = false} : vector<1x128xf32>, vector<128x128xf32>, vector<1x128xf32> -> vector<1x128xf32>
    %add3A_847 = vector.broadcast %add3A_843 : f32 to vector<1x128xf32>
    %add3A_848 = arith.addf %add3A_847, %dot_general3A_846 : vector<1x128xf32>
    %sub3A_849 = arith.constant 0x4A800000 : f32
    %sub3A_850 = vector.broadcast %sub3A_849 : f32 to vector<1x128xf32>
    %sub3A_851 = arith.subf %sub3A_850, %add3A_848 : vector<1x128xf32>
    %add3A_852 = arith.addf %sub3A_851, %slice3A_844 : vector<1x128xf32>
    %iota3A_853 = tpu.iota {dimensions = array<i32: 1>} : vector<1x128xi32>
    %convert_element_type3A_854 = arith.sitofp %iota3A_853 : vector<1x128xi32> to vector<1x128xf32>
    %add3A_855 = arith.constant 1.152000e+03 : f32
    %add3A_856 = vector.broadcast %add3A_855 : f32 to vector<1x128xf32>
    %add3A_857 = arith.addf %convert_element_type3A_854, %add3A_856 : vector<1x128xf32>
    %sub3A_858 = arith.subf %reduce_sum3A_37, %add3A_714 : f32
    %sub3A_859 = arith.constant 1.024000e+03 : f32
    %sub3A_860 = vector.broadcast %sub3A_859 : f32 to vector<1x128xf32>
    %sub3A_861 = arith.subf %add3A_857, %sub3A_860 : vector<1x128xf32>
    %add3A_862 = arith.constant 5.000000e-01 : f32
    %add3A_863 = vector.broadcast %add3A_862 : f32 to vector<1x128xf32>
    %add3A_864 = arith.addf %sub3A_861, %add3A_863 : vector<1x128xf32>
    %mul3A_865 = arith.constant 0.01171875 : f32
    %mul3A_866 = vector.broadcast %mul3A_865 : f32 to vector<1x128xf32>
    %mul3A_867 = arith.mulf %add3A_864, %mul3A_866 : vector<1x128xf32>
    %add3A_868 = arith.constant -6.000000e+00 : f32
    %add3A_869 = vector.broadcast %add3A_868 : f32 to vector<1x128xf32>
    %add3A_870 = arith.addf %add3A_869, %mul3A_867 : vector<1x128xf32>
    %neg3A_871 = arith.constant 0.000000e+00 : f32
    %neg3A_872 = vector.broadcast %neg3A_871 : f32 to vector<1x128xf32>
    %neg3A_873 = arith.subf %neg3A_872, %add3A_870 : vector<1x128xf32>
    %exp3A_874 = math.exp %neg3A_873 : vector<1x128xf32>
    %add3A_875 = arith.constant 1.000000e+00 : f32
    %add3A_876 = vector.broadcast %add3A_875 : f32 to vector<1x128xf32>
    %add3A_877 = arith.addf %add3A_876, %exp3A_874 : vector<1x128xf32>
    %div3A_878 = arith.constant 1.000000e+00 : f32
    %div3A_879 = vector.broadcast %div3A_878 : f32 to vector<1x128xf32>
    %div3A_880 = arith.divf %div3A_879, %add3A_877 : vector<1x128xf32>
    %add3A_881 = arith.constant 1.000000e+00 : f32
    %add3A_882 = vector.broadcast %add3A_881 : f32 to vector<1x128xf32>
    %add3A_883 = arith.addf %add3A_882, %div3A_880 : vector<1x128xf32>
    %eq3A_884 = arith.constant 0.000000e+00 : f32
    %eq3A_885 = vector.broadcast %eq3A_884 : f32 to vector<1x128xf32>
    %eq3A_886 = arith.cmpf oeq, %sub3A_851, %eq3A_885 : vector<1x128xf32>
    %sub3A_887 = arith.subf %reduce_sum3A_37, %sub3A_858 : f32
    %add3A_888 = vector.broadcast %reduce_sum3A_37 : f32 to vector<1x128xf32>
    %add3A_889 = arith.addf %add3A_888, %sub3A_851 : vector<1x128xf32>
    %sub3A_890 = vector.broadcast %sub3A_858 : f32 to vector<1x128xf32>
    %sub3A_891 = arith.subf %add3A_889, %sub3A_890 : vector<1x128xf32>
    %div3A_892 = vector.broadcast %sub3A_887 : f32 to vector<1x128xf32>
    %div3A_893 = arith.divf %div3A_892, %sub3A_891 : vector<1x128xf32>
    %sub3A_894 = arith.constant 1.000000e+00 : f32
    %sub3A_895 = vector.broadcast %sub3A_894 : f32 to vector<1x128xf32>
    %sub3A_896 = arith.subf %sub3A_895, %div3A_893 : vector<1x128xf32>
    %jit3A_897 = arith.constant 0.000000e+00 : f32
    %broadcast_in_dim3A_898 = vector.broadcast %jit3A_897 : f32 to vector<1x128xf32>
    %select_n3A_899 = arith.select %eq3A_886, %broadcast_in_dim3A_898, %sub3A_896 : vector<1x128xi1>, vector<1x128xf32>
    %eq3A_900 = arith.constant 0.000000e+00 : f32
    %eq3A_901 = vector.broadcast %eq3A_900 : f32 to vector<1x128xf32>
    %eq3A_902 = arith.cmpf oeq, %add3A_852, %eq3A_901 : vector<1x128xf32>
    %sub3A_903 = arith.subf %reduce_sum3A_37, %sub3A_858 : f32
    %add3A_904 = vector.broadcast %reduce_sum3A_37 : f32 to vector<1x128xf32>
    %add3A_905 = arith.addf %add3A_904, %add3A_852 : vector<1x128xf32>
    %sub3A_906 = vector.broadcast %sub3A_858 : f32 to vector<1x128xf32>
    %sub3A_907 = arith.subf %add3A_905, %sub3A_906 : vector<1x128xf32>
    %div3A_908 = vector.broadcast %sub3A_903 : f32 to vector<1x128xf32>
    %div3A_909 = arith.divf %div3A_908, %sub3A_907 : vector<1x128xf32>
    %sub3A_910 = arith.constant 1.000000e+00 : f32
    %sub3A_911 = vector.broadcast %sub3A_910 : f32 to vector<1x128xf32>
    %sub3A_912 = arith.subf %sub3A_911, %div3A_909 : vector<1x128xf32>
    %jit3A_913 = arith.constant 0.000000e+00 : f32
    %broadcast_in_dim3A_914 = vector.broadcast %jit3A_913 : f32 to vector<1x128xf32>
    %select_n3A_915 = arith.select %eq3A_902, %broadcast_in_dim3A_914, %sub3A_912 : vector<1x128xi1>, vector<1x128xf32>
    %sub3A_916 = arith.subf %select_n3A_915, %select_n3A_899 : vector<1x128xf32>
    %mul3A_917 = arith.mulf %add3A_883, %sub3A_916 : vector<1x128xf32>
    %reduce_sum3A_918 = vector.shape_cast %mul3A_917 : vector<1x128xf32> to vector<1x1x128xf32>
    %reduce_sum3A_919 = arith.constant dense<0.000000e+00> : vector<1xf32>
    %reduce_sum3A_920 = vector.multi_reduction <add>, %reduce_sum3A_918, %reduce_sum3A_919 [1, 2] : vector<1x1x128xf32> to vector<1xf32>
    %reduce_sum3A_921 = vector.shape_cast %reduce_sum3A_920 : vector<1xf32> to vector<1x1x1xf32>
    %reduce_sum3A_922 = vector.extract %reduce_sum3A_921[0, 0, 0] : f32 from vector<1x1x1xf32>
    %add3A_923 = arith.addf %add3A_837, %reduce_sum3A_922 : f32
    %reduce_sum3A_924 = vector.shape_cast %slice3A_844 : vector<1x128xf32> to vector<1x1x128xf32>
    %reduce_sum3A_925 = arith.constant dense<0.000000e+00> : vector<1xf32>
    %reduce_sum3A_926 = vector.multi_reduction <add>, %reduce_sum3A_924, %reduce_sum3A_925 [1, 2] : vector<1x1x128xf32> to vector<1xf32>
    %reduce_sum3A_927 = vector.shape_cast %reduce_sum3A_926 : vector<1xf32> to vector<1x1x1xf32>
    %reduce_sum3A_928 = vector.extract %reduce_sum3A_927[0, 0, 0] : f32 from vector<1x1x1xf32>
    %add3A_929 = arith.addf %add3A_843, %reduce_sum3A_928 : f32
    %slice3A_930 = vector.extract_strided_slice %convert_element_type3A {offsets = [0, 1280], sizes = [1, 128], strides = [1, 1]} : vector<1x2048xf32> to vector<1x128xf32>
    %dot_general3A_931 = arith.constant dense<0.000000e+00> : vector<1x128xf32>
    %dot_general3A_932 = tpu.matmul %slice3A_930, %convert_element_type3A_40, %dot_general3A_931 {dimension_numbers = #tpu.dot_dimension_numbers<[1], [0], [0], [1], [0, 0, 1, 1], [], []>, precision = #tpu.contract_precision<fp32>, transpose_lhs_hint = false} : vector<1x128xf32>, vector<128x128xf32>, vector<1x128xf32> -> vector<1x128xf32>
    %add3A_933 = vector.broadcast %add3A_929 : f32 to vector<1x128xf32>
    %add3A_934 = arith.addf %add3A_933, %dot_general3A_932 : vector<1x128xf32>
    %sub3A_935 = arith.constant 0x4A800000 : f32
    %sub3A_936 = vector.broadcast %sub3A_935 : f32 to vector<1x128xf32>
    %sub3A_937 = arith.subf %sub3A_936, %add3A_934 : vector<1x128xf32>
    %add3A_938 = arith.addf %sub3A_937, %slice3A_930 : vector<1x128xf32>
    %iota3A_939 = tpu.iota {dimensions = array<i32: 1>} : vector<1x128xi32>
    %convert_element_type3A_940 = arith.sitofp %iota3A_939 : vector<1x128xi32> to vector<1x128xf32>
    %add3A_941 = arith.constant 1.280000e+03 : f32
    %add3A_942 = vector.broadcast %add3A_941 : f32 to vector<1x128xf32>
    %add3A_943 = arith.addf %convert_element_type3A_940, %add3A_942 : vector<1x128xf32>
    %sub3A_944 = arith.subf %reduce_sum3A_37, %add3A_714 : f32
    %sub3A_945 = arith.constant 1.024000e+03 : f32
    %sub3A_946 = vector.broadcast %sub3A_945 : f32 to vector<1x128xf32>
    %sub3A_947 = arith.subf %add3A_943, %sub3A_946 : vector<1x128xf32>
    %add3A_948 = arith.constant 5.000000e-01 : f32
    %add3A_949 = vector.broadcast %add3A_948 : f32 to vector<1x128xf32>
    %add3A_950 = arith.addf %sub3A_947, %add3A_949 : vector<1x128xf32>
    %mul3A_951 = arith.constant 0.01171875 : f32
    %mul3A_952 = vector.broadcast %mul3A_951 : f32 to vector<1x128xf32>
    %mul3A_953 = arith.mulf %add3A_950, %mul3A_952 : vector<1x128xf32>
    %add3A_954 = arith.constant -6.000000e+00 : f32
    %add3A_955 = vector.broadcast %add3A_954 : f32 to vector<1x128xf32>
    %add3A_956 = arith.addf %add3A_955, %mul3A_953 : vector<1x128xf32>
    %neg3A_957 = arith.constant 0.000000e+00 : f32
    %neg3A_958 = vector.broadcast %neg3A_957 : f32 to vector<1x128xf32>
    %neg3A_959 = arith.subf %neg3A_958, %add3A_956 : vector<1x128xf32>
    %exp3A_960 = math.exp %neg3A_959 : vector<1x128xf32>
    %add3A_961 = arith.constant 1.000000e+00 : f32
    %add3A_962 = vector.broadcast %add3A_961 : f32 to vector<1x128xf32>
    %add3A_963 = arith.addf %add3A_962, %exp3A_960 : vector<1x128xf32>
    %div3A_964 = arith.constant 1.000000e+00 : f32
    %div3A_965 = vector.broadcast %div3A_964 : f32 to vector<1x128xf32>
    %div3A_966 = arith.divf %div3A_965, %add3A_963 : vector<1x128xf32>
    %add3A_967 = arith.constant 1.000000e+00 : f32
    %add3A_968 = vector.broadcast %add3A_967 : f32 to vector<1x128xf32>
    %add3A_969 = arith.addf %add3A_968, %div3A_966 : vector<1x128xf32>
    %eq3A_970 = arith.constant 0.000000e+00 : f32
    %eq3A_971 = vector.broadcast %eq3A_970 : f32 to vector<1x128xf32>
    %eq3A_972 = arith.cmpf oeq, %sub3A_937, %eq3A_971 : vector<1x128xf32>
    %sub3A_973 = arith.subf %reduce_sum3A_37, %sub3A_944 : f32
    %add3A_974 = vector.broadcast %reduce_sum3A_37 : f32 to vector<1x128xf32>
    %add3A_975 = arith.addf %add3A_974, %sub3A_937 : vector<1x128xf32>
    %sub3A_976 = vector.broadcast %sub3A_944 : f32 to vector<1x128xf32>
    %sub3A_977 = arith.subf %add3A_975, %sub3A_976 : vector<1x128xf32>
    %div3A_978 = vector.broadcast %sub3A_973 : f32 to vector<1x128xf32>
    %div3A_979 = arith.divf %div3A_978, %sub3A_977 : vector<1x128xf32>
    %sub3A_980 = arith.constant 1.000000e+00 : f32
    %sub3A_981 = vector.broadcast %sub3A_980 : f32 to vector<1x128xf32>
    %sub3A_982 = arith.subf %sub3A_981, %div3A_979 : vector<1x128xf32>
    %jit3A_983 = arith.constant 0.000000e+00 : f32
    %broadcast_in_dim3A_984 = vector.broadcast %jit3A_983 : f32 to vector<1x128xf32>
    %select_n3A_985 = arith.select %eq3A_972, %broadcast_in_dim3A_984, %sub3A_982 : vector<1x128xi1>, vector<1x128xf32>
    %eq3A_986 = arith.constant 0.000000e+00 : f32
    %eq3A_987 = vector.broadcast %eq3A_986 : f32 to vector<1x128xf32>
    %eq3A_988 = arith.cmpf oeq, %add3A_938, %eq3A_987 : vector<1x128xf32>
    %sub3A_989 = arith.subf %reduce_sum3A_37, %sub3A_944 : f32
    %add3A_990 = vector.broadcast %reduce_sum3A_37 : f32 to vector<1x128xf32>
    %add3A_991 = arith.addf %add3A_990, %add3A_938 : vector<1x128xf32>
    %sub3A_992 = vector.broadcast %sub3A_944 : f32 to vector<1x128xf32>
    %sub3A_993 = arith.subf %add3A_991, %sub3A_992 : vector<1x128xf32>
    %div3A_994 = vector.broadcast %sub3A_989 : f32 to vector<1x128xf32>
    %div3A_995 = arith.divf %div3A_994, %sub3A_993 : vector<1x128xf32>
    %sub3A_996 = arith.constant 1.000000e+00 : f32
    %sub3A_997 = vector.broadcast %sub3A_996 : f32 to vector<1x128xf32>
    %sub3A_998 = arith.subf %sub3A_997, %div3A_995 : vector<1x128xf32>
    %jit3A_999 = arith.constant 0.000000e+00 : f32
    %broadcast_in_dim3A_1000 = vector.broadcast %jit3A_999 : f32 to vector<1x128xf32>
    %select_n3A_1001 = arith.select %eq3A_988, %broadcast_in_dim3A_1000, %sub3A_998 : vector<1x128xi1>, vector<1x128xf32>
    %sub3A_1002 = arith.subf %select_n3A_1001, %select_n3A_985 : vector<1x128xf32>
    %mul3A_1003 = arith.mulf %add3A_969, %sub3A_1002 : vector<1x128xf32>
    %reduce_sum3A_1004 = vector.shape_cast %mul3A_1003 : vector<1x128xf32> to vector<1x1x128xf32>
    %reduce_sum3A_1005 = arith.constant dense<0.000000e+00> : vector<1xf32>
    %reduce_sum3A_1006 = vector.multi_reduction <add>, %reduce_sum3A_1004, %reduce_sum3A_1005 [1, 2] : vector<1x1x128xf32> to vector<1xf32>
    %reduce_sum3A_1007 = vector.shape_cast %reduce_sum3A_1006 : vector<1xf32> to vector<1x1x1xf32>
    %reduce_sum3A_1008 = vector.extract %reduce_sum3A_1007[0, 0, 0] : f32 from vector<1x1x1xf32>
    %add3A_1009 = arith.addf %add3A_923, %reduce_sum3A_1008 : f32
    %reduce_sum3A_1010 = vector.shape_cast %slice3A_930 : vector<1x128xf32> to vector<1x1x128xf32>
    %reduce_sum3A_1011 = arith.constant dense<0.000000e+00> : vector<1xf32>
    %reduce_sum3A_1012 = vector.multi_reduction <add>, %reduce_sum3A_1010, %reduce_sum3A_1011 [1, 2] : vector<1x1x128xf32> to vector<1xf32>
    %reduce_sum3A_1013 = vector.shape_cast %reduce_sum3A_1012 : vector<1xf32> to vector<1x1x1xf32>
    %reduce_sum3A_1014 = vector.extract %reduce_sum3A_1013[0, 0, 0] : f32 from vector<1x1x1xf32>
    %add3A_1015 = arith.addf %add3A_929, %reduce_sum3A_1014 : f32
    %slice3A_1016 = vector.extract_strided_slice %convert_element_type3A {offsets = [0, 1408], sizes = [1, 128], strides = [1, 1]} : vector<1x2048xf32> to vector<1x128xf32>
    %dot_general3A_1017 = arith.constant dense<0.000000e+00> : vector<1x128xf32>
    %dot_general3A_1018 = tpu.matmul %slice3A_1016, %convert_element_type3A_40, %dot_general3A_1017 {dimension_numbers = #tpu.dot_dimension_numbers<[1], [0], [0], [1], [0, 0, 1, 1], [], []>, precision = #tpu.contract_precision<fp32>, transpose_lhs_hint = false} : vector<1x128xf32>, vector<128x128xf32>, vector<1x128xf32> -> vector<1x128xf32>
    %add3A_1019 = vector.broadcast %add3A_1015 : f32 to vector<1x128xf32>
    %add3A_1020 = arith.addf %add3A_1019, %dot_general3A_1018 : vector<1x128xf32>
    %sub3A_1021 = arith.constant 0x4A800000 : f32
    %sub3A_1022 = vector.broadcast %sub3A_1021 : f32 to vector<1x128xf32>
    %sub3A_1023 = arith.subf %sub3A_1022, %add3A_1020 : vector<1x128xf32>
    %add3A_1024 = arith.addf %sub3A_1023, %slice3A_1016 : vector<1x128xf32>
    %iota3A_1025 = tpu.iota {dimensions = array<i32: 1>} : vector<1x128xi32>
    %convert_element_type3A_1026 = arith.sitofp %iota3A_1025 : vector<1x128xi32> to vector<1x128xf32>
    %add3A_1027 = arith.constant 1.408000e+03 : f32
    %add3A_1028 = vector.broadcast %add3A_1027 : f32 to vector<1x128xf32>
    %add3A_1029 = arith.addf %convert_element_type3A_1026, %add3A_1028 : vector<1x128xf32>
    %sub3A_1030 = arith.subf %reduce_sum3A_37, %add3A_714 : f32
    %sub3A_1031 = arith.constant 1.024000e+03 : f32
    %sub3A_1032 = vector.broadcast %sub3A_1031 : f32 to vector<1x128xf32>
    %sub3A_1033 = arith.subf %add3A_1029, %sub3A_1032 : vector<1x128xf32>
    %add3A_1034 = arith.constant 5.000000e-01 : f32
    %add3A_1035 = vector.broadcast %add3A_1034 : f32 to vector<1x128xf32>
    %add3A_1036 = arith.addf %sub3A_1033, %add3A_1035 : vector<1x128xf32>
    %mul3A_1037 = arith.constant 0.01171875 : f32
    %mul3A_1038 = vector.broadcast %mul3A_1037 : f32 to vector<1x128xf32>
    %mul3A_1039 = arith.mulf %add3A_1036, %mul3A_1038 : vector<1x128xf32>
    %add3A_1040 = arith.constant -6.000000e+00 : f32
    %add3A_1041 = vector.broadcast %add3A_1040 : f32 to vector<1x128xf32>
    %add3A_1042 = arith.addf %add3A_1041, %mul3A_1039 : vector<1x128xf32>
    %neg3A_1043 = arith.constant 0.000000e+00 : f32
    %neg3A_1044 = vector.broadcast %neg3A_1043 : f32 to vector<1x128xf32>
    %neg3A_1045 = arith.subf %neg3A_1044, %add3A_1042 : vector<1x128xf32>
    %exp3A_1046 = math.exp %neg3A_1045 : vector<1x128xf32>
    %add3A_1047 = arith.constant 1.000000e+00 : f32
    %add3A_1048 = vector.broadcast %add3A_1047 : f32 to vector<1x128xf32>
    %add3A_1049 = arith.addf %add3A_1048, %exp3A_1046 : vector<1x128xf32>
    %div3A_1050 = arith.constant 1.000000e+00 : f32
    %div3A_1051 = vector.broadcast %div3A_1050 : f32 to vector<1x128xf32>
    %div3A_1052 = arith.divf %div3A_1051, %add3A_1049 : vector<1x128xf32>
    %add3A_1053 = arith.constant 1.000000e+00 : f32
    %add3A_1054 = vector.broadcast %add3A_1053 : f32 to vector<1x128xf32>
    %add3A_1055 = arith.addf %add3A_1054, %div3A_1052 : vector<1x128xf32>
    %eq3A_1056 = arith.constant 0.000000e+00 : f32
    %eq3A_1057 = vector.broadcast %eq3A_1056 : f32 to vector<1x128xf32>
    %eq3A_1058 = arith.cmpf oeq, %sub3A_1023, %eq3A_1057 : vector<1x128xf32>
    %sub3A_1059 = arith.subf %reduce_sum3A_37, %sub3A_1030 : f32
    %add3A_1060 = vector.broadcast %reduce_sum3A_37 : f32 to vector<1x128xf32>
    %add3A_1061 = arith.addf %add3A_1060, %sub3A_1023 : vector<1x128xf32>
    %sub3A_1062 = vector.broadcast %sub3A_1030 : f32 to vector<1x128xf32>
    %sub3A_1063 = arith.subf %add3A_1061, %sub3A_1062 : vector<1x128xf32>
    %div3A_1064 = vector.broadcast %sub3A_1059 : f32 to vector<1x128xf32>
    %div3A_1065 = arith.divf %div3A_1064, %sub3A_1063 : vector<1x128xf32>
    %sub3A_1066 = arith.constant 1.000000e+00 : f32
    %sub3A_1067 = vector.broadcast %sub3A_1066 : f32 to vector<1x128xf32>
    %sub3A_1068 = arith.subf %sub3A_1067, %div3A_1065 : vector<1x128xf32>
    %jit3A_1069 = arith.constant 0.000000e+00 : f32
    %broadcast_in_dim3A_1070 = vector.broadcast %jit3A_1069 : f32 to vector<1x128xf32>
    %select_n3A_1071 = arith.select %eq3A_1058, %broadcast_in_dim3A_1070, %sub3A_1068 : vector<1x128xi1>, vector<1x128xf32>
    %eq3A_1072 = arith.constant 0.000000e+00 : f32
    %eq3A_1073 = vector.broadcast %eq3A_1072 : f32 to vector<1x128xf32>
    %eq3A_1074 = arith.cmpf oeq, %add3A_1024, %eq3A_1073 : vector<1x128xf32>
    %sub3A_1075 = arith.subf %reduce_sum3A_37, %sub3A_1030 : f32
    %add3A_1076 = vector.broadcast %reduce_sum3A_37 : f32 to vector<1x128xf32>
    %add3A_1077 = arith.addf %add3A_1076, %add3A_1024 : vector<1x128xf32>
    %sub3A_1078 = vector.broadcast %sub3A_1030 : f32 to vector<1x128xf32>
    %sub3A_1079 = arith.subf %add3A_1077, %sub3A_1078 : vector<1x128xf32>
    %div3A_1080 = vector.broadcast %sub3A_1075 : f32 to vector<1x128xf32>
    %div3A_1081 = arith.divf %div3A_1080, %sub3A_1079 : vector<1x128xf32>
    %sub3A_1082 = arith.constant 1.000000e+00 : f32
    %sub3A_1083 = vector.broadcast %sub3A_1082 : f32 to vector<1x128xf32>
    %sub3A_1084 = arith.subf %sub3A_1083, %div3A_1081 : vector<1x128xf32>
    %jit3A_1085 = arith.constant 0.000000e+00 : f32
    %broadcast_in_dim3A_1086 = vector.broadcast %jit3A_1085 : f32 to vector<1x128xf32>
    %select_n3A_1087 = arith.select %eq3A_1074, %broadcast_in_dim3A_1086, %sub3A_1084 : vector<1x128xi1>, vector<1x128xf32>
    %sub3A_1088 = arith.subf %select_n3A_1087, %select_n3A_1071 : vector<1x128xf32>
    %mul3A_1089 = arith.mulf %add3A_1055, %sub3A_1088 : vector<1x128xf32>
    %reduce_sum3A_1090 = vector.shape_cast %mul3A_1089 : vector<1x128xf32> to vector<1x1x128xf32>
    %reduce_sum3A_1091 = arith.constant dense<0.000000e+00> : vector<1xf32>
    %reduce_sum3A_1092 = vector.multi_reduction <add>, %reduce_sum3A_1090, %reduce_sum3A_1091 [1, 2] : vector<1x1x128xf32> to vector<1xf32>
    %reduce_sum3A_1093 = vector.shape_cast %reduce_sum3A_1092 : vector<1xf32> to vector<1x1x1xf32>
    %reduce_sum3A_1094 = vector.extract %reduce_sum3A_1093[0, 0, 0] : f32 from vector<1x1x1xf32>
    %add3A_1095 = arith.addf %add3A_1009, %reduce_sum3A_1094 : f32
    %reduce_sum3A_1096 = vector.shape_cast %slice3A_1016 : vector<1x128xf32> to vector<1x1x128xf32>
    %reduce_sum3A_1097 = arith.constant dense<0.000000e+00> : vector<1xf32>
    %reduce_sum3A_1098 = vector.multi_reduction <add>, %reduce_sum3A_1096, %reduce_sum3A_1097 [1, 2] : vector<1x1x128xf32> to vector<1xf32>
    %reduce_sum3A_1099 = vector.shape_cast %reduce_sum3A_1098 : vector<1xf32> to vector<1x1x1xf32>
    %reduce_sum3A_1100 = vector.extract %reduce_sum3A_1099[0, 0, 0] : f32 from vector<1x1x1xf32>
    %add3A_1101 = arith.addf %add3A_1015, %reduce_sum3A_1100 : f32
    %slice3A_1102 = vector.extract_strided_slice %convert_element_type3A {offsets = [0, 1536], sizes = [1, 128], strides = [1, 1]} : vector<1x2048xf32> to vector<1x128xf32>
    %dot_general3A_1103 = arith.constant dense<0.000000e+00> : vector<1x128xf32>
    %dot_general3A_1104 = tpu.matmul %slice3A_1102, %convert_element_type3A_40, %dot_general3A_1103 {dimension_numbers = #tpu.dot_dimension_numbers<[1], [0], [0], [1], [0, 0, 1, 1], [], []>, precision = #tpu.contract_precision<fp32>, transpose_lhs_hint = false} : vector<1x128xf32>, vector<128x128xf32>, vector<1x128xf32> -> vector<1x128xf32>
    %add3A_1105 = vector.broadcast %add3A_1101 : f32 to vector<1x128xf32>
    %add3A_1106 = arith.addf %add3A_1105, %dot_general3A_1104 : vector<1x128xf32>
    %sub3A_1107 = arith.constant 0x4A800000 : f32
    %sub3A_1108 = vector.broadcast %sub3A_1107 : f32 to vector<1x128xf32>
    %sub3A_1109 = arith.subf %sub3A_1108, %add3A_1106 : vector<1x128xf32>
    %add3A_1110 = arith.addf %sub3A_1109, %slice3A_1102 : vector<1x128xf32>
    %iota3A_1111 = tpu.iota {dimensions = array<i32: 1>} : vector<1x128xi32>
    %convert_element_type3A_1112 = arith.sitofp %iota3A_1111 : vector<1x128xi32> to vector<1x128xf32>
    %add3A_1113 = arith.constant 1.536000e+03 : f32
    %add3A_1114 = vector.broadcast %add3A_1113 : f32 to vector<1x128xf32>
    %add3A_1115 = arith.addf %convert_element_type3A_1112, %add3A_1114 : vector<1x128xf32>
    %sub3A_1116 = arith.subf %reduce_sum3A_37, %add3A_714 : f32
    %sub3A_1117 = arith.constant 1.024000e+03 : f32
    %sub3A_1118 = vector.broadcast %sub3A_1117 : f32 to vector<1x128xf32>
    %sub3A_1119 = arith.subf %add3A_1115, %sub3A_1118 : vector<1x128xf32>
    %add3A_1120 = arith.constant 5.000000e-01 : f32
    %add3A_1121 = vector.broadcast %add3A_1120 : f32 to vector<1x128xf32>
    %add3A_1122 = arith.addf %sub3A_1119, %add3A_1121 : vector<1x128xf32>
    %mul3A_1123 = arith.constant 0.01171875 : f32
    %mul3A_1124 = vector.broadcast %mul3A_1123 : f32 to vector<1x128xf32>
    %mul3A_1125 = arith.mulf %add3A_1122, %mul3A_1124 : vector<1x128xf32>
    %add3A_1126 = arith.constant -6.000000e+00 : f32
    %add3A_1127 = vector.broadcast %add3A_1126 : f32 to vector<1x128xf32>
    %add3A_1128 = arith.addf %add3A_1127, %mul3A_1125 : vector<1x128xf32>
    %neg3A_1129 = arith.constant 0.000000e+00 : f32
    %neg3A_1130 = vector.broadcast %neg3A_1129 : f32 to vector<1x128xf32>
    %neg3A_1131 = arith.subf %neg3A_1130, %add3A_1128 : vector<1x128xf32>
    %exp3A_1132 = math.exp %neg3A_1131 : vector<1x128xf32>
    %add3A_1133 = arith.constant 1.000000e+00 : f32
    %add3A_1134 = vector.broadcast %add3A_1133 : f32 to vector<1x128xf32>
    %add3A_1135 = arith.addf %add3A_1134, %exp3A_1132 : vector<1x128xf32>
    %div3A_1136 = arith.constant 1.000000e+00 : f32
    %div3A_1137 = vector.broadcast %div3A_1136 : f32 to vector<1x128xf32>
    %div3A_1138 = arith.divf %div3A_1137, %add3A_1135 : vector<1x128xf32>
    %add3A_1139 = arith.constant 1.000000e+00 : f32
    %add3A_1140 = vector.broadcast %add3A_1139 : f32 to vector<1x128xf32>
    %add3A_1141 = arith.addf %add3A_1140, %div3A_1138 : vector<1x128xf32>
    %eq3A_1142 = arith.constant 0.000000e+00 : f32
    %eq3A_1143 = vector.broadcast %eq3A_1142 : f32 to vector<1x128xf32>
    %eq3A_1144 = arith.cmpf oeq, %sub3A_1109, %eq3A_1143 : vector<1x128xf32>
    %sub3A_1145 = arith.subf %reduce_sum3A_37, %sub3A_1116 : f32
    %add3A_1146 = vector.broadcast %reduce_sum3A_37 : f32 to vector<1x128xf32>
    %add3A_1147 = arith.addf %add3A_1146, %sub3A_1109 : vector<1x128xf32>
    %sub3A_1148 = vector.broadcast %sub3A_1116 : f32 to vector<1x128xf32>
    %sub3A_1149 = arith.subf %add3A_1147, %sub3A_1148 : vector<1x128xf32>
    %div3A_1150 = vector.broadcast %sub3A_1145 : f32 to vector<1x128xf32>
    %div3A_1151 = arith.divf %div3A_1150, %sub3A_1149 : vector<1x128xf32>
    %sub3A_1152 = arith.constant 1.000000e+00 : f32
    %sub3A_1153 = vector.broadcast %sub3A_1152 : f32 to vector<1x128xf32>
    %sub3A_1154 = arith.subf %sub3A_1153, %div3A_1151 : vector<1x128xf32>
    %jit3A_1155 = arith.constant 0.000000e+00 : f32
    %broadcast_in_dim3A_1156 = vector.broadcast %jit3A_1155 : f32 to vector<1x128xf32>
    %select_n3A_1157 = arith.select %eq3A_1144, %broadcast_in_dim3A_1156, %sub3A_1154 : vector<1x128xi1>, vector<1x128xf32>
    %eq3A_1158 = arith.constant 0.000000e+00 : f32
    %eq3A_1159 = vector.broadcast %eq3A_1158 : f32 to vector<1x128xf32>
    %eq3A_1160 = arith.cmpf oeq, %add3A_1110, %eq3A_1159 : vector<1x128xf32>
    %sub3A_1161 = arith.subf %reduce_sum3A_37, %sub3A_1116 : f32
    %add3A_1162 = vector.broadcast %reduce_sum3A_37 : f32 to vector<1x128xf32>
    %add3A_1163 = arith.addf %add3A_1162, %add3A_1110 : vector<1x128xf32>
    %sub3A_1164 = vector.broadcast %sub3A_1116 : f32 to vector<1x128xf32>
    %sub3A_1165 = arith.subf %add3A_1163, %sub3A_1164 : vector<1x128xf32>
    %div3A_1166 = vector.broadcast %sub3A_1161 : f32 to vector<1x128xf32>
    %div3A_1167 = arith.divf %div3A_1166, %sub3A_1165 : vector<1x128xf32>
    %sub3A_1168 = arith.constant 1.000000e+00 : f32
    %sub3A_1169 = vector.broadcast %sub3A_1168 : f32 to vector<1x128xf32>
    %sub3A_1170 = arith.subf %sub3A_1169, %div3A_1167 : vector<1x128xf32>
    %jit3A_1171 = arith.constant 0.000000e+00 : f32
    %broadcast_in_dim3A_1172 = vector.broadcast %jit3A_1171 : f32 to vector<1x128xf32>
    %select_n3A_1173 = arith.select %eq3A_1160, %broadcast_in_dim3A_1172, %sub3A_1170 : vector<1x128xi1>, vector<1x128xf32>
    %sub3A_1174 = arith.subf %select_n3A_1173, %select_n3A_1157 : vector<1x128xf32>
    %mul3A_1175 = arith.mulf %add3A_1141, %sub3A_1174 : vector<1x128xf32>
    %reduce_sum3A_1176 = vector.shape_cast %mul3A_1175 : vector<1x128xf32> to vector<1x1x128xf32>
    %reduce_sum3A_1177 = arith.constant dense<0.000000e+00> : vector<1xf32>
    %reduce_sum3A_1178 = vector.multi_reduction <add>, %reduce_sum3A_1176, %reduce_sum3A_1177 [1, 2] : vector<1x1x128xf32> to vector<1xf32>
    %reduce_sum3A_1179 = vector.shape_cast %reduce_sum3A_1178 : vector<1xf32> to vector<1x1x1xf32>
    %reduce_sum3A_1180 = vector.extract %reduce_sum3A_1179[0, 0, 0] : f32 from vector<1x1x1xf32>
    %add3A_1181 = arith.addf %add3A_1095, %reduce_sum3A_1180 : f32
    %reduce_sum3A_1182 = vector.shape_cast %slice3A_1102 : vector<1x128xf32> to vector<1x1x128xf32>
    %reduce_sum3A_1183 = arith.constant dense<0.000000e+00> : vector<1xf32>
    %reduce_sum3A_1184 = vector.multi_reduction <add>, %reduce_sum3A_1182, %reduce_sum3A_1183 [1, 2] : vector<1x1x128xf32> to vector<1xf32>
    %reduce_sum3A_1185 = vector.shape_cast %reduce_sum3A_1184 : vector<1xf32> to vector<1x1x1xf32>
    %reduce_sum3A_1186 = vector.extract %reduce_sum3A_1185[0, 0, 0] : f32 from vector<1x1x1xf32>
    %add3A_1187 = arith.addf %add3A_1101, %reduce_sum3A_1186 : f32
    %slice3A_1188 = vector.extract_strided_slice %convert_element_type3A {offsets = [0, 1664], sizes = [1, 128], strides = [1, 1]} : vector<1x2048xf32> to vector<1x128xf32>
    %dot_general3A_1189 = arith.constant dense<0.000000e+00> : vector<1x128xf32>
    %dot_general3A_1190 = tpu.matmul %slice3A_1188, %convert_element_type3A_40, %dot_general3A_1189 {dimension_numbers = #tpu.dot_dimension_numbers<[1], [0], [0], [1], [0, 0, 1, 1], [], []>, precision = #tpu.contract_precision<fp32>, transpose_lhs_hint = false} : vector<1x128xf32>, vector<128x128xf32>, vector<1x128xf32> -> vector<1x128xf32>
    %add3A_1191 = vector.broadcast %add3A_1187 : f32 to vector<1x128xf32>
    %add3A_1192 = arith.addf %add3A_1191, %dot_general3A_1190 : vector<1x128xf32>
    %sub3A_1193 = arith.constant 0x4A800000 : f32
    %sub3A_1194 = vector.broadcast %sub3A_1193 : f32 to vector<1x128xf32>
    %sub3A_1195 = arith.subf %sub3A_1194, %add3A_1192 : vector<1x128xf32>
    %add3A_1196 = arith.addf %sub3A_1195, %slice3A_1188 : vector<1x128xf32>
    %iota3A_1197 = tpu.iota {dimensions = array<i32: 1>} : vector<1x128xi32>
    %convert_element_type3A_1198 = arith.sitofp %iota3A_1197 : vector<1x128xi32> to vector<1x128xf32>
    %add3A_1199 = arith.constant 1.664000e+03 : f32
    %add3A_1200 = vector.broadcast %add3A_1199 : f32 to vector<1x128xf32>
    %add3A_1201 = arith.addf %convert_element_type3A_1198, %add3A_1200 : vector<1x128xf32>
    %sub3A_1202 = arith.subf %reduce_sum3A_37, %add3A_714 : f32
    %sub3A_1203 = arith.constant 1.024000e+03 : f32
    %sub3A_1204 = vector.broadcast %sub3A_1203 : f32 to vector<1x128xf32>
    %sub3A_1205 = arith.subf %add3A_1201, %sub3A_1204 : vector<1x128xf32>
    %add3A_1206 = arith.constant 5.000000e-01 : f32
    %add3A_1207 = vector.broadcast %add3A_1206 : f32 to vector<1x128xf32>
    %add3A_1208 = arith.addf %sub3A_1205, %add3A_1207 : vector<1x128xf32>
    %mul3A_1209 = arith.constant 0.01171875 : f32
    %mul3A_1210 = vector.broadcast %mul3A_1209 : f32 to vector<1x128xf32>
    %mul3A_1211 = arith.mulf %add3A_1208, %mul3A_1210 : vector<1x128xf32>
    %add3A_1212 = arith.constant -6.000000e+00 : f32
    %add3A_1213 = vector.broadcast %add3A_1212 : f32 to vector<1x128xf32>
    %add3A_1214 = arith.addf %add3A_1213, %mul3A_1211 : vector<1x128xf32>
    %neg3A_1215 = arith.constant 0.000000e+00 : f32
    %neg3A_1216 = vector.broadcast %neg3A_1215 : f32 to vector<1x128xf32>
    %neg3A_1217 = arith.subf %neg3A_1216, %add3A_1214 : vector<1x128xf32>
    %exp3A_1218 = math.exp %neg3A_1217 : vector<1x128xf32>
    %add3A_1219 = arith.constant 1.000000e+00 : f32
    %add3A_1220 = vector.broadcast %add3A_1219 : f32 to vector<1x128xf32>
    %add3A_1221 = arith.addf %add3A_1220, %exp3A_1218 : vector<1x128xf32>
    %div3A_1222 = arith.constant 1.000000e+00 : f32
    %div3A_1223 = vector.broadcast %div3A_1222 : f32 to vector<1x128xf32>
    %div3A_1224 = arith.divf %div3A_1223, %add3A_1221 : vector<1x128xf32>
    %add3A_1225 = arith.constant 1.000000e+00 : f32
    %add3A_1226 = vector.broadcast %add3A_1225 : f32 to vector<1x128xf32>
    %add3A_1227 = arith.addf %add3A_1226, %div3A_1224 : vector<1x128xf32>
    %eq3A_1228 = arith.constant 0.000000e+00 : f32
    %eq3A_1229 = vector.broadcast %eq3A_1228 : f32 to vector<1x128xf32>
    %eq3A_1230 = arith.cmpf oeq, %sub3A_1195, %eq3A_1229 : vector<1x128xf32>
    %sub3A_1231 = arith.subf %reduce_sum3A_37, %sub3A_1202 : f32
    %add3A_1232 = vector.broadcast %reduce_sum3A_37 : f32 to vector<1x128xf32>
    %add3A_1233 = arith.addf %add3A_1232, %sub3A_1195 : vector<1x128xf32>
    %sub3A_1234 = vector.broadcast %sub3A_1202 : f32 to vector<1x128xf32>
    %sub3A_1235 = arith.subf %add3A_1233, %sub3A_1234 : vector<1x128xf32>
    %div3A_1236 = vector.broadcast %sub3A_1231 : f32 to vector<1x128xf32>
    %div3A_1237 = arith.divf %div3A_1236, %sub3A_1235 : vector<1x128xf32>
    %sub3A_1238 = arith.constant 1.000000e+00 : f32
    %sub3A_1239 = vector.broadcast %sub3A_1238 : f32 to vector<1x128xf32>
    %sub3A_1240 = arith.subf %sub3A_1239, %div3A_1237 : vector<1x128xf32>
    %jit3A_1241 = arith.constant 0.000000e+00 : f32
    %broadcast_in_dim3A_1242 = vector.broadcast %jit3A_1241 : f32 to vector<1x128xf32>
    %select_n3A_1243 = arith.select %eq3A_1230, %broadcast_in_dim3A_1242, %sub3A_1240 : vector<1x128xi1>, vector<1x128xf32>
    %eq3A_1244 = arith.constant 0.000000e+00 : f32
    %eq3A_1245 = vector.broadcast %eq3A_1244 : f32 to vector<1x128xf32>
    %eq3A_1246 = arith.cmpf oeq, %add3A_1196, %eq3A_1245 : vector<1x128xf32>
    %sub3A_1247 = arith.subf %reduce_sum3A_37, %sub3A_1202 : f32
    %add3A_1248 = vector.broadcast %reduce_sum3A_37 : f32 to vector<1x128xf32>
    %add3A_1249 = arith.addf %add3A_1248, %add3A_1196 : vector<1x128xf32>
    %sub3A_1250 = vector.broadcast %sub3A_1202 : f32 to vector<1x128xf32>
    %sub3A_1251 = arith.subf %add3A_1249, %sub3A_1250 : vector<1x128xf32>
    %div3A_1252 = vector.broadcast %sub3A_1247 : f32 to vector<1x128xf32>
    %div3A_1253 = arith.divf %div3A_1252, %sub3A_1251 : vector<1x128xf32>
    %sub3A_1254 = arith.constant 1.000000e+00 : f32
    %sub3A_1255 = vector.broadcast %sub3A_1254 : f32 to vector<1x128xf32>
    %sub3A_1256 = arith.subf %sub3A_1255, %div3A_1253 : vector<1x128xf32>
    %jit3A_1257 = arith.constant 0.000000e+00 : f32
    %broadcast_in_dim3A_1258 = vector.broadcast %jit3A_1257 : f32 to vector<1x128xf32>
    %select_n3A_1259 = arith.select %eq3A_1246, %broadcast_in_dim3A_1258, %sub3A_1256 : vector<1x128xi1>, vector<1x128xf32>
    %sub3A_1260 = arith.subf %select_n3A_1259, %select_n3A_1243 : vector<1x128xf32>
    %mul3A_1261 = arith.mulf %add3A_1227, %sub3A_1260 : vector<1x128xf32>
    %reduce_sum3A_1262 = vector.shape_cast %mul3A_1261 : vector<1x128xf32> to vector<1x1x128xf32>
    %reduce_sum3A_1263 = arith.constant dense<0.000000e+00> : vector<1xf32>
    %reduce_sum3A_1264 = vector.multi_reduction <add>, %reduce_sum3A_1262, %reduce_sum3A_1263 [1, 2] : vector<1x1x128xf32> to vector<1xf32>
    %reduce_sum3A_1265 = vector.shape_cast %reduce_sum3A_1264 : vector<1xf32> to vector<1x1x1xf32>
    %reduce_sum3A_1266 = vector.extract %reduce_sum3A_1265[0, 0, 0] : f32 from vector<1x1x1xf32>
    %add3A_1267 = arith.addf %add3A_1181, %reduce_sum3A_1266 : f32
    %reduce_sum3A_1268 = vector.shape_cast %slice3A_1188 : vector<1x128xf32> to vector<1x1x128xf32>
    %reduce_sum3A_1269 = arith.constant dense<0.000000e+00> : vector<1xf32>
    %reduce_sum3A_1270 = vector.multi_reduction <add>, %reduce_sum3A_1268, %reduce_sum3A_1269 [1, 2] : vector<1x1x128xf32> to vector<1xf32>
    %reduce_sum3A_1271 = vector.shape_cast %reduce_sum3A_1270 : vector<1xf32> to vector<1x1x1xf32>
    %reduce_sum3A_1272 = vector.extract %reduce_sum3A_1271[0, 0, 0] : f32 from vector<1x1x1xf32>
    %add3A_1273 = arith.addf %add3A_1187, %reduce_sum3A_1272 : f32
    %slice3A_1274 = vector.extract_strided_slice %convert_element_type3A {offsets = [0, 1792], sizes = [1, 128], strides = [1, 1]} : vector<1x2048xf32> to vector<1x128xf32>
    %dot_general3A_1275 = arith.constant dense<0.000000e+00> : vector<1x128xf32>
    %dot_general3A_1276 = tpu.matmul %slice3A_1274, %convert_element_type3A_40, %dot_general3A_1275 {dimension_numbers = #tpu.dot_dimension_numbers<[1], [0], [0], [1], [0, 0, 1, 1], [], []>, precision = #tpu.contract_precision<fp32>, transpose_lhs_hint = false} : vector<1x128xf32>, vector<128x128xf32>, vector<1x128xf32> -> vector<1x128xf32>
    %add3A_1277 = vector.broadcast %add3A_1273 : f32 to vector<1x128xf32>
    %add3A_1278 = arith.addf %add3A_1277, %dot_general3A_1276 : vector<1x128xf32>
    %sub3A_1279 = arith.constant 0x4A800000 : f32
    %sub3A_1280 = vector.broadcast %sub3A_1279 : f32 to vector<1x128xf32>
    %sub3A_1281 = arith.subf %sub3A_1280, %add3A_1278 : vector<1x128xf32>
    %add3A_1282 = arith.addf %sub3A_1281, %slice3A_1274 : vector<1x128xf32>
    %iota3A_1283 = tpu.iota {dimensions = array<i32: 1>} : vector<1x128xi32>
    %convert_element_type3A_1284 = arith.sitofp %iota3A_1283 : vector<1x128xi32> to vector<1x128xf32>
    %add3A_1285 = arith.constant 1.792000e+03 : f32
    %add3A_1286 = vector.broadcast %add3A_1285 : f32 to vector<1x128xf32>
    %add3A_1287 = arith.addf %convert_element_type3A_1284, %add3A_1286 : vector<1x128xf32>
    %sub3A_1288 = arith.subf %reduce_sum3A_37, %add3A_714 : f32
    %sub3A_1289 = arith.constant 1.024000e+03 : f32
    %sub3A_1290 = vector.broadcast %sub3A_1289 : f32 to vector<1x128xf32>
    %sub3A_1291 = arith.subf %add3A_1287, %sub3A_1290 : vector<1x128xf32>
    %add3A_1292 = arith.constant 5.000000e-01 : f32
    %add3A_1293 = vector.broadcast %add3A_1292 : f32 to vector<1x128xf32>
    %add3A_1294 = arith.addf %sub3A_1291, %add3A_1293 : vector<1x128xf32>
    %mul3A_1295 = arith.constant 0.01171875 : f32
    %mul3A_1296 = vector.broadcast %mul3A_1295 : f32 to vector<1x128xf32>
    %mul3A_1297 = arith.mulf %add3A_1294, %mul3A_1296 : vector<1x128xf32>
    %add3A_1298 = arith.constant -6.000000e+00 : f32
    %add3A_1299 = vector.broadcast %add3A_1298 : f32 to vector<1x128xf32>
    %add3A_1300 = arith.addf %add3A_1299, %mul3A_1297 : vector<1x128xf32>
    %neg3A_1301 = arith.constant 0.000000e+00 : f32
    %neg3A_1302 = vector.broadcast %neg3A_1301 : f32 to vector<1x128xf32>
    %neg3A_1303 = arith.subf %neg3A_1302, %add3A_1300 : vector<1x128xf32>
    %exp3A_1304 = math.exp %neg3A_1303 : vector<1x128xf32>
    %add3A_1305 = arith.constant 1.000000e+00 : f32
    %add3A_1306 = vector.broadcast %add3A_1305 : f32 to vector<1x128xf32>
    %add3A_1307 = arith.addf %add3A_1306, %exp3A_1304 : vector<1x128xf32>
    %div3A_1308 = arith.constant 1.000000e+00 : f32
    %div3A_1309 = vector.broadcast %div3A_1308 : f32 to vector<1x128xf32>
    %div3A_1310 = arith.divf %div3A_1309, %add3A_1307 : vector<1x128xf32>
    %add3A_1311 = arith.constant 1.000000e+00 : f32
    %add3A_1312 = vector.broadcast %add3A_1311 : f32 to vector<1x128xf32>
    %add3A_1313 = arith.addf %add3A_1312, %div3A_1310 : vector<1x128xf32>
    %eq3A_1314 = arith.constant 0.000000e+00 : f32
    %eq3A_1315 = vector.broadcast %eq3A_1314 : f32 to vector<1x128xf32>
    %eq3A_1316 = arith.cmpf oeq, %sub3A_1281, %eq3A_1315 : vector<1x128xf32>
    %sub3A_1317 = arith.subf %reduce_sum3A_37, %sub3A_1288 : f32
    %add3A_1318 = vector.broadcast %reduce_sum3A_37 : f32 to vector<1x128xf32>
    %add3A_1319 = arith.addf %add3A_1318, %sub3A_1281 : vector<1x128xf32>
    %sub3A_1320 = vector.broadcast %sub3A_1288 : f32 to vector<1x128xf32>
    %sub3A_1321 = arith.subf %add3A_1319, %sub3A_1320 : vector<1x128xf32>
    %div3A_1322 = vector.broadcast %sub3A_1317 : f32 to vector<1x128xf32>
    %div3A_1323 = arith.divf %div3A_1322, %sub3A_1321 : vector<1x128xf32>
    %sub3A_1324 = arith.constant 1.000000e+00 : f32
    %sub3A_1325 = vector.broadcast %sub3A_1324 : f32 to vector<1x128xf32>
    %sub3A_1326 = arith.subf %sub3A_1325, %div3A_1323 : vector<1x128xf32>
    %jit3A_1327 = arith.constant 0.000000e+00 : f32
    %broadcast_in_dim3A_1328 = vector.broadcast %jit3A_1327 : f32 to vector<1x128xf32>
    %select_n3A_1329 = arith.select %eq3A_1316, %broadcast_in_dim3A_1328, %sub3A_1326 : vector<1x128xi1>, vector<1x128xf32>
    %eq3A_1330 = arith.constant 0.000000e+00 : f32
    %eq3A_1331 = vector.broadcast %eq3A_1330 : f32 to vector<1x128xf32>
    %eq3A_1332 = arith.cmpf oeq, %add3A_1282, %eq3A_1331 : vector<1x128xf32>
    %sub3A_1333 = arith.subf %reduce_sum3A_37, %sub3A_1288 : f32
    %add3A_1334 = vector.broadcast %reduce_sum3A_37 : f32 to vector<1x128xf32>
    %add3A_1335 = arith.addf %add3A_1334, %add3A_1282 : vector<1x128xf32>
    %sub3A_1336 = vector.broadcast %sub3A_1288 : f32 to vector<1x128xf32>
    %sub3A_1337 = arith.subf %add3A_1335, %sub3A_1336 : vector<1x128xf32>
    %div3A_1338 = vector.broadcast %sub3A_1333 : f32 to vector<1x128xf32>
    %div3A_1339 = arith.divf %div3A_1338, %sub3A_1337 : vector<1x128xf32>
    %sub3A_1340 = arith.constant 1.000000e+00 : f32
    %sub3A_1341 = vector.broadcast %sub3A_1340 : f32 to vector<1x128xf32>
    %sub3A_1342 = arith.subf %sub3A_1341, %div3A_1339 : vector<1x128xf32>
    %jit3A_1343 = arith.constant 0.000000e+00 : f32
    %broadcast_in_dim3A_1344 = vector.broadcast %jit3A_1343 : f32 to vector<1x128xf32>
    %select_n3A_1345 = arith.select %eq3A_1332, %broadcast_in_dim3A_1344, %sub3A_1342 : vector<1x128xi1>, vector<1x128xf32>
    %sub3A_1346 = arith.subf %select_n3A_1345, %select_n3A_1329 : vector<1x128xf32>
    %mul3A_1347 = arith.mulf %add3A_1313, %sub3A_1346 : vector<1x128xf32>
    %reduce_sum3A_1348 = vector.shape_cast %mul3A_1347 : vector<1x128xf32> to vector<1x1x128xf32>
    %reduce_sum3A_1349 = arith.constant dense<0.000000e+00> : vector<1xf32>
    %reduce_sum3A_1350 = vector.multi_reduction <add>, %reduce_sum3A_1348, %reduce_sum3A_1349 [1, 2] : vector<1x1x128xf32> to vector<1xf32>
    %reduce_sum3A_1351 = vector.shape_cast %reduce_sum3A_1350 : vector<1xf32> to vector<1x1x1xf32>
    %reduce_sum3A_1352 = vector.extract %reduce_sum3A_1351[0, 0, 0] : f32 from vector<1x1x1xf32>
    %add3A_1353 = arith.addf %add3A_1267, %reduce_sum3A_1352 : f32
    %reduce_sum3A_1354 = vector.shape_cast %slice3A_1274 : vector<1x128xf32> to vector<1x1x128xf32>
    %reduce_sum3A_1355 = arith.constant dense<0.000000e+00> : vector<1xf32>
    %reduce_sum3A_1356 = vector.multi_reduction <add>, %reduce_sum3A_1354, %reduce_sum3A_1355 [1, 2] : vector<1x1x128xf32> to vector<1xf32>
    %reduce_sum3A_1357 = vector.shape_cast %reduce_sum3A_1356 : vector<1xf32> to vector<1x1x1xf32>
    %reduce_sum3A_1358 = vector.extract %reduce_sum3A_1357[0, 0, 0] : f32 from vector<1x1x1xf32>
    %add3A_1359 = arith.addf %add3A_1273, %reduce_sum3A_1358 : f32
    %slice3A_1360 = vector.extract_strided_slice %convert_element_type3A {offsets = [0, 1920], sizes = [1, 128], strides = [1, 1]} : vector<1x2048xf32> to vector<1x128xf32>
    %dot_general3A_1361 = arith.constant dense<0.000000e+00> : vector<1x128xf32>
    %dot_general3A_1362 = tpu.matmul %slice3A_1360, %convert_element_type3A_40, %dot_general3A_1361 {dimension_numbers = #tpu.dot_dimension_numbers<[1], [0], [0], [1], [0, 0, 1, 1], [], []>, precision = #tpu.contract_precision<fp32>, transpose_lhs_hint = false} : vector<1x128xf32>, vector<128x128xf32>, vector<1x128xf32> -> vector<1x128xf32>
    %add3A_1363 = vector.broadcast %add3A_1359 : f32 to vector<1x128xf32>
    %add3A_1364 = arith.addf %add3A_1363, %dot_general3A_1362 : vector<1x128xf32>
    %sub3A_1365 = arith.constant 0x4A800000 : f32
    %sub3A_1366 = vector.broadcast %sub3A_1365 : f32 to vector<1x128xf32>
    %sub3A_1367 = arith.subf %sub3A_1366, %add3A_1364 : vector<1x128xf32>
    %add3A_1368 = arith.addf %sub3A_1367, %slice3A_1360 : vector<1x128xf32>
    %iota3A_1369 = tpu.iota {dimensions = array<i32: 1>} : vector<1x128xi32>
    %convert_element_type3A_1370 = arith.sitofp %iota3A_1369 : vector<1x128xi32> to vector<1x128xf32>
    %add3A_1371 = arith.constant 1.920000e+03 : f32
    %add3A_1372 = vector.broadcast %add3A_1371 : f32 to vector<1x128xf32>
    %add3A_1373 = arith.addf %convert_element_type3A_1370, %add3A_1372 : vector<1x128xf32>
    %sub3A_1374 = arith.subf %reduce_sum3A_37, %add3A_714 : f32
    %sub3A_1375 = arith.constant 1.024000e+03 : f32
    %sub3A_1376 = vector.broadcast %sub3A_1375 : f32 to vector<1x128xf32>
    %sub3A_1377 = arith.subf %add3A_1373, %sub3A_1376 : vector<1x128xf32>
    %add3A_1378 = arith.constant 5.000000e-01 : f32
    %add3A_1379 = vector.broadcast %add3A_1378 : f32 to vector<1x128xf32>
    %add3A_1380 = arith.addf %sub3A_1377, %add3A_1379 : vector<1x128xf32>
    %mul3A_1381 = arith.constant 0.01171875 : f32
    %mul3A_1382 = vector.broadcast %mul3A_1381 : f32 to vector<1x128xf32>
    %mul3A_1383 = arith.mulf %add3A_1380, %mul3A_1382 : vector<1x128xf32>
    %add3A_1384 = arith.constant -6.000000e+00 : f32
    %add3A_1385 = vector.broadcast %add3A_1384 : f32 to vector<1x128xf32>
    %add3A_1386 = arith.addf %add3A_1385, %mul3A_1383 : vector<1x128xf32>
    %neg3A_1387 = arith.constant 0.000000e+00 : f32
    %neg3A_1388 = vector.broadcast %neg3A_1387 : f32 to vector<1x128xf32>
    %neg3A_1389 = arith.subf %neg3A_1388, %add3A_1386 : vector<1x128xf32>
    %exp3A_1390 = math.exp %neg3A_1389 : vector<1x128xf32>
    %add3A_1391 = arith.constant 1.000000e+00 : f32
    %add3A_1392 = vector.broadcast %add3A_1391 : f32 to vector<1x128xf32>
    %add3A_1393 = arith.addf %add3A_1392, %exp3A_1390 : vector<1x128xf32>
    %div3A_1394 = arith.constant 1.000000e+00 : f32
    %div3A_1395 = vector.broadcast %div3A_1394 : f32 to vector<1x128xf32>
    %div3A_1396 = arith.divf %div3A_1395, %add3A_1393 : vector<1x128xf32>
    %add3A_1397 = arith.constant 1.000000e+00 : f32
    %add3A_1398 = vector.broadcast %add3A_1397 : f32 to vector<1x128xf32>
    %add3A_1399 = arith.addf %add3A_1398, %div3A_1396 : vector<1x128xf32>
    %eq3A_1400 = arith.constant 0.000000e+00 : f32
    %eq3A_1401 = vector.broadcast %eq3A_1400 : f32 to vector<1x128xf32>
    %eq3A_1402 = arith.cmpf oeq, %sub3A_1367, %eq3A_1401 : vector<1x128xf32>
    %sub3A_1403 = arith.subf %reduce_sum3A_37, %sub3A_1374 : f32
    %add3A_1404 = vector.broadcast %reduce_sum3A_37 : f32 to vector<1x128xf32>
    %add3A_1405 = arith.addf %add3A_1404, %sub3A_1367 : vector<1x128xf32>
    %sub3A_1406 = vector.broadcast %sub3A_1374 : f32 to vector<1x128xf32>
    %sub3A_1407 = arith.subf %add3A_1405, %sub3A_1406 : vector<1x128xf32>
    %div3A_1408 = vector.broadcast %sub3A_1403 : f32 to vector<1x128xf32>
    %div3A_1409 = arith.divf %div3A_1408, %sub3A_1407 : vector<1x128xf32>
    %sub3A_1410 = arith.constant 1.000000e+00 : f32
    %sub3A_1411 = vector.broadcast %sub3A_1410 : f32 to vector<1x128xf32>
    %sub3A_1412 = arith.subf %sub3A_1411, %div3A_1409 : vector<1x128xf32>
    %jit3A_1413 = arith.constant 0.000000e+00 : f32
    %broadcast_in_dim3A_1414 = vector.broadcast %jit3A_1413 : f32 to vector<1x128xf32>
    %select_n3A_1415 = arith.select %eq3A_1402, %broadcast_in_dim3A_1414, %sub3A_1412 : vector<1x128xi1>, vector<1x128xf32>
    %eq3A_1416 = arith.constant 0.000000e+00 : f32
    %eq3A_1417 = vector.broadcast %eq3A_1416 : f32 to vector<1x128xf32>
    %eq3A_1418 = arith.cmpf oeq, %add3A_1368, %eq3A_1417 : vector<1x128xf32>
    %sub3A_1419 = arith.subf %reduce_sum3A_37, %sub3A_1374 : f32
    %add3A_1420 = vector.broadcast %reduce_sum3A_37 : f32 to vector<1x128xf32>
    %add3A_1421 = arith.addf %add3A_1420, %add3A_1368 : vector<1x128xf32>
    %sub3A_1422 = vector.broadcast %sub3A_1374 : f32 to vector<1x128xf32>
    %sub3A_1423 = arith.subf %add3A_1421, %sub3A_1422 : vector<1x128xf32>
    %div3A_1424 = vector.broadcast %sub3A_1419 : f32 to vector<1x128xf32>
    %div3A_1425 = arith.divf %div3A_1424, %sub3A_1423 : vector<1x128xf32>
    %sub3A_1426 = arith.constant 1.000000e+00 : f32
    %sub3A_1427 = vector.broadcast %sub3A_1426 : f32 to vector<1x128xf32>
    %sub3A_1428 = arith.subf %sub3A_1427, %div3A_1425 : vector<1x128xf32>
    %jit3A_1429 = arith.constant 0.000000e+00 : f32
    %broadcast_in_dim3A_1430 = vector.broadcast %jit3A_1429 : f32 to vector<1x128xf32>
    %select_n3A_1431 = arith.select %eq3A_1418, %broadcast_in_dim3A_1430, %sub3A_1428 : vector<1x128xi1>, vector<1x128xf32>
    %sub3A_1432 = arith.subf %select_n3A_1431, %select_n3A_1415 : vector<1x128xf32>
    %mul3A_1433 = arith.mulf %add3A_1399, %sub3A_1432 : vector<1x128xf32>
    %reduce_sum3A_1434 = vector.shape_cast %mul3A_1433 : vector<1x128xf32> to vector<1x1x128xf32>
    %reduce_sum3A_1435 = arith.constant dense<0.000000e+00> : vector<1xf32>
    %reduce_sum3A_1436 = vector.multi_reduction <add>, %reduce_sum3A_1434, %reduce_sum3A_1435 [1, 2] : vector<1x1x128xf32> to vector<1xf32>
    %reduce_sum3A_1437 = vector.shape_cast %reduce_sum3A_1436 : vector<1xf32> to vector<1x1x1xf32>
    %reduce_sum3A_1438 = vector.extract %reduce_sum3A_1437[0, 0, 0] : f32 from vector<1x1x1xf32>
    %add3A_1439 = arith.addf %add3A_1353, %reduce_sum3A_1438 : f32
    %swap3A = arith.constant 0 : index
    %swap3A_1440 = arith.constant 0 : index
    %swap3A_1441 = memref.load %arg1[%swap3A, %swap3A_1440] : memref<1x1xf32, #tpu.memory_space<smem>>
    memref.store %add3A_1439, %arg1[%swap3A, %swap3A_1440] : memref<1x1xf32, #tpu.memory_space<smem>>
    return
  }
}

module attributes {stable_mosaic.version = 14 : i64} {
  func.func @_bucketize_body(%arg0: i32, %arg1: memref<512x512xf32, #tpu.memory_space<vmem>>, %arg2: memref<512x512xi32, #tpu.memory_space<vmem>>, %arg3: memref<131072xi32, #tpu.memory_space<vmem>>) attributes {dimension_semantics = [#tpu.dimension_semantics<arbitrary>], iteration_bounds = array<i64: 16>, scalar_prefetch = 0 : i64, scratch_operands = 0 : i64, tpu.core_type = #tpu.core_type<tc>, window_params = [{transform_indices = @transform_0, window_bounds = array<i64: 512, 512>}, {transform_indices = @transform_1, window_bounds = array<i64: 512, 512>}, {transform_indices = @transform_2, window_bounds = array<i64: 131072>}]} {
    %get3A = arith.constant 0 : index
    %get3A_0 = arith.constant 0 : index
    %get3A_1 = vector.load %arg1[%get3A, %get3A_0] : memref<512x512xf32, #tpu.memory_space<vmem>>, vector<512x512xf32>
    %get3A_2 = arith.constant 0 : index
    %get3A_3 = arith.constant 0 : index
    %get3A_4 = vector.load %arg2[%get3A_2, %get3A_3] : memref<512x512xi32, #tpu.memory_space<vmem>>, vector<512x512xi32>
    %add3A = arith.constant 6.000000e+00 : f32
    %add3A_5 = vector.broadcast %add3A : f32 to vector<512x512xf32>
    %add3A_6 = arith.addf %get3A_1, %add3A_5 : vector<512x512xf32>
    %mul3A = arith.constant 85.3333359 : f32
    %mul3A_7 = vector.broadcast %mul3A : f32 to vector<512x512xf32>
    %mul3A_8 = arith.mulf %add3A_6, %mul3A_7 : vector<512x512xf32>
    %convert_element_type3A = arith.fptosi %mul3A_8 : vector<512x512xf32> to vector<512x512xi32>
    %jit3A = arith.constant 0 : i32
    %jit3A_9 = arith.constant 1023 : i32
    %max3A = vector.broadcast %jit3A : i32 to vector<512x512xi32>
    %max3A_10 = arith.maxsi %max3A, %convert_element_type3A : vector<512x512xi32>
    %min3A = vector.broadcast %jit3A_9 : i32 to vector<512x512xi32>
    %min3A_11 = arith.minsi %min3A, %max3A_10 : vector<512x512xi32>
    %eq3A = arith.constant 1 : i32
    %eq3A_12 = vector.broadcast %eq3A : i32 to vector<512x512xi32>
    %eq3A_13 = arith.cmpi eq, %get3A_4, %eq3A_12 : vector<512x512xi32>
    %sub3A = arith.constant 1023 : i32
    %sub3A_14 = vector.broadcast %sub3A : i32 to vector<512x512xi32>
    %sub3A_15 = arith.subi %sub3A_14, %min3A_11 : vector<512x512xi32>
    %add3A_16 = arith.constant 1024 : i32
    %add3A_17 = vector.broadcast %add3A_16 : i32 to vector<512x512xi32>
    %add3A_18 = arith.addi %add3A_17, %min3A_11 : vector<512x512xi32>
    %select_n3A = arith.select %eq3A_13, %sub3A_15, %add3A_18 : vector<512x512xi1>, vector<512x512xi32>
    %iota3A = tpu.iota {dimensions = array<i32: 1>} : vector<512x512xi32>
    %and3A = arith.constant 15 : i32
    %and3A_19 = vector.broadcast %and3A : i32 to vector<512x512xi32>
    %and3A_20 = arith.andi %iota3A, %and3A_19 : vector<512x512xi32>
    %mul3A_21 = arith.constant 2048 : i32
    %mul3A_22 = vector.broadcast %mul3A_21 : i32 to vector<512x512xi32>
    %mul3A_23 = arith.muli %and3A_20, %mul3A_22 : vector<512x512xi32>
    %add3A_24 = arith.addi %select_n3A, %mul3A_23 : vector<512x512xi32>
    %slice3A = vector.extract_strided_slice %add3A_24 {offsets = [0, 0], sizes = [256, 512], strides = [1, 1]} : vector<512x512xi32> to vector<256x512xi32>
    %slice3A_25 = vector.extract_strided_slice %add3A_24 {offsets = [256, 0], sizes = [256, 512], strides = [1, 1]} : vector<512x512xi32> to vector<256x512xi32>
    %shift_left3A = arith.constant 16 : i32
    %shift_left3A_26 = vector.broadcast %shift_left3A : i32 to vector<256x512xi32>
    %shift_left3A_27 = arith.shli %slice3A_25, %shift_left3A_26 : vector<256x512xi32>
    %or3A = arith.ori %slice3A, %shift_left3A_27 : vector<256x512xi32>
    %reshape3A = vector.shape_cast %or3A : vector<256x512xi32> to vector<131072xi32>
    %swap3A = arith.constant 0 : index
    %swap3A_28 = vector.load %arg3[%swap3A] : memref<131072xi32, #tpu.memory_space<vmem>>, vector<131072xi32>
    tpu.vector_store %arg3[%swap3A], %reshape3A {strides = array<i32>} : memref<131072xi32, #tpu.memory_space<vmem>>, vector<131072xi32>,
    return
  }
  func.func @transform_0(%arg0: i32) -> (i32, i32) {
    %c0_i32 = arith.constant 0 : i32
    %c0_i32_0 = arith.constant 0 : i32
    return %arg0, %c0_i32 : i32, i32
  }
  func.func @transform_1(%arg0: i32) -> (i32, i32) {
    %c0_i32 = arith.constant 0 : i32
    %c0_i32_0 = arith.constant 0 : i32
    return %arg0, %c0_i32 : i32, i32
  }
  func.func @transform_2(%arg0: i32) -> i32 {
    %c0_i32 = arith.constant 0 : i32
    return %arg0 : i32
  }
}

</mosaic_0001>

<sc_bundles>
// kernel: kernel.5.cloned.1.call-start
scs
__scs_entry_jumppad:
0x0: {  	(pc) =	sbr.rel $0x88, $3  }
0x1: {  	(tag) =	ssettag $0x0;
	lr =	simm.s32 $0x1  }
0x2: {  	[smem:$0x3F9F] =	sst lr;
	_ =	strace $0xD0000000  }
0x3: {  	_ = 	snop  }
0x4: {  	_ = 	snop  }
0x5: {  	_ = 	snop  }
0x6: {  	_ = 	snop  }
0x7: {  	_ = 	snop  }
__scs_overlays_trampoline_lowered:
0x8: {  	[smem:$0x3FAE] =	sst s0  }
0x9: {  	[smem:$0x3FAF] =	sst s1  }
0xa: {  	[smem:$0x3FB0] =	sst s2  }
0xb: {  	[smem:$0x3FB1] =	sst s3  }
0xc: {  	[smem:$0x3FB2] =	sst s4  }
0xd: {  	[smem:$0x3FB3] =	sst s5  }
0xe: {  	[smem:$0x3FB4] =	sst s6  }
0xf: {  	[smem:$0x3FB5] =	sst s7  }
0x10: {  	[smem:$0x3FB6] =	sst s8  }
0x11: {  	[smem:$0x3FB7] =	sst s9;
	s0 =	simm.s32 @!p0 $0x0  }
0x12: {  	s1 =	sld [smem:$0x3F9D];
	s0 =	simm.s32 @p0 $0x1  }
0x13: {  	[smem:$0x3FB8] =	sst s0;
	s0 =	simm.s32 @!p1 $0x0  }
0x14: {  	s2 =	sld [smem:$0x3F9C];
	s0 =	simm.s32 @p1 $0x1  }
0x15: {  	[smem:$0x3FB9] =	sst s0;
	s0 =	simm.s32 @!p2 $0x0  }
0x16: {  	s3 =	sld [smem:$0x3FDB];
	s0 =	simm.s32 @p2 $0x1  }
0x17: {  	s4 =	simm.s32 $0x1BF5;
	[smem:$0x3FBB] =	sst s0  }
0x18: {  	s0 =	sld [smem:$0x3F9E];
	_ =	swait.ge [sflag:s4], $0x0  }
0x19: {  	s7 =	sld [smem:$0x3F9F]  }
0x1a: {  	s8 =	sadd.s32 $0xFFFFE003, lr  }
0x1b: {  	s9 =	sadd.s32 $0xFFFFFEF7, lr;
	s5 =	simm.s32 $0xFFFFFFFF;
	p2 =	slt.u32 s8, $0xFFFFF086  }
0x1c: {  	p1 =	slt.u32 s9, $0xF7A;
	s5 =	simm.s32 @!p2 $0x0  }
0x1d: {  	s5 =	simm.s32 @p1 $0x1;
	p0 =	seq.s32 s7, s2  }
0x1e: {  	s7 =	smul.u32 @!p0 $0xF7A, s2;
	p2 =	seq.s32 @!p0 s5, $0x0  }
0x1f: {  	s9 =	smul.u32 $0xF7A, s1;
	s8 =	simm.s32 @!p0 $0x1BF5;
	p2 =	por !p2, p0  }
0x20: {  	[sflag:s8] =	ssyncset.s32 @!p0 $0xFFFFF086;
	s6 =	sadd.s32 @!p0 s3, s7;
	s7 =	simm.s32 @!p0 $0x108  }
0x21: {  	s3 =	sadd.s32 s3, s9;
	s6 =	sadd.s32 @!p0 $0x88, s6;
	s7 =	simm.s32 @p2 $0x1082  }
0x22: {  	[simem:s7], [sflag:s8] =	dma.local @!p0 [hbm:s6], $0xF7A  }
0x23: {  	s9 =	sor.u32 $0xD0000000, s2;
	s6 =	simm.s32 $0x108;
	_ =	swait.ge @!p0 [sflag:s8], $0x0  }
0x24: {  	s3 =	sadd.s32 $0x88, s3;
	s6 =	simm.s32 @!p1 $0x1082;
	[sflag:s4] =	ssyncset.s32 $0xFFFFF086  }
0x25: {  	[simem:s6], [sflag:s4] =	dma.local [hbm:s3], $0xF7A  }
0x26: {  	[smem:$0x3F9F] =	sst s1;
	(tag) =	ssettag s2;
	_ =	strace s9  }
0x27: {  	s1 =	sld [smem:$0x3FAF]  }
0x28: {  	s2 =	sld [smem:$0x3FB0]  }
0x29: {  	s4 =	sld [smem:$0x3FB2]  }
0x2a: {  	p0 =	seq.s32 s5, $0x0;
	s5 =	sld [smem:$0x3FB3]  }
0x2b: {  	s6 =	sld [smem:$0x3FB4]  }
0x2c: {  	s7 =	sld [smem:$0x3FB5]  }
0x2d: {  	s3 =	simm.s32 $0x108;
	s8 =	sld [smem:$0x3FB6]  }
0x2e: {  	s3 =	simm.s32 @!p0 $0x1082;
	s9 =	sld [smem:$0x3FB7]  }
0x2f: {  	lr =	sadd.s32 s0, s3;
	s0 =	sld [smem:$0x3FAE]  }
0x30: {  	s3 =	sld [smem:$0x3FB1]  }
0x31: {  	[smem:$0x3FBA] =	sst s10  }
0x32: {  	s10 =	sld [smem:$0x3FB8];
	_ =	sdelay $0x3  }
0x33: {  	p0 =	seq.s32 s10, $0x1;
	s10 =	sld [smem:$0x3FBA];
	_ =	sdelay $0x3  }
0x34: {  	[smem:$0x3FBA] =	sst s10  }
0x35: {  	s10 =	sld [smem:$0x3FB9];
	_ =	sdelay $0x3  }
0x36: {  	p1 =	seq.s32 s10, $0x1;
	s10 =	sld [smem:$0x3FBA];
	_ =	sdelay $0x3  }
0x37: {  	[smem:$0x3FBA] =	sst s10  }
0x38: {  	s10 =	sld [smem:$0x3FBB]  }
0x39: {  	_ = 	snop;
	(pc) =	sbr.ind lr, $3  }
0x3a: {  	_ = 	snop  }
0x3b: {  	_ = 	snop  }
0x3c: {  	p2 =	seq.s32 s10, $0x1;
	s10 =	sld [smem:$0x3FBA]  }
0x3d: {  	_ =	shalt  }
0x3e: {  	_ =	shalt  }
0x3f: {  	_ =	shalt  }
0x40: {  	_ =	shalt  }
0x41: {  	_ =	shalt  }
0x42: {  	_ =	shalt  }
0x43: {  	_ =	shalt  }
0x44: {  	_ =	shalt  }
0x45: {  	_ =	shalt  }
0x46: {  	_ =	shalt  }
0x47: {  	_ =	shalt  }
0x48: {  	_ =	shalt  }
0x49: {  	_ =	shalt  }
0x4a: {  	_ =	shalt  }
0x4b: {  	_ =	shalt  }
0x4c: {  	_ =	shalt  }
0x4d: {  	_ =	shalt  }
0x4e: {  	_ =	shalt  }
0x4f: {  	_ =	shalt  }
0x50: {  	_ =	shalt  }
0x51: {  	_ =	shalt  }
0x52: {  	_ =	shalt  }
0x53: {  	_ =	shalt  }
0x54: {  	_ =	shalt  }
0x55: {  	_ =	shalt  }
0x56: {  	_ =	shalt  }
0x57: {  	_ =	shalt  }
0x58: {  	_ =	shalt  }
0x59: {  	_ =	shalt  }
0x5a: {  	_ =	shalt  }
0x5b: {  	_ =	shalt  }
0x5c: {  	_ =	shalt  }
0x5d: {  	_ =	shalt  }
0x5e: {  	_ =	shalt  }
0x5f: {  	_ =	shalt  }
0x60: {  	_ =	shalt  }
0x61: {  	_ =	shalt  }
0x62: {  	_ =	shalt  }
0x63: {  	_ =	shalt  }
0x64: {  	_ =	shalt  }
0x65: {  	_ =	shalt  }
0x66: {  	_ =	shalt  }
0x67: {  	_ =	shalt  }
0x68: {  	_ =	shalt  }
0x69: {  	_ =	shalt  }
0x6a: {  	_ =	shalt  }
0x6b: {  	_ =	shalt  }
0x6c: {  	_ =	shalt  }
0x6d: {  	_ =	shalt  }
0x6e: {  	_ =	shalt  }
0x6f: {  	_ =	shalt  }
0x70: {  	_ =	shalt  }
0x71: {  	_ =	shalt  }
0x72: {  	_ =	shalt  }
0x73: {  	_ =	shalt  }
0x74: {  	_ =	shalt  }
0x75: {  	_ =	shalt  }
0x76: {  	_ =	shalt  }
0x77: {  	_ =	shalt  }
0x78: {  	_ =	shalt  }
0x79: {  	_ =	shalt  }
0x7a: {  	_ =	shalt  }
0x7b: {  	_ =	shalt  }
0x7c: {  	_ =	shalt  }
0x7d: {  	_ =	shalt  }
0x7e: {  	_ =	shalt  }
0x7f: {  	_ =	shalt  }
0x80: {  	_ =	shalt  }
0x81: {  	_ =	shalt  }
0x82: {  	_ =	shalt  }
0x83: {  	_ =	shalt  }
0x84: {  	_ =	shalt  }
0x85: {  	_ =	shalt  }
0x86: {  	_ =	shalt  }
0x87: {  	_ =	shalt  }
.Lfunc_end0:
.L_simem_size_0:
called_computation_lowered:
.L_overlay_start_0:
0x88: {  	s2 =	sld [smem:$0x3FD9]  }
0x89: {  	s3 =	sld [smem:$0x3FFE];
	_ =	sdelay $0x1  }
0x8a: {  	s1 =	srdreg.scid  }
0x8b: {  	s0 =	sand.u32 $0x1, s1  }
0x8c: {  	s16 =	sshll.u32 s0, $0xA;
	s2 =	sadd.s32 s3, s2  }
0x8d: {  	s2 =	sadd.s32 s2, s16  }
0x8e: {  	[smem:$0x3FC6] =	sst s2  }
0x8f: {  	_ = 	snop  }
0x90: {  	(tm) =	ssettm $0x1  }
0x91: {  	s17 =	sld [smem:$0x3FFB];
	_ =	sdelay $0x3  }
0x92: {  	_ =	strace s17  }
0x93: {  	s2 =	sld [smem:$0x3FFC];
	_ =	sdelay $0x3  }
0x94: {  	_ =	strace s2  }
0x95: {  	s2 =	sld [smem:$0x3FFD];
	_ =	sdelay $0x3  }
0x96: {  	_ =	strace s2  }
0x97: {  	_ =	strace $0x8FFFFFFF  }
0x98: {  	s18 =	sld [smem:$0x3FDB];
	_ =	sdelay $0x1  }
0x99: {  	s19 =	simm.s32 $_scs_section_size  }
0x9a: {  	s4 =	simm.s32 $_size__tile_overlayer_lowered;
	s5 =	simm.s32 $_tile_overlayer_lowered  }
0x9b: {  	s22 =	simm.s32 $0x1BFF;
	s21 =	sshll.u32 s5, $0x1;
	s2 =	sadd.s32 s19, s18  }
0x9c: {  	s6 =	simm.s32 $0x0;
	s20 =	sshll.u32 s4, $0x1;
	s4 =	sadd.s32 s21, s2  }
0x9d: {  	[timem:s6], [sflag:s22] =	dma.local [hbm:s4], s20  }
0x9e: {  	_ =	swait.ge [sflag:s22], s20  }
0x9f: {  	s3 =	ssub.s32 $0x0, s20;
	[sflag:s22] =	ssyncset.done $0x0  }
0xa0: {  	[sflag:s22] =	ssyncadd.s32 s3;
	_ =	sdelay $0x1  }
0xa1: {  	s23 =	simm.s32 $0x1B8B  }
0xa2: {  	_ =	swait.ge [sflag:s23], $0x1  }
0xa3: {  	[sflag:s23] =	ssyncset.done $0x0  }
0xa4: {  	s25 =	simm.s32 $0x1B8E;
	s24 =	sld [smem:$0x3FFE];
	[sflag:s23] =	ssyncadd.s32 $0xFFFFFFFF  }
0xa5: {  	s26 =	simm.s32 $execute0_lowered;
	[smem:$0x3FD2] =	sst s25  }
0xa6: {  	s4 =	sshll.u32 s26, $0x1;
	_ =	strace $0x80000046;
	[dreg:$0x1] =	wrdreg $0xFFFFFFFF  }
0xa7: {  	s28 =	simm.s32 $_size_execute0_lowered;
	s2 =	sadd.s32 s2, s4;
	[dreg:$0x0] =	wrdreg $0x0  }
0xa8: {  	s4 =	sshll.u32 s28, $0x1;
	[dreg:$0x2] =	wrdreg s2  }
0xa9: {  	[dreg:$0x3] =	wrdreg s4  }
0xaa: {  	[dreg:$0x4] =	wrdreg $0xC0  }
0xab: {  	_ =	task [dreg:s6], $0x5FFFF  }
0xac: {  	[dreg:$0x1] =	wrdreg $0xFFFFFFFF  }
0xad: {  	[dreg:$0x0] =	wrdreg $0x60  }
0xae: {  	[dreg:$0x2] =	wrdreg s24  }
0xaf: {  	[dreg:$0x3] =	wrdreg $0x9  }
0xb0: {  	_ =	task.clear_ibuf [dreg:s6], $0x4FFFF;
	_ =	strace $0x90000046  }
0xb1: {  	s29 =	simm.s32 $0x9;
	_ =	strace $0x80000048  }
0xb2: {  	_ =	swait.ge [sflag:s29], $0x1  }
0xb3: {  	[sflag:s29] =	ssyncadd.s32 $0xFFFFFFFF  }
0xb4: {  	_ =	strace $0x90000048  }
0xb5: {  	_ =	sfence  }
0xb6: {  	s30 =	sld [smem:$0x0];
	_ =	sdelay $0x2  }
0xb7: {  	s31 =	sshll.u32 s1, $0xD;
	s1 =	sshrl.u32 s1, $0x2  }
0xb8: {  	s3 =	sand.u32 $0x4000, s31;
	s1 =	sadd.s32 s1, s30  }
0xb9: {  	s0 =	sor.u32 s3, s0;
	s1 =	sshll.u32 s1, $0x11  }
0xba: {  	s0 =	sor.u32 s1, s0  }
0xbb: {  	s0 =	sadd.s32 $0x8F2B, s0  }
0xbc: {  	[sflag:s0] =	ssyncadd.remote.s32 $0x1  }
0xbd: {  	_ =	sfence.sel $0xFFFF  }
0xbe: {  	[dreg:$0x0] =	wrdreg $0xFFFFFFFF;
	(pc) =	sbr.abs _section_cstart, $3  }
0xbf: {  	[dreg:$0x1] =	wrdreg $0xFFFFFFFF  }
0xc0: {  	_ =	task.clear_ibuf [dreg:s6], $0x2FFFF;
	_ =	strace $0x9FFFFFFF  }
0xc1: {  	(tm) =	ssettm $0x7FFFFFFF  }
tec
execute0_lowered:
.L_overlay_start_1:
0x0: {  	(tag) =	ssettag $0x1  }
0x1: {  	s3 =	rddreg [dreg:$0x0]  }
0x2: {  	s0 =	rddreg [dreg:$0x1]  }
0x3: {  	s4 =	srdreg.scid;
	s1 =	stileid.u32;
	s2 =	simm.s32 $0x0  }
0x4: {  	s9 =	simm.s32 $0x1;
	s10 =	simm.s32 $0x4000;
	s11 =	simm.s32 $0x8000  }
0x5: {  	s12 =	simm.s32 $0x2;
	s13 =	simm.s32 $0x80;
	s14 =	simm.s32 $0x400  }
0x6: {  	s15 =	simm.s32 $0x3;
	s16 =	simm.s32 $0x0;
	s4 =	sand.u32 $0x1, s4  }
0x7: {  	s5 =	sshll.u32 s1, $0x1;
	[smem:$0x7FF] =	sst s2;
	s7 =	sshll.u32 s1, $0xD  }
0x8: {  	s5 =	sor.u32 s4, s5;
	_ =	strace $0x80000047;
	s4 =	ssub.s32 $0x2, s4  }
0x9: {  	s7 =	sand.u32 $0x18000, s7;
	s6 =	sshll.u32 s5, $0xD;
	s8 =	sshrl.u32 s4, $0x1  }
0xa: {  	s5 =	sshll.u32 s5, $0x4;
	s7 =	sadd.s32 s7, s3;
	s6 =	sadd.s32 s6, s3  }
0xb: {  	s8 =	ssub.s32 s4, s8;
	s5 =	sand.u32 $0x70, s5;
	s3 =	sadd.s32 $0x800, s6  }
0xc: {  	s4 =	sadd.s32 $0x1000, s6;
	s7 =	sadd.s32 s5, s7;
	s5 =	sadd.s32 $0x1800, s6  }
0xd: {  	v0 =	vimm.s32 $0x0;
	v1 =	vimm.s32 $0x1;
	s6 =	sadd.s32 $0x2000, s6;
	s8 =	smax.u32 s8, $0x1;
	s7 =	sadd.s32 $0x40800, s7  }
.LBB2_1:
0xe: {  	s17 =	simm.s32 $0x8040  }
0xf: {  	[tilespmem:s17+$0xFFFFFFC0] =	vst v0  }
0x10: {  	[tilespmem:s17+$0x30] =	vst v0  }
0x11: {  	[tilespmem:s17+$0x20] =	vst v0  }
0x12: {  	[tilespmem:s17+$0x10] =	vst v0  }
0x13: {  	[tilespmem:s17+$0x0] =	vst v0  }
0x14: {  	[tilespmem:s17+$0xFFFFFFF0] =	vst v0  }
0x15: {  	s18 =	simm.s32 $0x0;
	[tilespmem:s17+$0xFFFFFFE0] =	vst v0  }
.LBB2_2:
0x16: {  	s18 =	sadd.s32 $0x8, s18;
	[tilespmem:s17+$0xFFFFFFD0] =	vst v0;
	s17 =	sadd.s32 $0x80, s17  }
0x17: {  	[tilespmem:s17+$0xFFFFFFC0] =	vst v0;
	p0 =	slt.u32 s18, $0x7F8  }
0x18: {  	[tilespmem:s17+$0x30] =	vst v0  }
.Ltmp0:
0x19: {  	[tilespmem:s17+$0x20] =	vst v0;
	(pc) =	sbr.rel @p0 .LBB2_2-.Ltmp0, $4  }
0x1a: {  	[tilespmem:s17+$0x10] =	vst v0  }
0x1b: {  	[tilespmem:s17+$0x0] =	vst v0  }
0x1c: {  	[tilespmem:s17+$0xFFFFFFF0] =	vst v0  }
0x1d: {  	[tilespmem:s17+$0xFFFFFFE0] =	vst v0  }
0x1e: {  	[tilespmem:s17+$0xFFFFFFD0] =	vst v0  }
0x1f: {  	[tilespmem:s2], [sflag:$0x1] =	stream.linear.gather [hbm4b:s3+s2], $0x4000, $0x38;
	[tilespmem:$0x10000] =	vst v63  }
0x20: {  	_ =	swait.ge [sflag:s9], $0x4000  }
0x21: {  	[sflag:s9] =	ssyncset.done $0x0  }
0x22: {  	s17 =	simm.s32 $0x80;
	[sflag:s9] =	ssyncadd.s32 $0xFFFFC000  }
0x23: {  	[tilespmem:s10], [sflag:$0x2] =	stream.linear.gather [hbm4b:s4+s2], $0x4000, $0x38;
	[tilespmem:$0x10000] =	vst v63  }
0x24: {  	v2 =	vld [tilespmem:s17+$0xFFFFFF80]  }
0x25: {  	v3 =	vld [tilespmem:s17+$0xFFFFFF90]  }
0x26: {  	v4 =	vld [tilespmem:s17+$0xFFFFFFA0]  }
0x27: {  	v5 =	vld [tilespmem:s17+$0xFFFFFFB0]  }
0x28: {  	v6 =	vld [tilespmem:s17+$0xFFFFFFC0]  }
0x29: {  	v7 =	vld [tilespmem:s17+$0xFFFFFFD0];
	v8 =	vand.u32 $0xFFFF, v2  }
0x2a: {  	v9 =	vld [tilespmem:s17+$0xFFFFFFE0];
	v10 =	vand.u32 $0xFFFF, v3  }
0x2b: {  	v11 =	vld [tilespmem:s17+$0xFFFFFFF0];
	v12 =	vand.u32 $0xFFFF, v4  }
0x2c: {  	v13 =	vand.u32 $0xFFFF, v5  }
0x2d: {  	v14 =	vand.u32 $0xFFFF, v6  }
0x2e: {  	v50 =	vand.u32 $0xFFFF, v7;
	[tilespmem:v8+s11+$0x0] =	vst.idx.add.s32.msk $0xffff, v1  }
0x2f: {  	v51 =	vand.u32 $0xFFFF, v9;
	[tilespmem:v10+s11+$0x0] =	vst.idx.add.s32.msk $0xffff, v1  }
0x30: {  	v52 =	vand.u32 $0xFFFF, v11;
	[tilespmem:v12+s11+$0x0] =	vst.idx.add.s32.msk $0xffff, v1  }
0x31: {  	v2 =	vshrl.u32 v2, $0x10;
	[tilespmem:v13+s11+$0x0] =	vst.idx.add.s32.msk $0xffff, v1  }
0x32: {  	v3 =	vshrl.u32 v3, $0x10;
	[tilespmem:v14+s11+$0x0] =	vst.idx.add.s32.msk $0xffff, v1  }
0x33: {  	v4 =	vshrl.u32 v4, $0x10;
	[tilespmem:v50+s11+$0x0] =	vst.idx.add.s32.msk $0xffff, v1  }
0x34: {  	v5 =	vshrl.u32 v5, $0x10;
	[tilespmem:v51+s11+$0x0] =	vst.idx.add.s32.msk $0xffff, v1  }
0x35: {  	v6 =	vshrl.u32 v6, $0x10;
	[tilespmem:v52+s11+$0x0] =	vst.idx.add.s32.msk $0xffff, v1  }
0x36: {  	v7 =	vshrl.u32 v7, $0x10;
	[tilespmem:v2+s11+$0x0] =	vst.idx.add.s32.msk $0xffff, v1  }
0x37: {  	v2 =	vshrl.u32 v9, $0x10;
	[tilespmem:v3+s11+$0x0] =	vst.idx.add.s32.msk $0xffff, v1  }
0x38: {  	v3 =	vshrl.u32 v11, $0x10;
	[tilespmem:v4+s11+$0x0] =	vst.idx.add.s32.msk $0xffff, v1  }
0x39: {  	[tilespmem:v5+s11+$0x0] =	vst.idx.add.s32.msk $0xffff, v1  }
0x3a: {  	[tilespmem:v6+s11+$0x0] =	vst.idx.add.s32.msk $0xffff, v1  }
0x3b: {  	[tilespmem:v7+s11+$0x0] =	vst.idx.add.s32.msk $0xffff, v1  }
0x3c: {  	[tilespmem:v2+s11+$0x0] =	vst.idx.add.s32.msk $0xffff, v1  }
0x3d: {  	[tilespmem:v3+s11+$0x0] =	vst.idx.add.s32.msk $0xffff, v1  }
0x3e: {  	v2 =	vld [tilespmem:s17+$0x0]  }
0x3f: {  	v3 =	vld [tilespmem:s17+$0x10]  }
0x40: {  	v4 =	vld [tilespmem:s17+$0x20]  }
0x41: {  	v5 =	vld [tilespmem:s17+$0x30]  }
0x42: {  	v6 =	vld [tilespmem:s17+$0x40]  }
0x43: {  	v7 =	vld [tilespmem:s17+$0x50];
	v53 =	vand.u32 $0xFFFF, v2  }
0x44: {  	v54 =	vld [tilespmem:s17+$0x60];
	v55 =	vand.u32 $0xFFFF, v3  }
0x45: {  	v56 =	vld [tilespmem:s17+$0x70];
	v57 =	vand.u32 $0xFFFF, v4  }
0x46: {  	v58 =	vand.u32 $0xFFFF, v5  }
0x47: {  	v59 =	vand.u32 $0xFFFF, v6  }
0x48: {  	v60 =	vand.u32 $0xFFFF, v7;
	[tilespmem:v53+s11+$0x0] =	vst.idx.add.s32.msk $0xffff, v1  }
0x49: {  	v61 =	vand.u32 $0xFFFF, v54;
	[tilespmem:v55+s11+$0x0] =	vst.idx.add.s32.msk $0xffff, v1  }
0x4a: {  	v62 =	vand.u32 $0xFFFF, v56;
	[tilespmem:v57+s11+$0x0] =	vst.idx.add.s32.msk $0xffff, v1  }
0x4b: {  	v2 =	vshrl.u32 v2, $0x10;
	[tilespmem:v58+s11+$0x0] =	vst.idx.add.s32.msk $0xffff, v1  }
0x4c: {  	v3 =	vshrl.u32 v3, $0x10;
	[tilespmem:v59+s11+$0x0] =	vst.idx.add.s32.msk $0xffff, v1  }
0x4d: {  	v4 =	vshrl.u32 v4, $0x10;
	[tilespmem:v60+s11+$0x0] =	vst.idx.add.s32.msk $0xffff, v1  }
0x4e: {  	v5 =	vshrl.u32 v5, $0x10;
	[tilespmem:v61+s11+$0x0] =	vst.idx.add.s32.msk $0xffff, v1  }
0x4f: {  	v6 =	vshrl.u32 v6, $0x10;
	[tilespmem:v62+s11+$0x0] =	vst.idx.add.s32.msk $0xffff, v1  }
0x50: {  	v7 =	vshrl.u32 v7, $0x10;
	[tilespmem:v2+s11+$0x0] =	vst.idx.add.s32.msk $0xffff, v1  }
0x51: {  	v63 =	vshrl.u32 v54, $0x10;
	[tilespmem:v3+s11+$0x0] =	vst.idx.add.s32.msk $0xffff, v1  }
0x52: {  	v2 =	vshrl.u32 v56, $0x10;
	[tilespmem:v4+s11+$0x0] =	vst.idx.add.s32.msk $0xffff, v1  }
0x53: {  	[tilespmem:v5+s11+$0x0] =	vst.idx.add.s32.msk $0xffff, v1  }
0x54: {  	[tilespmem:v6+s11+$0x0] =	vst.idx.add.s32.msk $0xffff, v1  }
0x55: {  	[tilespmem:v7+s11+$0x0] =	vst.idx.add.s32.msk $0xffff, v1  }
0x56: {  	s18 =	simm.s32 $0x0;
	[tilespmem:v63+s11+$0x0] =	vst.idx.add.s32.msk $0xffff, v1  }
.LBB2_4:
0x57: {  	s18 =	sadd.s32 $0x2, s18;
	[tilespmem:v2+s11+$0x0] =	vst.idx.add.s32.msk $0xffff, v1;
	s17 =	sadd.s32 $0x100, s17  }
0x58: {  	v2 =	vld [tilespmem:s17+$0xFFFFFF80];
	p0 =	slt.u32 s18, $0x7E  }
0x59: {  	v3 =	vld [tilespmem:s17+$0xFFFFFF90]  }
0x5a: {  	v4 =	vld [tilespmem:s17+$0xFFFFFFA0]  }
0x5b: {  	v5 =	vld [tilespmem:s17+$0xFFFFFFB0]  }
0x5c: {  	v6 =	vld [tilespmem:s17+$0xFFFFFFC0]  }
0x5d: {  	v7 =	vld [tilespmem:s17+$0xFFFFFFD0];
	v8 =	vand.u32 $0xFFFF, v2  }
0x5e: {  	v9 =	vld [tilespmem:s17+$0xFFFFFFE0];
	v10 =	vand.u32 $0xFFFF, v3  }
0x5f: {  	v11 =	vld [tilespmem:s17+$0xFFFFFFF0];
	v12 =	vand.u32 $0xFFFF, v4  }
0x60: {  	v13 =	vand.u32 $0xFFFF, v5  }
0x61: {  	v14 =	vand.u32 $0xFFFF, v6  }
0x62: {  	[tilespmem:v8+s11+$0x0] =	vst.idx.add.s32.msk $0xffff, v1;
	v8 =	vand.u32 $0xFFFF, v7  }
0x63: {  	[tilespmem:v10+s11+$0x0] =	vst.idx.add.s32.msk $0xffff, v1;
	v10 =	vand.u32 $0xFFFF, v9  }
0x64: {  	[tilespmem:v12+s11+$0x0] =	vst.idx.add.s32.msk $0xffff, v1;
	v12 =	vand.u32 $0xFFFF, v11  }
0x65: {  	v2 =	vshrl.u32 v2, $0x10;
	[tilespmem:v13+s11+$0x0] =	vst.idx.add.s32.msk $0xffff, v1  }
0x66: {  	v3 =	vshrl.u32 v3, $0x10;
	[tilespmem:v14+s11+$0x0] =	vst.idx.add.s32.msk $0xffff, v1  }
0x67: {  	v4 =	vshrl.u32 v4, $0x10;
	[tilespmem:v8+s11+$0x0] =	vst.idx.add.s32.msk $0xffff, v1  }
0x68: {  	v5 =	vshrl.u32 v5, $0x10;
	[tilespmem:v10+s11+$0x0] =	vst.idx.add.s32.msk $0xffff, v1  }
0x69: {  	v6 =	vshrl.u32 v6, $0x10;
	[tilespmem:v12+s11+$0x0] =	vst.idx.add.s32.msk $0xffff, v1  }
0x6a: {  	v7 =	vshrl.u32 v7, $0x10;
	[tilespmem:v2+s11+$0x0] =	vst.idx.add.s32.msk $0xffff, v1  }
0x6b: {  	v2 =	vshrl.u32 v9, $0x10;
	[tilespmem:v3+s11+$0x0] =	vst.idx.add.s32.msk $0xffff, v1  }
0x6c: {  	v3 =	vshrl.u32 v11, $0x10;
	[tilespmem:v4+s11+$0x0] =	vst.idx.add.s32.msk $0xffff, v1  }
0x6d: {  	[tilespmem:v5+s11+$0x0] =	vst.idx.add.s32.msk $0xffff, v1  }
0x6e: {  	[tilespmem:v6+s11+$0x0] =	vst.idx.add.s32.msk $0xffff, v1  }
0x6f: {  	[tilespmem:v7+s11+$0x0] =	vst.idx.add.s32.msk $0xffff, v1  }
0x70: {  	[tilespmem:v2+s11+$0x0] =	vst.idx.add.s32.msk $0xffff, v1  }
0x71: {  	[tilespmem:v3+s11+$0x0] =	vst.idx.add.s32.msk $0xffff, v1  }
0x72: {  	v2 =	vld [tilespmem:s17+$0x0]  }
0x73: {  	v3 =	vld [tilespmem:s17+$0x10]  }
0x74: {  	v4 =	vld [tilespmem:s17+$0x20]  }
0x75: {  	v5 =	vld [tilespmem:s17+$0x30]  }
0x76: {  	v6 =	vld [tilespmem:s17+$0x40]  }
0x77: {  	v7 =	vld [tilespmem:s17+$0x50];
	v8 =	vand.u32 $0xFFFF, v2  }
0x78: {  	v9 =	vld [tilespmem:s17+$0x60];
	v10 =	vand.u32 $0xFFFF, v3  }
0x79: {  	v11 =	vld [tilespmem:s17+$0x70];
	v12 =	vand.u32 $0xFFFF, v4  }
0x7a: {  	v13 =	vand.u32 $0xFFFF, v5  }
0x7b: {  	v14 =	vand.u32 $0xFFFF, v6  }
0x7c: {  	[tilespmem:v8+s11+$0x0] =	vst.idx.add.s32.msk $0xffff, v1;
	v8 =	vand.u32 $0xFFFF, v7  }
0x7d: {  	[tilespmem:v10+s11+$0x0] =	vst.idx.add.s32.msk $0xffff, v1;
	v10 =	vand.u32 $0xFFFF, v9  }
0x7e: {  	[tilespmem:v12+s11+$0x0] =	vst.idx.add.s32.msk $0xffff, v1;
	v12 =	vand.u32 $0xFFFF, v11  }
0x7f: {  	v2 =	vshrl.u32 v2, $0x10;
	[tilespmem:v13+s11+$0x0] =	vst.idx.add.s32.msk $0xffff, v1  }
0x80: {  	v3 =	vshrl.u32 v3, $0x10;
	[tilespmem:v14+s11+$0x0] =	vst.idx.add.s32.msk $0xffff, v1  }
0x81: {  	v4 =	vshrl.u32 v4, $0x10;
	[tilespmem:v8+s11+$0x0] =	vst.idx.add.s32.msk $0xffff, v1  }
0x82: {  	v5 =	vshrl.u32 v5, $0x10;
	[tilespmem:v10+s11+$0x0] =	vst.idx.add.s32.msk $0xffff, v1  }
0x83: {  	v6 =	vshrl.u32 v6, $0x10;
	[tilespmem:v12+s11+$0x0] =	vst.idx.add.s32.msk $0xffff, v1  }
0x84: {  	v7 =	vshrl.u32 v7, $0x10;
	[tilespmem:v2+s11+$0x0] =	vst.idx.add.s32.msk $0xffff, v1  }
0x85: {  	v8 =	vshrl.u32 v9, $0x10;
	[tilespmem:v3+s11+$0x0] =	vst.idx.add.s32.msk $0xffff, v1  }
.Ltmp1:
0x86: {  	v2 =	vshrl.u32 v11, $0x10;
	[tilespmem:v4+s11+$0x0] =	vst.idx.add.s32.msk $0xffff, v1;
	(pc) =	sbr.rel @p0 .LBB2_4-.Ltmp1, $4  }
0x87: {  	[tilespmem:v5+s11+$0x0] =	vst.idx.add.s32.msk $0xffff, v1  }
0x88: {  	[tilespmem:v6+s11+$0x0] =	vst.idx.add.s32.msk $0xffff, v1  }
0x89: {  	[tilespmem:v7+s11+$0x0] =	vst.idx.add.s32.msk $0xffff, v1  }
0x8a: {  	[tilespmem:v8+s11+$0x0] =	vst.idx.add.s32.msk $0xffff, v1  }
0x8b: {  	_ =	sdelay $0x3  }
0x8c: {  	[tilespmem:v2+s11+$0x0] =	vst.idx.add.s32.msk $0xffff, v1  }
0x8d: {  	_ =	swait.ge [sflag:s12], $0x4000  }
0x8e: {  	[sflag:s12] =	ssyncset.done $0x0  }
0x8f: {  	s17 =	simm.s32 $0x4080;
	[sflag:s12] =	ssyncadd.s32 $0xFFFFC000  }
0x90: {  	[tilespmem:s2], [sflag:$0x1] =	stream.linear.gather [hbm4b:s5+s2], $0x4000, $0x38;
	[tilespmem:$0x10000] =	vst v63  }
0x91: {  	v2 =	vld [tilespmem:s17+$0xFFFFFF80]  }
0x92: {  	v3 =	vld [tilespmem:s17+$0xFFFFFF90]  }
0x93: {  	v4 =	vld [tilespmem:s17+$0xFFFFFFA0]  }
0x94: {  	v5 =	vld [tilespmem:s17+$0xFFFFFFB0]  }
0x95: {  	v6 =	vld [tilespmem:s17+$0xFFFFFFC0]  }
0x96: {  	v7 =	vld [tilespmem:s17+$0xFFFFFFD0];
	v8 =	vand.u32 $0xFFFF, v2  }
0x97: {  	v9 =	vld [tilespmem:s17+$0xFFFFFFE0];
	v10 =	vand.u32 $0xFFFF, v3  }
0x98: {  	v11 =	vld [tilespmem:s17+$0xFFFFFFF0];
	v12 =	vand.u32 $0xFFFF, v4  }
0x99: {  	v13 =	vand.u32 $0xFFFF, v5  }
0x9a: {  	v14 =	vand.u32 $0xFFFF, v6  }
0x9b: {  	v50 =	vand.u32 $0xFFFF, v7;
	[tilespmem:v8+s11+$0x0] =	vst.idx.add.s32.msk $0xffff, v1  }
0x9c: {  	v51 =	vand.u32 $0xFFFF, v9;
	[tilespmem:v10+s11+$0x0] =	vst.idx.add.s32.msk $0xffff, v1  }
0x9d: {  	v52 =	vand.u32 $0xFFFF, v11;
	[tilespmem:v12+s11+$0x0] =	vst.idx.add.s32.msk $0xffff, v1  }
0x9e: {  	v2 =	vshrl.u32 v2, $0x10;
	[tilespmem:v13+s11+$0x0] =	vst.idx.add.s32.msk $0xffff, v1  }
0x9f: {  	v3 =	vshrl.u32 v3, $0x10;
	[tilespmem:v14+s11+$0x0] =	vst.idx.add.s32.msk $0xffff, v1  }
0xa0: {  	v4 =	vshrl.u32 v4, $0x10;
	[tilespmem:v50+s11+$0x0] =	vst.idx.add.s32.msk $0xffff, v1  }
0xa1: {  	v5 =	vshrl.u32 v5, $0x10;
	[tilespmem:v51+s11+$0x0] =	vst.idx.add.s32.msk $0xffff, v1  }
0xa2: {  	v6 =	vshrl.u32 v6, $0x10;
	[tilespmem:v52+s11+$0x0] =	vst.idx.add.s32.msk $0xffff, v1  }
0xa3: {  	v7 =	vshrl.u32 v7, $0x10;
	[tilespmem:v2+s11+$0x0] =	vst.idx.add.s32.msk $0xffff, v1  }
0xa4: {  	v2 =	vshrl.u32 v9, $0x10;
	[tilespmem:v3+s11+$0x0] =	vst.idx.add.s32.msk $0xffff, v1  }
0xa5: {  	v3 =	vshrl.u32 v11, $0x10;
	[tilespmem:v4+s11+$0x0] =	vst.idx.add.s32.msk $0xffff, v1  }
0xa6: {  	[tilespmem:v5+s11+$0x0] =	vst.idx.add.s32.msk $0xffff, v1  }
0xa7: {  	[tilespmem:v6+s11+$0x0] =	vst.idx.add.s32.msk $0xffff, v1  }
0xa8: {  	[tilespmem:v7+s11+$0x0] =	vst.idx.add.s32.msk $0xffff, v1  }
0xa9: {  	[tilespmem:v2+s11+$0x0] =	vst.idx.add.s32.msk $0xffff, v1  }
0xaa: {  	[tilespmem:v3+s11+$0x0] =	vst.idx.add.s32.msk $0xffff, v1  }
0xab: {  	v2 =	vld [tilespmem:s17+$0x0]  }
0xac: {  	v3 =	vld [tilespmem:s17+$0x10]  }
0xad: {  	v4 =	vld [tilespmem:s17+$0x20]  }
0xae: {  	v5 =	vld [tilespmem:s17+$0x30]  }
0xaf: {  	v6 =	vld [tilespmem:s17+$0x40]  }
0xb0: {  	v7 =	vld [tilespmem:s17+$0x50];
	v53 =	vand.u32 $0xFFFF, v2  }
0xb1: {  	v54 =	vld [tilespmem:s17+$0x60];
	v55 =	vand.u32 $0xFFFF, v3  }
0xb2: {  	v56 =	vld [tilespmem:s17+$0x70];
	v57 =	vand.u32 $0xFFFF, v4  }
0xb3: {  	v58 =	vand.u32 $0xFFFF, v5  }
0xb4: {  	v59 =	vand.u32 $0xFFFF, v6  }
0xb5: {  	v60 =	vand.u32 $0xFFFF, v7;
	[tilespmem:v53+s11+$0x0] =	vst.idx.add.s32.msk $0xffff, v1  }
0xb6: {  	v61 =	vand.u32 $0xFFFF, v54;
	[tilespmem:v55+s11+$0x0] =	vst.idx.add.s32.msk $0xffff, v1  }
0xb7: {  	v62 =	vand.u32 $0xFFFF, v56;
	[tilespmem:v57+s11+$0x0] =	vst.idx.add.s32.msk $0xffff, v1  }
0xb8: {  	v2 =	vshrl.u32 v2, $0x10;
	[tilespmem:v58+s11+$0x0] =	vst.idx.add.s32.msk $0xffff, v1  }
0xb9: {  	v3 =	vshrl.u32 v3, $0x10;
	[tilespmem:v59+s11+$0x0] =	vst.idx.add.s32.msk $0xffff, v1  }
0xba: {  	v4 =	vshrl.u32 v4, $0x10;
	[tilespmem:v60+s11+$0x0] =	vst.idx.add.s32.msk $0xffff, v1  }
0xbb: {  	v5 =	vshrl.u32 v5, $0x10;
	[tilespmem:v61+s11+$0x0] =	vst.idx.add.s32.msk $0xffff, v1  }
0xbc: {  	v6 =	vshrl.u32 v6, $0x10;
	[tilespmem:v62+s11+$0x0] =	vst.idx.add.s32.msk $0xffff, v1  }
0xbd: {  	v7 =	vshrl.u32 v7, $0x10;
	[tilespmem:v2+s11+$0x0] =	vst.idx.add.s32.msk $0xffff, v1  }
0xbe: {  	v63 =	vshrl.u32 v54, $0x10;
	[tilespmem:v3+s11+$0x0] =	vst.idx.add.s32.msk $0xffff, v1  }
0xbf: {  	v2 =	vshrl.u32 v56, $0x10;
	[tilespmem:v4+s11+$0x0] =	vst.idx.add.s32.msk $0xffff, v1  }
0xc0: {  	[tilespmem:v5+s11+$0x0] =	vst.idx.add.s32.msk $0xffff, v1  }
0xc1: {  	[tilespmem:v6+s11+$0x0] =	vst.idx.add.s32.msk $0xffff, v1  }
0xc2: {  	[tilespmem:v7+s11+$0x0] =	vst.idx.add.s32.msk $0xffff, v1  }
0xc3: {  	s18 =	simm.s32 $0x0;
	[tilespmem:v63+s11+$0x0] =	vst.idx.add.s32.msk $0xffff, v1  }
.LBB2_6:
0xc4: {  	s18 =	sadd.s32 $0x2, s18;
	[tilespmem:v2+s11+$0x0] =	vst.idx.add.s32.msk $0xffff, v1;
	s17 =	sadd.s32 $0x100, s17  }
0xc5: {  	v2 =	vld [tilespmem:s17+$0xFFFFFF80];
	p0 =	slt.u32 s18, $0x7E  }
0xc6: {  	v3 =	vld [tilespmem:s17+$0xFFFFFF90]  }
0xc7: {  	v4 =	vld [tilespmem:s17+$0xFFFFFFA0]  }
0xc8: {  	v5 =	vld [tilespmem:s17+$0xFFFFFFB0]  }
0xc9: {  	v6 =	vld [tilespmem:s17+$0xFFFFFFC0]  }
0xca: {  	v7 =	vld [tilespmem:s17+$0xFFFFFFD0];
	v8 =	vand.u32 $0xFFFF, v2  }
0xcb: {  	v9 =	vld [tilespmem:s17+$0xFFFFFFE0];
	v10 =	vand.u32 $0xFFFF, v3  }
0xcc: {  	v11 =	vld [tilespmem:s17+$0xFFFFFFF0];
	v12 =	vand.u32 $0xFFFF, v4  }
0xcd: {  	v13 =	vand.u32 $0xFFFF, v5  }
0xce: {  	v14 =	vand.u32 $0xFFFF, v6  }
0xcf: {  	[tilespmem:v8+s11+$0x0] =	vst.idx.add.s32.msk $0xffff, v1;
	v8 =	vand.u32 $0xFFFF, v7  }
0xd0: {  	[tilespmem:v10+s11+$0x0] =	vst.idx.add.s32.msk $0xffff, v1;
	v10 =	vand.u32 $0xFFFF, v9  }
0xd1: {  	[tilespmem:v12+s11+$0x0] =	vst.idx.add.s32.msk $0xffff, v1;
	v12 =	vand.u32 $0xFFFF, v11  }
0xd2: {  	v2 =	vshrl.u32 v2, $0x10;
	[tilespmem:v13+s11+$0x0] =	vst.idx.add.s32.msk $0xffff, v1  }
0xd3: {  	v3 =	vshrl.u32 v3, $0x10;
	[tilespmem:v14+s11+$0x0] =	vst.idx.add.s32.msk $0xffff, v1  }
0xd4: {  	v4 =	vshrl.u32 v4, $0x10;
	[tilespmem:v8+s11+$0x0] =	vst.idx.add.s32.msk $0xffff, v1  }
0xd5: {  	v5 =	vshrl.u32 v5, $0x10;
	[tilespmem:v10+s11+$0x0] =	vst.idx.add.s32.msk $0xffff, v1  }
0xd6: {  	v6 =	vshrl.u32 v6, $0x10;
	[tilespmem:v12+s11+$0x0] =	vst.idx.add.s32.msk $0xffff, v1  }
0xd7: {  	v7 =	vshrl.u32 v7, $0x10;
	[tilespmem:v2+s11+$0x0] =	vst.idx.add.s32.msk $0xffff, v1  }
0xd8: {  	v2 =	vshrl.u32 v9, $0x10;
	[tilespmem:v3+s11+$0x0] =	vst.idx.add.s32.msk $0xffff, v1  }
0xd9: {  	v3 =	vshrl.u32 v11, $0x10;
	[tilespmem:v4+s11+$0x0] =	vst.idx.add.s32.msk $0xffff, v1  }
0xda: {  	[tilespmem:v5+s11+$0x0] =	vst.idx.add.s32.msk $0xffff, v1  }
0xdb: {  	[tilespmem:v6+s11+$0x0] =	vst.idx.add.s32.msk $0xffff, v1  }
0xdc: {  	[tilespmem:v7+s11+$0x0] =	vst.idx.add.s32.msk $0xffff, v1  }
0xdd: {  	[tilespmem:v2+s11+$0x0] =	vst.idx.add.s32.msk $0xffff, v1  }
0xde: {  	[tilespmem:v3+s11+$0x0] =	vst.idx.add.s32.msk $0xffff, v1  }
0xdf: {  	v2 =	vld [tilespmem:s17+$0x0]  }
0xe0: {  	v3 =	vld [tilespmem:s17+$0x10]  }
0xe1: {  	v4 =	vld [tilespmem:s17+$0x20]  }
0xe2: {  	v5 =	vld [tilespmem:s17+$0x30]  }
0xe3: {  	v6 =	vld [tilespmem:s17+$0x40]  }
0xe4: {  	v7 =	vld [tilespmem:s17+$0x50];
	v8 =	vand.u32 $0xFFFF, v2  }
0xe5: {  	v9 =	vld [tilespmem:s17+$0x60];
	v10 =	vand.u32 $0xFFFF, v3  }
0xe6: {  	v11 =	vld [tilespmem:s17+$0x70];
	v12 =	vand.u32 $0xFFFF, v4  }
0xe7: {  	v13 =	vand.u32 $0xFFFF, v5  }
0xe8: {  	v14 =	vand.u32 $0xFFFF, v6  }
0xe9: {  	[tilespmem:v8+s11+$0x0] =	vst.idx.add.s32.msk $0xffff, v1;
	v8 =	vand.u32 $0xFFFF, v7  }
0xea: {  	[tilespmem:v10+s11+$0x0] =	vst.idx.add.s32.msk $0xffff, v1;
	v10 =	vand.u32 $0xFFFF, v9  }
0xeb: {  	[tilespmem:v12+s11+$0x0] =	vst.idx.add.s32.msk $0xffff, v1;
	v12 =	vand.u32 $0xFFFF, v11  }
0xec: {  	v2 =	vshrl.u32 v2, $0x10;
	[tilespmem:v13+s11+$0x0] =	vst.idx.add.s32.msk $0xffff, v1  }
0xed: {  	v3 =	vshrl.u32 v3, $0x10;
	[tilespmem:v14+s11+$0x0] =	vst.idx.add.s32.msk $0xffff, v1  }
0xee: {  	v4 =	vshrl.u32 v4, $0x10;
	[tilespmem:v8+s11+$0x0] =	vst.idx.add.s32.msk $0xffff, v1  }
0xef: {  	v5 =	vshrl.u32 v5, $0x10;
	[tilespmem:v10+s11+$0x0] =	vst.idx.add.s32.msk $0xffff, v1  }
0xf0: {  	v6 =	vshrl.u32 v6, $0x10;
	[tilespmem:v12+s11+$0x0] =	vst.idx.add.s32.msk $0xffff, v1  }
0xf1: {  	v7 =	vshrl.u32 v7, $0x10;
	[tilespmem:v2+s11+$0x0] =	vst.idx.add.s32.msk $0xffff, v1  }
0xf2: {  	v8 =	vshrl.u32 v9, $0x10;
	[tilespmem:v3+s11+$0x0] =	vst.idx.add.s32.msk $0xffff, v1  }
.Ltmp2:
0xf3: {  	v2 =	vshrl.u32 v11, $0x10;
	[tilespmem:v4+s11+$0x0] =	vst.idx.add.s32.msk $0xffff, v1;
	(pc) =	sbr.rel @p0 .LBB2_6-.Ltmp2, $4  }
0xf4: {  	[tilespmem:v5+s11+$0x0] =	vst.idx.add.s32.msk $0xffff, v1  }
0xf5: {  	[tilespmem:v6+s11+$0x0] =	vst.idx.add.s32.msk $0xffff, v1  }
0xf6: {  	[tilespmem:v7+s11+$0x0] =	vst.idx.add.s32.msk $0xffff, v1  }
0xf7: {  	[tilespmem:v8+s11+$0x0] =	vst.idx.add.s32.msk $0xffff, v1  }
0xf8: {  	_ =	sdelay $0x3  }
0xf9: {  	[tilespmem:v2+s11+$0x0] =	vst.idx.add.s32.msk $0xffff, v1  }
0xfa: {  	_ =	swait.ge [sflag:s9], $0x4000  }
0xfb: {  	[sflag:s9] =	ssyncset.done $0x0  }
0xfc: {  	s17 =	simm.s32 $0x80;
	[sflag:s9] =	ssyncadd.s32 $0xFFFFC000  }
0xfd: {  	[tilespmem:s10], [sflag:$0x2] =	stream.linear.gather [hbm4b:s6+s2], $0x4000, $0x38;
	[tilespmem:$0x10000] =	vst v63  }
0xfe: {  	v2 =	vld [tilespmem:s17+$0xFFFFFF80]  }
0xff: {  	v3 =	vld [tilespmem:s17+$0xFFFFFF90]  }
0x100: {  	v4 =	vld [tilespmem:s17+$0xFFFFFFA0]  }
0x101: {  	v5 =	vld [tilespmem:s17+$0xFFFFFFB0]  }
0x102: {  	v6 =	vld [tilespmem:s17+$0xFFFFFFC0]  }
0x103: {  	v7 =	vld [tilespmem:s17+$0xFFFFFFD0];
	v8 =	vand.u32 $0xFFFF, v2  }
0x104: {  	v9 =	vld [tilespmem:s17+$0xFFFFFFE0];
	v10 =	vand.u32 $0xFFFF, v3  }
0x105: {  	v11 =	vld [tilespmem:s17+$0xFFFFFFF0];
	v12 =	vand.u32 $0xFFFF, v4  }
0x106: {  	v13 =	vand.u32 $0xFFFF, v5  }
0x107: {  	v14 =	vand.u32 $0xFFFF, v6  }
0x108: {  	v50 =	vand.u32 $0xFFFF, v7;
	[tilespmem:v8+s11+$0x0] =	vst.idx.add.s32.msk $0xffff, v1  }
0x109: {  	v51 =	vand.u32 $0xFFFF, v9;
	[tilespmem:v10+s11+$0x0] =	vst.idx.add.s32.msk $0xffff, v1  }
0x10a: {  	v52 =	vand.u32 $0xFFFF, v11;
	[tilespmem:v12+s11+$0x0] =	vst.idx.add.s32.msk $0xffff, v1  }
0x10b: {  	v2 =	vshrl.u32 v2, $0x10;
	[tilespmem:v13+s11+$0x0] =	vst.idx.add.s32.msk $0xffff, v1  }
0x10c: {  	v3 =	vshrl.u32 v3, $0x10;
	[tilespmem:v14+s11+$0x0] =	vst.idx.add.s32.msk $0xffff, v1  }
0x10d: {  	v4 =	vshrl.u32 v4, $0x10;
	[tilespmem:v50+s11+$0x0] =	vst.idx.add.s32.msk $0xffff, v1  }
0x10e: {  	v5 =	vshrl.u32 v5, $0x10;
	[tilespmem:v51+s11+$0x0] =	vst.idx.add.s32.msk $0xffff, v1  }
0x10f: {  	v6 =	vshrl.u32 v6, $0x10;
	[tilespmem:v52+s11+$0x0] =	vst.idx.add.s32.msk $0xffff, v1  }
0x110: {  	v7 =	vshrl.u32 v7, $0x10;
	[tilespmem:v2+s11+$0x0] =	vst.idx.add.s32.msk $0xffff, v1  }
0x111: {  	v2 =	vshrl.u32 v9, $0x10;
	[tilespmem:v3+s11+$0x0] =	vst.idx.add.s32.msk $0xffff, v1  }
0x112: {  	v3 =	vshrl.u32 v11, $0x10;
	[tilespmem:v4+s11+$0x0] =	vst.idx.add.s32.msk $0xffff, v1  }
0x113: {  	[tilespmem:v5+s11+$0x0] =	vst.idx.add.s32.msk $0xffff, v1  }
0x114: {  	[tilespmem:v6+s11+$0x0] =	vst.idx.add.s32.msk $0xffff, v1  }
0x115: {  	[tilespmem:v7+s11+$0x0] =	vst.idx.add.s32.msk $0xffff, v1  }
0x116: {  	[tilespmem:v2+s11+$0x0] =	vst.idx.add.s32.msk $0xffff, v1  }
0x117: {  	[tilespmem:v3+s11+$0x0] =	vst.idx.add.s32.msk $0xffff, v1  }
0x118: {  	v2 =	vld [tilespmem:s17+$0x0]  }
0x119: {  	v3 =	vld [tilespmem:s17+$0x10]  }
0x11a: {  	v4 =	vld [tilespmem:s17+$0x20]  }
0x11b: {  	v5 =	vld [tilespmem:s17+$0x30]  }
0x11c: {  	v6 =	vld [tilespmem:s17+$0x40]  }
0x11d: {  	v7 =	vld [tilespmem:s17+$0x50];
	v53 =	vand.u32 $0xFFFF, v2  }
0x11e: {  	v54 =	vld [tilespmem:s17+$0x60];
	v55 =	vand.u32 $0xFFFF, v3  }
0x11f: {  	v56 =	vld [tilespmem:s17+$0x70];
	v57 =	vand.u32 $0xFFFF, v4  }
0x120: {  	v58 =	vand.u32 $0xFFFF, v5  }
0x121: {  	v59 =	vand.u32 $0xFFFF, v6  }
0x122: {  	v60 =	vand.u32 $0xFFFF, v7;
	[tilespmem:v53+s11+$0x0] =	vst.idx.add.s32.msk $0xffff, v1  }
0x123: {  	v61 =	vand.u32 $0xFFFF, v54;
	[tilespmem:v55+s11+$0x0] =	vst.idx.add.s32.msk $0xffff, v1  }
0x124: {  	v62 =	vand.u32 $0xFFFF, v56;
	[tilespmem:v57+s11+$0x0] =	vst.idx.add.s32.msk $0xffff, v1  }
0x125: {  	v2 =	vshrl.u32 v2, $0x10;
	[tilespmem:v58+s11+$0x0] =	vst.idx.add.s32.msk $0xffff, v1  }
0x126: {  	v3 =	vshrl.u32 v3, $0x10;
	[tilespmem:v59+s11+$0x0] =	vst.idx.add.s32.msk $0xffff, v1  }
0x127: {  	v4 =	vshrl.u32 v4, $0x10;
	[tilespmem:v60+s11+$0x0] =	vst.idx.add.s32.msk $0xffff, v1  }
0x128: {  	v5 =	vshrl.u32 v5, $0x10;
	[tilespmem:v61+s11+$0x0] =	vst.idx.add.s32.msk $0xffff, v1  }
0x129: {  	v6 =	vshrl.u32 v6, $0x10;
	[tilespmem:v62+s11+$0x0] =	vst.idx.add.s32.msk $0xffff, v1  }
0x12a: {  	v7 =	vshrl.u32 v7, $0x10;
	[tilespmem:v2+s11+$0x0] =	vst.idx.add.s32.msk $0xffff, v1  }
0x12b: {  	v63 =	vshrl.u32 v54, $0x10;
	[tilespmem:v3+s11+$0x0] =	vst.idx.add.s32.msk $0xffff, v1  }
0x12c: {  	v2 =	vshrl.u32 v56, $0x10;
	[tilespmem:v4+s11+$0x0] =	vst.idx.add.s32.msk $0xffff, v1  }
0x12d: {  	[tilespmem:v5+s11+$0x0] =	vst.idx.add.s32.msk $0xffff, v1  }
0x12e: {  	[tilespmem:v6+s11+$0x0] =	vst.idx.add.s32.msk $0xffff, v1  }
0x12f: {  	[tilespmem:v7+s11+$0x0] =	vst.idx.add.s32.msk $0xffff, v1  }
0x130: {  	s18 =	simm.s32 $0x0;
	[tilespmem:v63+s11+$0x0] =	vst.idx.add.s32.msk $0xffff, v1  }
.LBB2_8:
0x131: {  	s18 =	sadd.s32 $0x2, s18;
	[tilespmem:v2+s11+$0x0] =	vst.idx.add.s32.msk $0xffff, v1;
	s17 =	sadd.s32 $0x100, s17  }
0x132: {  	v2 =	vld [tilespmem:s17+$0xFFFFFF80];
	p0 =	slt.u32 s18, $0x7E  }
0x133: {  	v3 =	vld [tilespmem:s17+$0xFFFFFF90]  }
0x134: {  	v4 =	vld [tilespmem:s17+$0xFFFFFFA0]  }
0x135: {  	v5 =	vld [tilespmem:s17+$0xFFFFFFB0]  }
0x136: {  	v6 =	vld [tilespmem:s17+$0xFFFFFFC0]  }
0x137: {  	v7 =	vld [tilespmem:s17+$0xFFFFFFD0];
	v8 =	vand.u32 $0xFFFF, v2  }
0x138: {  	v9 =	vld [tilespmem:s17+$0xFFFFFFE0];
	v10 =	vand.u32 $0xFFFF, v3  }
0x139: {  	v11 =	vld [tilespmem:s17+$0xFFFFFFF0];
	v12 =	vand.u32 $0xFFFF, v4  }
0x13a: {  	v13 =	vand.u32 $0xFFFF, v5  }
0x13b: {  	v14 =	vand.u32 $0xFFFF, v6  }
0x13c: {  	[tilespmem:v8+s11+$0x0] =	vst.idx.add.s32.msk $0xffff, v1;
	v8 =	vand.u32 $0xFFFF, v7  }
0x13d: {  	[tilespmem:v10+s11+$0x0] =	vst.idx.add.s32.msk $0xffff, v1;
	v10 =	vand.u32 $0xFFFF, v9  }
0x13e: {  	[tilespmem:v12+s11+$0x0] =	vst.idx.add.s32.msk $0xffff, v1;
	v12 =	vand.u32 $0xFFFF, v11  }
0x13f: {  	v2 =	vshrl.u32 v2, $0x10;
	[tilespmem:v13+s11+$0x0] =	vst.idx.add.s32.msk $0xffff, v1  }
0x140: {  	v3 =	vshrl.u32 v3, $0x10;
	[tilespmem:v14+s11+$0x0] =	vst.idx.add.s32.msk $0xffff, v1  }
0x141: {  	v4 =	vshrl.u32 v4, $0x10;
	[tilespmem:v8+s11+$0x0] =	vst.idx.add.s32.msk $0xffff, v1  }
0x142: {  	v5 =	vshrl.u32 v5, $0x10;
	[tilespmem:v10+s11+$0x0] =	vst.idx.add.s32.msk $0xffff, v1  }
0x143: {  	v6 =	vshrl.u32 v6, $0x10;
	[tilespmem:v12+s11+$0x0] =	vst.idx.add.s32.msk $0xffff, v1  }
0x144: {  	v7 =	vshrl.u32 v7, $0x10;
	[tilespmem:v2+s11+$0x0] =	vst.idx.add.s32.msk $0xffff, v1  }
0x145: {  	v2 =	vshrl.u32 v9, $0x10;
	[tilespmem:v3+s11+$0x0] =	vst.idx.add.s32.msk $0xffff, v1  }
0x146: {  	v3 =	vshrl.u32 v11, $0x10;
	[tilespmem:v4+s11+$0x0] =	vst.idx.add.s32.msk $0xffff, v1  }
0x147: {  	[tilespmem:v5+s11+$0x0] =	vst.idx.add.s32.msk $0xffff, v1  }
0x148: {  	[tilespmem:v6+s11+$0x0] =	vst.idx.add.s32.msk $0xffff, v1  }
0x149: {  	[tilespmem:v7+s11+$0x0] =	vst.idx.add.s32.msk $0xffff, v1  }
0x14a: {  	[tilespmem:v2+s11+$0x0] =	vst.idx.add.s32.msk $0xffff, v1  }
0x14b: {  	[tilespmem:v3+s11+$0x0] =	vst.idx.add.s32.msk $0xffff, v1  }
0x14c: {  	v2 =	vld [tilespmem:s17+$0x0]  }
0x14d: {  	v3 =	vld [tilespmem:s17+$0x10]  }
0x14e: {  	v4 =	vld [tilespmem:s17+$0x20]  }
0x14f: {  	v5 =	vld [tilespmem:s17+$0x30]  }
0x150: {  	v6 =	vld [tilespmem:s17+$0x40]  }
0x151: {  	v7 =	vld [tilespmem:s17+$0x50];
	v8 =	vand.u32 $0xFFFF, v2  }
0x152: {  	v9 =	vld [tilespmem:s17+$0x60];
	v10 =	vand.u32 $0xFFFF, v3  }
0x153: {  	v11 =	vld [tilespmem:s17+$0x70];
	v12 =	vand.u32 $0xFFFF, v4  }
0x154: {  	v13 =	vand.u32 $0xFFFF, v5  }
0x155: {  	v14 =	vand.u32 $0xFFFF, v6  }
0x156: {  	[tilespmem:v8+s11+$0x0] =	vst.idx.add.s32.msk $0xffff, v1;
	v8 =	vand.u32 $0xFFFF, v7  }
0x157: {  	[tilespmem:v10+s11+$0x0] =	vst.idx.add.s32.msk $0xffff, v1;
	v10 =	vand.u32 $0xFFFF, v9  }
0x158: {  	[tilespmem:v12+s11+$0x0] =	vst.idx.add.s32.msk $0xffff, v1;
	v12 =	vand.u32 $0xFFFF, v11  }
0x159: {  	v2 =	vshrl.u32 v2, $0x10;
	[tilespmem:v13+s11+$0x0] =	vst.idx.add.s32.msk $0xffff, v1  }
0x15a: {  	v3 =	vshrl.u32 v3, $0x10;
	[tilespmem:v14+s11+$0x0] =	vst.idx.add.s32.msk $0xffff, v1  }
0x15b: {  	v4 =	vshrl.u32 v4, $0x10;
	[tilespmem:v8+s11+$0x0] =	vst.idx.add.s32.msk $0xffff, v1  }
0x15c: {  	v5 =	vshrl.u32 v5, $0x10;
	[tilespmem:v10+s11+$0x0] =	vst.idx.add.s32.msk $0xffff, v1  }
0x15d: {  	v6 =	vshrl.u32 v6, $0x10;
	[tilespmem:v12+s11+$0x0] =	vst.idx.add.s32.msk $0xffff, v1  }
0x15e: {  	v7 =	vshrl.u32 v7, $0x10;
	[tilespmem:v2+s11+$0x0] =	vst.idx.add.s32.msk $0xffff, v1  }
0x15f: {  	v8 =	vshrl.u32 v9, $0x10;
	[tilespmem:v3+s11+$0x0] =	vst.idx.add.s32.msk $0xffff, v1  }
.Ltmp3:
0x160: {  	v2 =	vshrl.u32 v11, $0x10;
	[tilespmem:v4+s11+$0x0] =	vst.idx.add.s32.msk $0xffff, v1;
	(pc) =	sbr.rel @p0 .LBB2_8-.Ltmp3, $4  }
0x161: {  	[tilespmem:v5+s11+$0x0] =	vst.idx.add.s32.msk $0xffff, v1  }
0x162: {  	[tilespmem:v6+s11+$0x0] =	vst.idx.add.s32.msk $0xffff, v1  }
0x163: {  	[tilespmem:v7+s11+$0x0] =	vst.idx.add.s32.msk $0xffff, v1  }
0x164: {  	[tilespmem:v8+s11+$0x0] =	vst.idx.add.s32.msk $0xffff, v1  }
0x165: {  	_ =	sdelay $0x3  }
0x166: {  	[tilespmem:v2+s11+$0x0] =	vst.idx.add.s32.msk $0xffff, v1  }
0x167: {  	_ =	swait.ge [sflag:s12], $0x4000  }
0x168: {  	[sflag:s12] =	ssyncset.done $0x0  }
0x169: {  	s17 =	simm.s32 $0x4080;
	[sflag:s12] =	ssyncadd.s32 $0xFFFFC000  }
0x16a: {  	v2 =	vld [tilespmem:s17+$0xFFFFFF80]  }
0x16b: {  	v3 =	vld [tilespmem:s17+$0xFFFFFF90]  }
0x16c: {  	v4 =	vld [tilespmem:s17+$0xFFFFFFA0]  }
0x16d: {  	v5 =	vld [tilespmem:s17+$0xFFFFFFB0]  }
0x16e: {  	v6 =	vld [tilespmem:s17+$0xFFFFFFC0]  }
0x16f: {  	v7 =	vld [tilespmem:s17+$0xFFFFFFD0];
	v8 =	vand.u32 $0xFFFF, v2  }
0x170: {  	v9 =	vld [tilespmem:s17+$0xFFFFFFE0];
	v10 =	vand.u32 $0xFFFF, v3  }
0x171: {  	v11 =	vld [tilespmem:s17+$0xFFFFFFF0];
	v12 =	vand.u32 $0xFFFF, v4  }
0x172: {  	v13 =	vand.u32 $0xFFFF, v5  }
0x173: {  	v14 =	vand.u32 $0xFFFF, v6  }
0x174: {  	v50 =	vand.u32 $0xFFFF, v7;
	[tilespmem:v8+s11+$0x0] =	vst.idx.add.s32.msk $0xffff, v1  }
0x175: {  	v51 =	vand.u32 $0xFFFF, v9;
	[tilespmem:v10+s11+$0x0] =	vst.idx.add.s32.msk $0xffff, v1  }
0x176: {  	v52 =	vand.u32 $0xFFFF, v11;
	[tilespmem:v12+s11+$0x0] =	vst.idx.add.s32.msk $0xffff, v1  }
0x177: {  	v2 =	vshrl.u32 v2, $0x10;
	[tilespmem:v13+s11+$0x0] =	vst.idx.add.s32.msk $0xffff, v1  }
0x178: {  	v3 =	vshrl.u32 v3, $0x10;
	[tilespmem:v14+s11+$0x0] =	vst.idx.add.s32.msk $0xffff, v1  }
0x179: {  	v4 =	vshrl.u32 v4, $0x10;
	[tilespmem:v50+s11+$0x0] =	vst.idx.add.s32.msk $0xffff, v1  }
0x17a: {  	v5 =	vshrl.u32 v5, $0x10;
	[tilespmem:v51+s11+$0x0] =	vst.idx.add.s32.msk $0xffff, v1  }
0x17b: {  	v6 =	vshrl.u32 v6, $0x10;
	[tilespmem:v52+s11+$0x0] =	vst.idx.add.s32.msk $0xffff, v1  }
0x17c: {  	v7 =	vshrl.u32 v7, $0x10;
	[tilespmem:v2+s11+$0x0] =	vst.idx.add.s32.msk $0xffff, v1  }
0x17d: {  	v2 =	vshrl.u32 v9, $0x10;
	[tilespmem:v3+s11+$0x0] =	vst.idx.add.s32.msk $0xffff, v1  }
0x17e: {  	v3 =	vshrl.u32 v11, $0x10;
	[tilespmem:v4+s11+$0x0] =	vst.idx.add.s32.msk $0xffff, v1  }
0x17f: {  	[tilespmem:v5+s11+$0x0] =	vst.idx.add.s32.msk $0xffff, v1  }
0x180: {  	[tilespmem:v6+s11+$0x0] =	vst.idx.add.s32.msk $0xffff, v1  }
0x181: {  	[tilespmem:v7+s11+$0x0] =	vst.idx.add.s32.msk $0xffff, v1  }
0x182: {  	[tilespmem:v2+s11+$0x0] =	vst.idx.add.s32.msk $0xffff, v1  }
0x183: {  	[tilespmem:v3+s11+$0x0] =	vst.idx.add.s32.msk $0xffff, v1  }
0x184: {  	v2 =	vld [tilespmem:s17+$0x0]  }
0x185: {  	v3 =	vld [tilespmem:s17+$0x10]  }
0x186: {  	v4 =	vld [tilespmem:s17+$0x20]  }
0x187: {  	v5 =	vld [tilespmem:s17+$0x30]  }
0x188: {  	v6 =	vld [tilespmem:s17+$0x40]  }
0x189: {  	v7 =	vld [tilespmem:s17+$0x50];
	v53 =	vand.u32 $0xFFFF, v2  }
0x18a: {  	v54 =	vld [tilespmem:s17+$0x60];
	v55 =	vand.u32 $0xFFFF, v3  }
0x18b: {  	v56 =	vld [tilespmem:s17+$0x70];
	v57 =	vand.u32 $0xFFFF, v4  }
0x18c: {  	v58 =	vand.u32 $0xFFFF, v5  }
0x18d: {  	v59 =	vand.u32 $0xFFFF, v6  }
0x18e: {  	v60 =	vand.u32 $0xFFFF, v7;
	[tilespmem:v53+s11+$0x0] =	vst.idx.add.s32.msk $0xffff, v1  }
0x18f: {  	v61 =	vand.u32 $0xFFFF, v54;
	[tilespmem:v55+s11+$0x0] =	vst.idx.add.s32.msk $0xffff, v1  }
0x190: {  	v62 =	vand.u32 $0xFFFF, v56;
	[tilespmem:v57+s11+$0x0] =	vst.idx.add.s32.msk $0xffff, v1  }
0x191: {  	v2 =	vshrl.u32 v2, $0x10;
	[tilespmem:v58+s11+$0x0] =	vst.idx.add.s32.msk $0xffff, v1  }
0x192: {  	v3 =	vshrl.u32 v3, $0x10;
	[tilespmem:v59+s11+$0x0] =	vst.idx.add.s32.msk $0xffff, v1  }
0x193: {  	v4 =	vshrl.u32 v4, $0x10;
	[tilespmem:v60+s11+$0x0] =	vst.idx.add.s32.msk $0xffff, v1  }
0x194: {  	v5 =	vshrl.u32 v5, $0x10;
	[tilespmem:v61+s11+$0x0] =	vst.idx.add.s32.msk $0xffff, v1  }
0x195: {  	v6 =	vshrl.u32 v6, $0x10;
	[tilespmem:v62+s11+$0x0] =	vst.idx.add.s32.msk $0xffff, v1  }
0x196: {  	v7 =	vshrl.u32 v7, $0x10;
	[tilespmem:v2+s11+$0x0] =	vst.idx.add.s32.msk $0xffff, v1  }
0x197: {  	v63 =	vshrl.u32 v54, $0x10;
	[tilespmem:v3+s11+$0x0] =	vst.idx.add.s32.msk $0xffff, v1  }
0x198: {  	v2 =	vshrl.u32 v56, $0x10;
	[tilespmem:v4+s11+$0x0] =	vst.idx.add.s32.msk $0xffff, v1  }
0x199: {  	[tilespmem:v5+s11+$0x0] =	vst.idx.add.s32.msk $0xffff, v1  }
0x19a: {  	[tilespmem:v6+s11+$0x0] =	vst.idx.add.s32.msk $0xffff, v1  }
0x19b: {  	[tilespmem:v7+s11+$0x0] =	vst.idx.add.s32.msk $0xffff, v1  }
0x19c: {  	s18 =	simm.s32 $0x0;
	[tilespmem:v63+s11+$0x0] =	vst.idx.add.s32.msk $0xffff, v1  }
.LBB2_10:
0x19d: {  	s18 =	sadd.s32 $0x2, s18;
	[tilespmem:v2+s11+$0x0] =	vst.idx.add.s32.msk $0xffff, v1;
	s17 =	sadd.s32 $0x100, s17  }
0x19e: {  	v2 =	vld [tilespmem:s17+$0xFFFFFF80];
	p0 =	slt.u32 s18, $0x7E  }
0x19f: {  	v3 =	vld [tilespmem:s17+$0xFFFFFF90]  }
0x1a0: {  	v4 =	vld [tilespmem:s17+$0xFFFFFFA0]  }
0x1a1: {  	v5 =	vld [tilespmem:s17+$0xFFFFFFB0]  }
0x1a2: {  	v6 =	vld [tilespmem:s17+$0xFFFFFFC0]  }
0x1a3: {  	v7 =	vld [tilespmem:s17+$0xFFFFFFD0];
	v8 =	vand.u32 $0xFFFF, v2  }
0x1a4: {  	v9 =	vld [tilespmem:s17+$0xFFFFFFE0];
	v10 =	vand.u32 $0xFFFF, v3  }
0x1a5: {  	v11 =	vld [tilespmem:s17+$0xFFFFFFF0];
	v12 =	vand.u32 $0xFFFF, v4  }
0x1a6: {  	v13 =	vand.u32 $0xFFFF, v5  }
0x1a7: {  	v14 =	vand.u32 $0xFFFF, v6  }
0x1a8: {  	[tilespmem:v8+s11+$0x0] =	vst.idx.add.s32.msk $0xffff, v1;
	v8 =	vand.u32 $0xFFFF, v7  }
0x1a9: {  	[tilespmem:v10+s11+$0x0] =	vst.idx.add.s32.msk $0xffff, v1;
	v10 =	vand.u32 $0xFFFF, v9  }
0x1aa: {  	[tilespmem:v12+s11+$0x0] =	vst.idx.add.s32.msk $0xffff, v1;
	v12 =	vand.u32 $0xFFFF, v11  }
0x1ab: {  	v2 =	vshrl.u32 v2, $0x10;
	[tilespmem:v13+s11+$0x0] =	vst.idx.add.s32.msk $0xffff, v1  }
0x1ac: {  	v3 =	vshrl.u32 v3, $0x10;
	[tilespmem:v14+s11+$0x0] =	vst.idx.add.s32.msk $0xffff, v1  }
0x1ad: {  	v4 =	vshrl.u32 v4, $0x10;
	[tilespmem:v8+s11+$0x0] =	vst.idx.add.s32.msk $0xffff, v1  }
0x1ae: {  	v5 =	vshrl.u32 v5, $0x10;
	[tilespmem:v10+s11+$0x0] =	vst.idx.add.s32.msk $0xffff, v1  }
0x1af: {  	v6 =	vshrl.u32 v6, $0x10;
	[tilespmem:v12+s11+$0x0] =	vst.idx.add.s32.msk $0xffff, v1  }
0x1b0: {  	v7 =	vshrl.u32 v7, $0x10;
	[tilespmem:v2+s11+$0x0] =	vst.idx.add.s32.msk $0xffff, v1  }
0x1b1: {  	v2 =	vshrl.u32 v9, $0x10;
	[tilespmem:v3+s11+$0x0] =	vst.idx.add.s32.msk $0xffff, v1  }
0x1b2: {  	v3 =	vshrl.u32 v11, $0x10;
	[tilespmem:v4+s11+$0x0] =	vst.idx.add.s32.msk $0xffff, v1  }
0x1b3: {  	[tilespmem:v5+s11+$0x0] =	vst.idx.add.s32.msk $0xffff, v1  }
0x1b4: {  	[tilespmem:v6+s11+$0x0] =	vst.idx.add.s32.msk $0xffff, v1  }
0x1b5: {  	[tilespmem:v7+s11+$0x0] =	vst.idx.add.s32.msk $0xffff, v1  }
0x1b6: {  	[tilespmem:v2+s11+$0x0] =	vst.idx.add.s32.msk $0xffff, v1  }
0x1b7: {  	[tilespmem:v3+s11+$0x0] =	vst.idx.add.s32.msk $0xffff, v1  }
0x1b8: {  	v2 =	vld [tilespmem:s17+$0x0]  }
0x1b9: {  	v3 =	vld [tilespmem:s17+$0x10]  }
0x1ba: {  	v4 =	vld [tilespmem:s17+$0x20]  }
0x1bb: {  	v5 =	vld [tilespmem:s17+$0x30]  }
0x1bc: {  	v6 =	vld [tilespmem:s17+$0x40]  }
0x1bd: {  	v7 =	vld [tilespmem:s17+$0x50];
	v8 =	vand.u32 $0xFFFF, v2  }
0x1be: {  	v9 =	vld [tilespmem:s17+$0x60];
	v10 =	vand.u32 $0xFFFF, v3  }
0x1bf: {  	v11 =	vld [tilespmem:s17+$0x70];
	v12 =	vand.u32 $0xFFFF, v4  }
0x1c0: {  	v13 =	vand.u32 $0xFFFF, v5  }
0x1c1: {  	v14 =	vand.u32 $0xFFFF, v6  }
0x1c2: {  	[tilespmem:v8+s11+$0x0] =	vst.idx.add.s32.msk $0xffff, v1;
	v8 =	vand.u32 $0xFFFF, v7  }
0x1c3: {  	[tilespmem:v10+s11+$0x0] =	vst.idx.add.s32.msk $0xffff, v1;
	v10 =	vand.u32 $0xFFFF, v9  }
0x1c4: {  	[tilespmem:v12+s11+$0x0] =	vst.idx.add.s32.msk $0xffff, v1;
	v12 =	vand.u32 $0xFFFF, v11  }
0x1c5: {  	v2 =	vshrl.u32 v2, $0x10;
	[tilespmem:v13+s11+$0x0] =	vst.idx.add.s32.msk $0xffff, v1  }
0x1c6: {  	v3 =	vshrl.u32 v3, $0x10;
	[tilespmem:v14+s11+$0x0] =	vst.idx.add.s32.msk $0xffff, v1  }
0x1c7: {  	v4 =	vshrl.u32 v4, $0x10;
	[tilespmem:v8+s11+$0x0] =	vst.idx.add.s32.msk $0xffff, v1  }
0x1c8: {  	v5 =	vshrl.u32 v5, $0x10;
	[tilespmem:v10+s11+$0x0] =	vst.idx.add.s32.msk $0xffff, v1  }
0x1c9: {  	v6 =	vshrl.u32 v6, $0x10;
	[tilespmem:v12+s11+$0x0] =	vst.idx.add.s32.msk $0xffff, v1  }
0x1ca: {  	v7 =	vshrl.u32 v7, $0x10;
	[tilespmem:v2+s11+$0x0] =	vst.idx.add.s32.msk $0xffff, v1  }
0x1cb: {  	v8 =	vshrl.u32 v9, $0x10;
	[tilespmem:v3+s11+$0x0] =	vst.idx.add.s32.msk $0xffff, v1  }
.Ltmp4:
0x1cc: {  	v2 =	vshrl.u32 v11, $0x10;
	[tilespmem:v4+s11+$0x0] =	vst.idx.add.s32.msk $0xffff, v1;
	(pc) =	sbr.rel @p0 .LBB2_10-.Ltmp4, $4  }
0x1cd: {  	[tilespmem:v5+s11+$0x0] =	vst.idx.add.s32.msk $0xffff, v1  }
0x1ce: {  	[tilespmem:v6+s11+$0x0] =	vst.idx.add.s32.msk $0xffff, v1  }
0x1cf: {  	[tilespmem:v7+s11+$0x0] =	vst.idx.add.s32.msk $0xffff, v1  }
0x1d0: {  	[tilespmem:v8+s11+$0x0] =	vst.idx.add.s32.msk $0xffff, v1  }
0x1d1: {  	_ =	sdelay $0x1  }
0x1d2: {  	s16 =	sadd.s32 $0x1, s16  }
0x1d3: {  	p0 =	sne.s32 s16, s8  }
.Ltmp5:
0x1d4: {  	[tilespmem:v2+s11+$0x0] =	vst.idx.add.s32.msk $0xffff, v1;
	(pc) =	sbr.rel @p0 .LBB2_1-.Ltmp5, $4  }
0x1d5: {  	[hbm4b:s7+s13] =	stream.strided.scatter [tilespmem:s11], [sflag:$0x3], $0x8000, s14, s13, $0x38;
	[tilespmem:$0x10000] =	vst v63  }
0x1d6: {  	_ =	swait.ge [sflag:s15], $0x8000  }
0x1d7: {  	[sflag:s15] =	ssyncset.done $0x0  }
0x1d8: {  	[sflag:s15] =	ssyncadd.s32 $0xFFFF8000  }
0x1d9: {  	_ =	sfence.sel $0x180000  }
0x1da: {  	[bflag:$0x0] =	sbarrier.arrive $0xFFFF  }
0x1db: {  	p0 =	sne.s32 s1, $0x0;
	_ =	strace $0x90000047  }
0x1dc: {  	s0 =	sadd.s32 @!p0 $0x100000, s0;
	[bflag:$0x2] =	sbarrier.arrive $0xFFFF  }
0x1dd: {  	[sflag:s0] =	ssyncadd.tile.s32 @!p0 $0x1;
	_ =	shalt  }
.Lfunc_end2:
_tile_overlayer_lowered:
.L_overlay_start_2:
0x1de: {  	(tag) =	ssettag $0x2  }
0x1df: {  	s0 =	rddreg [dreg:$0x0];
	s2 =	stileid.u32  }
0x1e0: {  	s1 =	rddreg [dreg:$0x1];
	p0 =	sne.s32 s2, $0x0  }
0x1e1: {  	s3 =	rddreg [dreg:$0x2];
	[bflag:$0x3] =	sbarrier.arrive $0xFFFF;
	s2 =	simm.s32 @!p0 $0x1C03  }
0x1e2: {  	[timem:s3], [sflag:s2] =	dma.local @!p0 [hbm:s0], s1  }
0x1e3: {  	s0 =	simm.s32 @!p0 $0x3  }
0x1e4: {  	_ =	swait.ge @!p0 [sflag:s0], s1  }
0x1e5: {  	s1 =	ssub.s32 @!p0 $0x0, s1;
	[sflag:s0] =	ssyncset.done @!p0 $0x0  }
0x1e6: {  	[sflag:s0] =	ssyncadd.s32 @!p0 s1  }
0x1e7: {  	[bflag:$0x3] =	sbarrier.arrive $0xFFFF  }
0x1e8: {  	_ =	shalt  }

</sc_bundles>
